<compile_context>
chip_gen: v7x
topology: tpu7x:2x2x1
jax: 0.10.2.dev20260603
libtpu: 0.0.44.dev20260713+nightly
codegen_flags: <defaults>
</compile_context>

<pallas_src>
import functools

import jax
import jax.numpy as jnp
from jax import lax
from jax.experimental import pallas as pl
from jax.experimental.pallas import tpu as pltpu
from jax.experimental.pallas import tpu_sc as plsc

N_SC = 2
N_SUB = 16
LANES = 128
DUMMY = 16


def _sc_mesh():
    return plsc.VectorSubcoreMesh(core_axis_name="c", subcore_axis_name="s")


def _make_deg_kernel(n_nodes, ep_rows):
    rows_per_tile = ep_rows // (N_SC * N_SUB)
    acc_n = n_nodes + DUMMY

    @functools.partial(
        pl.kernel,
        out_type=jax.ShapeDtypeStruct((N_SC, n_nodes, LANES), jnp.float32),
        mesh=_sc_mesh(),
        scratch_types=[
            pltpu.VMEM((rows_per_tile, LANES), jnp.int32),
            pltpu.VMEM((LANES, LANES), jnp.float32),
            pltpu.VMEM_SHARED((acc_n, LANES), jnp.float32),
        ],
    )
    def deg_kernel(rowsp_hbm, zeros_hbm, out_hbm, idx_v, ones_v, acc):
        c = lax.axis_index("c")
        s = lax.axis_index("s")

        @pl.loop(0, LANES)
        def _(r):
            for j in range(LANES // 16):
                ones_v[r, pl.ds(j * 16, 16)] = jnp.full((16,), 1.0, jnp.float32)

        zi_rows = acc_n // N_SUB // 8 * 8
        zi_last = acc_n - (N_SUB - 1) * zi_rows

        @pl.when(s < N_SUB - 1)
        def _():
            pltpu.sync_copy(zeros_hbm.at[pl.ds(s * zi_rows, zi_rows)],
                            acc.at[pl.ds(s * zi_rows, zi_rows)])

        @pl.when(s == N_SUB - 1)
        def _():
            pltpu.sync_copy(zeros_hbm.at[pl.ds((N_SUB - 1) * zi_rows, zi_last)],
                            acc.at[pl.ds((N_SUB - 1) * zi_rows, zi_last)])

        base = (c * N_SUB + s) * rows_per_tile
        pltpu.sync_copy(rowsp_hbm.at[pl.ds(base, rows_per_tile)], idx_v)
        plsc.subcore_barrier()

        @pl.loop(0, rows_per_tile)
        def _(r):
            pltpu.sync_copy(ones_v, acc.at[idx_v.at[r]], add=True)

        plsc.subcore_barrier()

        wb_rows = n_nodes // N_SUB // 8 * 8
        wb_last = n_nodes - (N_SUB - 1) * wb_rows

        @pl.when(s < N_SUB - 1)
        def _():
            pltpu.sync_copy(acc.at[pl.ds(s * wb_rows, wb_rows)],
                            out_hbm.at[c].at[pl.ds(s * wb_rows, wb_rows)])

        @pl.when(s == N_SUB - 1)
        def _():
            pltpu.sync_copy(acc.at[pl.ds((N_SUB - 1) * wb_rows, wb_last)],
                            out_hbm.at[c].at[pl.ds((N_SUB - 1) * wb_rows, wb_last)])

    return deg_kernel


def _make_spmm_kernel(n_nodes, ep_rows, n_blocks):
    blocks_per_core = n_blocks // N_SC
    rows_per_tile = ep_rows // N_SUB
    wb_rows = (n_nodes // N_SUB) // 8 * 8
    wb_last = n_nodes - (N_SUB - 1) * wb_rows
    acc_n = n_nodes + DUMMY

    nbuf = 2
    grp_rows = 40
    n_grp = rows_per_tile // grp_rows

    @functools.partial(
        pl.kernel,
        out_type=jax.ShapeDtypeStruct((n_blocks * n_nodes, LANES), jnp.float32),
        mesh=_sc_mesh(),
        scratch_types=[
            pltpu.VMEM((grp_rows, LANES), jnp.int32),
            pltpu.VMEM((grp_rows, LANES), jnp.int32),
        ] + [pltpu.VMEM((LANES, LANES), jnp.float32) for _ in range(nbuf)]
          + [pltpu.VMEM_SHARED((acc_n, LANES), jnp.float32)]
          + [pltpu.SemaphoreType.DMA for _ in range(nbuf)],
    )
    def spmm_kernel(xp_hbm, rowsp_hbm, colsp_hbm, z_hbm, idx_c, idx_r,
                    gb0, gb1, acc, sm0, sm1):
        gb = [gb0, gb1]
        sm = [sm0, sm1]
        c = lax.axis_index("c")
        s = lax.axis_index("s")

        for bl in range(blocks_per_core):
            blk = c * blocks_per_core + bl
            @pl.when(s < N_SUB - 1)
            def _():
                pltpu.sync_copy(
                    xp_hbm.at[pl.ds(blk * n_nodes + s * wb_rows, wb_rows)],
                    acc.at[pl.ds(s * wb_rows, wb_rows)],
                )

            @pl.when(s == N_SUB - 1)
            def _():
                pltpu.sync_copy(
                    xp_hbm.at[pl.ds(blk * n_nodes + (N_SUB - 1) * wb_rows, wb_last)],
                    acc.at[pl.ds((N_SUB - 1) * wb_rows, wb_last)],
                )
            off = blk * n_nodes
            plsc.subcore_barrier()

            @pl.loop(0, n_grp)
            def _(g):
                ebase = s * rows_per_tile + g * grp_rows
                pltpu.sync_copy(colsp_hbm.at[pl.ds(ebase, grp_rows)], idx_c)
                pltpu.sync_copy(rowsp_hbm.at[pl.ds(ebase, grp_rows)], idx_r)

                @pl.loop(0, grp_rows)
                def _(r):
                    for j in range(LANES // 16):
                        sl = (r, pl.ds(j * 16, 16))
                        idx_c[sl] = idx_c[sl] + off

                for k in range(nbuf):
                    pltpu.async_copy(xp_hbm.at[idx_c.at[k]], gb[k], sm[k])

                @pl.loop(0, grp_rows - nbuf, step=nbuf)
                def _(r):
                    for k in range(nbuf):
                        pltpu.make_async_copy(
                            xp_hbm.at[idx_c.at[r + k]], gb[k], sm[k]).wait()
                        pltpu.sync_copy(gb[k], acc.at[idx_r.at[r + k]], add=True)
                        pltpu.async_copy(
                            xp_hbm.at[idx_c.at[r + nbuf + k]], gb[k], sm[k])

                for k in range(nbuf):
                    rr = grp_rows - nbuf + k
                    pltpu.make_async_copy(
                        xp_hbm.at[idx_c.at[rr]], gb[k], sm[k]).wait()
                    pltpu.sync_copy(gb[k], acc.at[idx_r.at[rr]], add=True)

            plsc.subcore_barrier()

            @pl.when(s < N_SUB - 1)
            def _():
                pltpu.sync_copy(
                    acc.at[pl.ds(s * wb_rows, wb_rows)],
                    z_hbm.at[pl.ds(blk * n_nodes + s * wb_rows, wb_rows)],
                )

            @pl.when(s == N_SUB - 1)
            def _():
                pltpu.sync_copy(
                    acc.at[pl.ds((N_SUB - 1) * wb_rows, wb_last)],
                    z_hbm.at[pl.ds(blk * n_nodes + (N_SUB - 1) * wb_rows, wb_last)],
                )

    return spmm_kernel


def _dis_scale_kernel(degp_ref, x_ref, dis_ref, xp_ref):
    deg = degp_ref[0][:, 0:1] + degp_ref[1][:, 0:1] + 1.0
    dis = lax.rsqrt(deg)
    dis_ref[...] = dis
    xp_ref[0] = x_ref[...] * dis


def _layer1_kernel(z_ref, x_ref, dis_ref, wl_ref, wh_ref, b_ref, a_ref,
                   h_ref, xp2_ref):
    dis = dis_ref[...]
    sh = jnp.concatenate([z_ref[0], z_ref[1]], axis=1) * dis
    alpha = 1.0 / (1.0 + jnp.exp(-a_ref[0, 0]))
    m1 = jnp.dot(sh, wl_ref[...], preferred_element_type=jnp.float32)
    m2 = jnp.dot(x_ref[...] - sh, wh_ref[...], preferred_element_type=jnp.float32)
    h = jnp.maximum(alpha * m1 + (1.0 - alpha) * m2 + b_ref[...], 0.0)
    h_ref[...] = h
    for j in range(4):
        xp2_ref[j] = h[:, j * LANES:(j + 1) * LANES] * dis


def _layer2_kernel(z_ref, h_ref, dis_ref, wl_ref, wh_ref, b_ref, a_ref, out_ref):
    dis = dis_ref[...]
    sh = jnp.concatenate([z_ref[j] for j in range(4)], axis=1) * dis
    alpha = 1.0 / (1.0 + jnp.exp(-a_ref[0, 0]))
    m1 = jnp.dot(sh, wl_ref[...], preferred_element_type=jnp.float32)
    m2 = jnp.dot(h_ref[...] - sh, wh_ref[...], preferred_element_type=jnp.float32)
    out_ref[...] = alpha * m1 + (1.0 - alpha) * m2 + b_ref[...]


def kernel(x, edge_index, W_LP1, W_HP1, b1, a1, W_LP2, W_HP2, b2, a2):
    n, f_in = x.shape
    hid = W_LP1.shape[1]
    c_out = W_LP2.shape[1]
    e = edge_index.shape[1]
    nb1 = f_in // LANES
    nb2 = hid // LANES
    rb = 1000
    n_rb = n // rb

    ep_rows = -(-e // (N_SUB * LANES * 2)) * (N_SUB * 2)
    pad = ep_rows * LANES - e
    rows = edge_index[0]
    cols = edge_index[1]
    pad_ix = lax.iota(jnp.int32, pad)
    rowsp = jnp.concatenate([rows, n + (pad_ix % DUMMY)]).reshape(ep_rows, LANES)
    colsp = jnp.concatenate([cols, pad_ix % n]).reshape(ep_rows, LANES)
    zeros_wide = jnp.zeros((n + DUMMY, LANES), jnp.float32)

    degp = _make_deg_kernel(n, ep_rows)(rowsp, zeros_wide)

    dis, xp1 = pl.pallas_call(
        _dis_scale_kernel,
        grid=(n_rb, nb1),
        in_specs=[
            pl.BlockSpec((N_SC, rb, LANES), lambda i, b: (0, i, 0)),
            pl.BlockSpec((rb, LANES), lambda i, b: (i, b)),
        ],
        out_specs=[
            pl.BlockSpec((rb, 1), lambda i, b: (i, 0)),
            pl.BlockSpec((1, rb, LANES), lambda i, b: (b, i, 0)),
        ],
        out_shape=[
            jax.ShapeDtypeStruct((n, 1), jnp.float32),
            jax.ShapeDtypeStruct((nb1, n, LANES), jnp.float32),
        ],
    )(degp, x)

    z1 = _make_spmm_kernel(n, ep_rows, nb1)(
        xp1.reshape(nb1 * n, LANES), rowsp, colsp)

    h, xp2 = pl.pallas_call(
        _layer1_kernel,
        grid=(n_rb,),
        in_specs=[
            pl.BlockSpec((nb1, rb, LANES), lambda i: (0, i, 0)),
            pl.BlockSpec((rb, f_in), lambda i: (i, 0)),
            pl.BlockSpec((rb, 1), lambda i: (i, 0)),
            pl.BlockSpec((f_in, hid), lambda i: (0, 0)),
            pl.BlockSpec((f_in, hid), lambda i: (0, 0)),
            pl.BlockSpec((hid,), lambda i: (0,)),
            pl.BlockSpec((1, 1), lambda i: (0, 0)),
        ],
        out_specs=[
            pl.BlockSpec((rb, hid), lambda i: (i, 0)),
            pl.BlockSpec((nb2, rb, LANES), lambda i: (0, i, 0)),
        ],
        out_shape=[
            jax.ShapeDtypeStruct((n, hid), jnp.float32),
            jax.ShapeDtypeStruct((nb2, n, LANES), jnp.float32),
        ],
    )(z1.reshape(nb1, n, LANES), x, dis, W_LP1, W_HP1, b1, a1.reshape(1, 1))

    z2 = _make_spmm_kernel(n, ep_rows, nb2)(
        xp2.reshape(nb2 * n, LANES), rowsp, colsp)

    out = pl.pallas_call(
        _layer2_kernel,
        grid=(n_rb,),
        in_specs=[
            pl.BlockSpec((nb2, rb, LANES), lambda i: (0, i, 0)),
            pl.BlockSpec((rb, hid), lambda i: (i, 0)),
            pl.BlockSpec((rb, 1), lambda i: (i, 0)),
            pl.BlockSpec((hid, c_out), lambda i: (0, 0)),
            pl.BlockSpec((hid, c_out), lambda i: (0, 0)),
            pl.BlockSpec((c_out,), lambda i: (0,)),
            pl.BlockSpec((1, 1), lambda i: (0, 0)),
        ],
        out_specs=pl.BlockSpec((rb, c_out), lambda i: (i, 0)),
        out_shape=jax.ShapeDtypeStruct((n, c_out), jnp.float32),
    )(z2.reshape(nb2, n, LANES), h, dis, W_LP2, W_HP2, b2, a2.reshape(1, 1))

    return out

# --- scband reference (transcript-rebuilt; emitter-appended) ---
"""Pipeline reference for scband-adaptive-mix-gnn-17987323036320 (READ-ONLY COPY).

The authoritative reference and input builder live on the scoring server;
editing this copy changes nothing except your own understanding.
"""

import jax, jax.numpy as jnp
import numpy as np

N = 10000
E = 160000
F_IN = 256
HID = 512
C = 40


def _xavier(key, fan_in, fan_out):
    limit = float(np.sqrt(6.0 / (fan_in + fan_out)))
    return jax.random.uniform(key, (fan_in, fan_out), jnp.float32, -limit, limit)


def setup_inputs(seed: int = 0) -> dict:
    key = jax.random.key(seed)
    ks = jax.random.split(key, 8)
    x = jax.random.normal(ks[0], (N, F_IN), dtype=jnp.float32)
    edge_index = jax.random.randint(ks[1], (2, E), 0, N, dtype=jnp.int32)
    W_LP1 = _xavier(ks[2], F_IN, HID)
    W_HP1 = _xavier(ks[3], F_IN, HID)
    b1 = jnp.zeros((HID,), jnp.float32)
    a1 = jnp.zeros((1,), jnp.float32)
    W_LP2 = _xavier(ks[4], HID, C)
    W_HP2 = _xavier(ks[5], HID, C)
    b2 = jnp.zeros((C,), jnp.float32)
    a2 = jnp.zeros((1,), jnp.float32)
    return {"x": x, "edge_index": edge_index,
            "W_LP1": W_LP1, "W_HP1": W_HP1, "b1": b1, "a1": a1,
            "W_LP2": W_LP2, "W_HP2": W_HP2, "b2": b2, "a2": a2}


def reference(x, edge_index, W_LP1, W_HP1, b1, a1, W_LP2, W_HP2, b2, a2):
    # Pre-compute GCN-normalized low-pass operator edges (with self-loops).
    loop = jnp.arange(N, dtype=edge_index.dtype)
    rows = jnp.concatenate([edge_index[0], loop])
    cols = jnp.concatenate([edge_index[1], loop])
    deg = jnp.zeros((N,), jnp.float32).at[rows].add(1.0)
    deg_inv_sqrt = jnp.where(deg > 0, deg ** -0.5, 0.0)
    w = deg_inv_sqrt[rows] * deg_inv_sqrt[cols]

    def spmm_lp(X):
        # (S_LP @ X)[i] = sum over edges (i<-j) of w * X[j]
        return jnp.zeros((N, X.shape[1]), X.dtype).at[rows].add(w[:, None] * X[cols])

    def layer(h, W_LP, W_HP, b, a_raw, act):
        h_lp = spmm_lp(h) @ W_LP
        # S_HP = I - S_LP  =>  S_HP @ h = h - S_LP @ h
        h_hp = (h - spmm_lp(h)) @ W_HP
        alpha = jax.nn.sigmoid(a_raw)
        out = alpha * h_lp + (1.0 - alpha) * h_hp + b
        return jax.nn.relu(out) if act else out

    h = layer(x, W_LP1, W_HP1, b1, a1, True)
    h = layer(h, W_LP2, W_HP2, b2, a2, False)
    return h

if __name__ == "__main__":
    import jax
    _d = setup_inputs()
    print(jax.jit(kernel)(*tuple(_d.values())))

</pallas_src>

<mosaic_0001>
#map = affine_map<(d0, d1) -> (0, 0)>
#map1 = affine_map<(d0, d1) -> (0, 0, 0)>
module attributes {stable_mosaic.version = 14 : i64} {
  func.func @deg_kernel(%arg0: i32, %arg1: i32, %arg2: memref<1280x128xi32, #tpu.memory_space<hbm>>, %arg3: memref<10016x128xf32, #tpu.memory_space<hbm>>, %arg4: memref<2x10000x128xf32, #tpu.memory_space<hbm>>, %arg5: memref<40x128xi32, #tpu.memory_space<vmem>>, %arg6: memref<128x128xf32, #tpu.memory_space<vmem>>, %arg7: memref<10016x128xf32, #tpu.memory_space<vmem_shared>>) attributes {dimension_semantics = [#tpu.dimension_semantics<core_parallel>, #tpu.dimension_semantics<subcore_parallel>], iteration_bounds = array<i64: 2, 16>, scalar_prefetch = 0 : i64, scratch_operands = 3 : i64, tpu.core_type = #tpu.core_type<sc_vector_subcore>, window_params = [{transform_indices = #map}, {transform_indices = #map}, {transform_indices = #map1}]} {
    %scan3A = arith.constant 0 : i32
    %scan3A_0 = arith.constant 128 : i32
    %scan3A_1 = arith.addi %scan3A, %scan3A_0 : i32
    %scan3A_2 = arith.constant 1 : i32
    scf.for %scan3A_29 = %scan3A to %scan3A_1 step %scan3A_2  : i32 {
      %mul3A_30 = arith.constant 1 : i32
      %mul3A_31 = arith.muli %scan3A_29, %mul3A_30 : i32
      %add3A_32 = arith.constant 0 : i32
      %add3A_33 = arith.addi %add3A_32, %mul3A_31 : i32
      %broadcast_in_dim3A = arith.constant 1.000000e+00 : f32
      %broadcast_in_dim3A_34 = vector.broadcast %broadcast_in_dim3A : f32 to vector<16xf32>
      %swap3A = arith.index_cast %add3A_33 : i32 to index
      %swap3A_35 = arith.constant 0 : index
      %swap3A_36 = tpu.vector_load %arg6[%swap3A, %swap3A_35] {strides = array<i32>} : memref<128x128xf32, #tpu.memory_space<vmem>>, vector<1x16xf32>,
      %swap3A_37 = vector.shape_cast %swap3A_36 : vector<1x16xf32> to vector<16xf32>
      %swap3A_38 = vector.shape_cast %broadcast_in_dim3A_34 : vector<16xf32> to vector<1x16xf32>
      tpu.vector_store %arg6[%swap3A, %swap3A_35], %swap3A_38 {strides = array<i32>} : memref<128x128xf32, #tpu.memory_space<vmem>>, vector<1x16xf32>,
      %broadcast_in_dim3A_39 = arith.constant 1.000000e+00 : f32
      %broadcast_in_dim3A_40 = vector.broadcast %broadcast_in_dim3A_39 : f32 to vector<16xf32>
      %swap3A_41 = arith.index_cast %add3A_33 : i32 to index
      %swap3A_42 = arith.constant 16 : index
      %swap3A_43 = tpu.vector_load %arg6[%swap3A_41, %swap3A_42] {strides = array<i32>} : memref<128x128xf32, #tpu.memory_space<vmem>>, vector<1x16xf32>,
      %swap3A_44 = vector.shape_cast %swap3A_43 : vector<1x16xf32> to vector<16xf32>
      %swap3A_45 = vector.shape_cast %broadcast_in_dim3A_40 : vector<16xf32> to vector<1x16xf32>
      tpu.vector_store %arg6[%swap3A_41, %swap3A_42], %swap3A_45 {strides = array<i32>} : memref<128x128xf32, #tpu.memory_space<vmem>>, vector<1x16xf32>,
      %broadcast_in_dim3A_46 = arith.constant 1.000000e+00 : f32
      %broadcast_in_dim3A_47 = vector.broadcast %broadcast_in_dim3A_46 : f32 to vector<16xf32>
      %swap3A_48 = arith.index_cast %add3A_33 : i32 to index
      %swap3A_49 = arith.constant 32 : index
      %swap3A_50 = tpu.vector_load %arg6[%swap3A_48, %swap3A_49] {strides = array<i32>} : memref<128x128xf32, #tpu.memory_space<vmem>>, vector<1x16xf32>,
      %swap3A_51 = vector.shape_cast %swap3A_50 : vector<1x16xf32> to vector<16xf32>
      %swap3A_52 = vector.shape_cast %broadcast_in_dim3A_47 : vector<16xf32> to vector<1x16xf32>
      tpu.vector_store %arg6[%swap3A_48, %swap3A_49], %swap3A_52 {strides = array<i32>} : memref<128x128xf32, #tpu.memory_space<vmem>>, vector<1x16xf32>,
      %broadcast_in_dim3A_53 = arith.constant 1.000000e+00 : f32
      %broadcast_in_dim3A_54 = vector.broadcast %broadcast_in_dim3A_53 : f32 to vector<16xf32>
      %swap3A_55 = arith.index_cast %add3A_33 : i32 to index
      %swap3A_56 = arith.constant 48 : index
      %swap3A_57 = tpu.vector_load %arg6[%swap3A_55, %swap3A_56] {strides = array<i32>} : memref<128x128xf32, #tpu.memory_space<vmem>>, vector<1x16xf32>,
      %swap3A_58 = vector.shape_cast %swap3A_57 : vector<1x16xf32> to vector<16xf32>
      %swap3A_59 = vector.shape_cast %broadcast_in_dim3A_54 : vector<16xf32> to vector<1x16xf32>
      tpu.vector_store %arg6[%swap3A_55, %swap3A_56], %swap3A_59 {strides = array<i32>} : memref<128x128xf32, #tpu.memory_space<vmem>>, vector<1x16xf32>,
      %broadcast_in_dim3A_60 = arith.constant 1.000000e+00 : f32
      %broadcast_in_dim3A_61 = vector.broadcast %broadcast_in_dim3A_60 : f32 to vector<16xf32>
      %swap3A_62 = arith.index_cast %add3A_33 : i32 to index
      %swap3A_63 = arith.constant 64 : index
      %swap3A_64 = tpu.vector_load %arg6[%swap3A_62, %swap3A_63] {strides = array<i32>} : memref<128x128xf32, #tpu.memory_space<vmem>>, vector<1x16xf32>,
      %swap3A_65 = vector.shape_cast %swap3A_64 : vector<1x16xf32> to vector<16xf32>
      %swap3A_66 = vector.shape_cast %broadcast_in_dim3A_61 : vector<16xf32> to vector<1x16xf32>
      tpu.vector_store %arg6[%swap3A_62, %swap3A_63], %swap3A_66 {strides = array<i32>} : memref<128x128xf32, #tpu.memory_space<vmem>>, vector<1x16xf32>,
      %broadcast_in_dim3A_67 = arith.constant 1.000000e+00 : f32
      %broadcast_in_dim3A_68 = vector.broadcast %broadcast_in_dim3A_67 : f32 to vector<16xf32>
      %swap3A_69 = arith.index_cast %add3A_33 : i32 to index
      %swap3A_70 = arith.constant 80 : index
      %swap3A_71 = tpu.vector_load %arg6[%swap3A_69, %swap3A_70] {strides = array<i32>} : memref<128x128xf32, #tpu.memory_space<vmem>>, vector<1x16xf32>,
      %swap3A_72 = vector.shape_cast %swap3A_71 : vector<1x16xf32> to vector<16xf32>
      %swap3A_73 = vector.shape_cast %broadcast_in_dim3A_68 : vector<16xf32> to vector<1x16xf32>
      tpu.vector_store %arg6[%swap3A_69, %swap3A_70], %swap3A_73 {strides = array<i32>} : memref<128x128xf32, #tpu.memory_space<vmem>>, vector<1x16xf32>,
      %broadcast_in_dim3A_74 = arith.constant 1.000000e+00 : f32
      %broadcast_in_dim3A_75 = vector.broadcast %broadcast_in_dim3A_74 : f32 to vector<16xf32>
      %swap3A_76 = arith.index_cast %add3A_33 : i32 to index
      %swap3A_77 = arith.constant 96 : index
      %swap3A_78 = tpu.vector_load %arg6[%swap3A_76, %swap3A_77] {strides = array<i32>} : memref<128x128xf32, #tpu.memory_space<vmem>>, vector<1x16xf32>,
      %swap3A_79 = vector.shape_cast %swap3A_78 : vector<1x16xf32> to vector<16xf32>
      %swap3A_80 = vector.shape_cast %broadcast_in_dim3A_75 : vector<16xf32> to vector<1x16xf32>
      tpu.vector_store %arg6[%swap3A_76, %swap3A_77], %swap3A_80 {strides = array<i32>} : memref<128x128xf32, #tpu.memory_space<vmem>>, vector<1x16xf32>,
      %broadcast_in_dim3A_81 = arith.constant 1.000000e+00 : f32
      %broadcast_in_dim3A_82 = vector.broadcast %broadcast_in_dim3A_81 : f32 to vector<16xf32>
      %swap3A_83 = arith.index_cast %add3A_33 : i32 to index
      %swap3A_84 = arith.constant 112 : index
      %swap3A_85 = tpu.vector_load %arg6[%swap3A_83, %swap3A_84] {strides = array<i32>} : memref<128x128xf32, #tpu.memory_space<vmem>>, vector<1x16xf32>,
      %swap3A_86 = vector.shape_cast %swap3A_85 : vector<1x16xf32> to vector<16xf32>
      %swap3A_87 = vector.shape_cast %broadcast_in_dim3A_82 : vector<16xf32> to vector<1x16xf32>
      tpu.vector_store %arg6[%swap3A_83, %swap3A_84], %swap3A_87 {strides = array<i32>} : memref<128x128xf32, #tpu.memory_space<vmem>>, vector<1x16xf32>,
    }
    %scan3A_3 = arith.constant 128 : i32
    %lt3A = arith.constant 15 : i32
    %lt3A_4 = arith.cmpi slt, %arg1, %lt3A : i32
    %convert_element_type3A = arith.extui %lt3A_4 : i1 to i32
    %cond3A = arith.constant 0 : i32
    %cond3A_5 = arith.cmpi ne, %convert_element_type3A, %cond3A : i32
    scf.if %cond3A_5 {
      %mul3A_29 = arith.constant 624 : i32
      %mul3A_30 = arith.muli %arg1, %mul3A_29 : i32
      %mul3A_31 = arith.constant 624 : i32
      %mul3A_32 = arith.muli %arg1, %mul3A_31 : i32
      "tpu.region"() ({
        %run_scoped3A = tpu.sem_alloc : memref<!tpu.dma_semaphore, #tpu.memory_space<semaphore_mem>>
        %dma_start3A = arith.constant 0 : i32
        %dma_start3A_33 = tpu.memref_slice %arg7[%mul3A_32, %dma_start3A] : memref<10016x128xf32, #tpu.memory_space<vmem_shared>> -> memref<624x128xf32, #tpu.memory_space<vmem_shared>>
        %dma_start3A_34 = arith.constant 0 : i32
        %dma_start3A_35 = tpu.memref_slice %arg3[%mul3A_30, %dma_start3A_34] : memref<10016x128xf32, #tpu.memory_space<hbm>> -> memref<624x128xf32, #tpu.memory_space<hbm>>
        tpu.enqueue_dma source(%dma_start3A_35 : memref<624x128xf32, #tpu.memory_space<hbm>>) target(%dma_start3A_33 : memref<624x128xf32, #tpu.memory_space<vmem_shared>>) target_semaphore(%run_scoped3A : memref<!tpu.dma_semaphore, #tpu.memory_space<semaphore_mem>>)
        %dma_wait3A = arith.constant 0 : i32
        %dma_wait3A_36 = tpu.memref_slice %arg7[%mul3A_32, %dma_wait3A] : memref<10016x128xf32, #tpu.memory_space<vmem_shared>> -> memref<624x128xf32, #tpu.memory_space<vmem_shared>>
        %dma_wait3A_37 = arith.constant 0 : i32
        %dma_wait3A_38 = tpu.memref_slice %arg3[%mul3A_30, %dma_wait3A_37] : memref<10016x128xf32, #tpu.memory_space<hbm>> -> memref<624x128xf32, #tpu.memory_space<hbm>>
        tpu.wait_dma2 semaphore(%run_scoped3A : memref<!tpu.dma_semaphore, #tpu.memory_space<semaphore_mem>>) src(%dma_wait3A_38 : memref<624x128xf32, #tpu.memory_space<hbm>>) dst(%dma_wait3A_36 : memref<624x128xf32, #tpu.memory_space<vmem_shared>>)
        tpu.yield
      }) : () -> ()
    } else {
    }
    %eq3A = arith.constant 15 : i32
    %eq3A_6 = arith.cmpi eq, %arg1, %eq3A : i32
    %convert_element_type3A_7 = arith.extui %eq3A_6 : i1 to i32
    %cond3A_8 = arith.constant 0 : i32
    %cond3A_9 = arith.cmpi ne, %convert_element_type3A_7, %cond3A_8 : i32
    scf.if %cond3A_9 {
      "tpu.region"() ({
        %run_scoped3A = tpu.sem_alloc : memref<!tpu.dma_semaphore, #tpu.memory_space<semaphore_mem>>
        %dma_start3A = arith.constant 9360 : i32
        %dma_start3A_29 = arith.constant 0 : i32
        %dma_start3A_30 = tpu.memref_slice %arg7[%dma_start3A, %dma_start3A_29] : memref<10016x128xf32, #tpu.memory_space<vmem_shared>> -> memref<656x128xf32, #tpu.memory_space<vmem_shared>>
        %dma_start3A_31 = arith.constant 9360 : i32
        %dma_start3A_32 = arith.constant 0 : i32
        %dma_start3A_33 = tpu.memref_slice %arg3[%dma_start3A_31, %dma_start3A_32] : memref<10016x128xf32, #tpu.memory_space<hbm>> -> memref<656x128xf32, #tpu.memory_space<hbm>>
        tpu.enqueue_dma source(%dma_start3A_33 : memref<656x128xf32, #tpu.memory_space<hbm>>) target(%dma_start3A_30 : memref<656x128xf32, #tpu.memory_space<vmem_shared>>) target_semaphore(%run_scoped3A : memref<!tpu.dma_semaphore, #tpu.memory_space<semaphore_mem>>)
        %dma_wait3A = arith.constant 9360 : i32
        %dma_wait3A_34 = arith.constant 0 : i32
        %dma_wait3A_35 = tpu.memref_slice %arg7[%dma_wait3A, %dma_wait3A_34] : memref<10016x128xf32, #tpu.memory_space<vmem_shared>> -> memref<656x128xf32, #tpu.memory_space<vmem_shared>>
        %dma_wait3A_36 = arith.constant 9360 : i32
        %dma_wait3A_37 = arith.constant 0 : i32
        %dma_wait3A_38 = tpu.memref_slice %arg3[%dma_wait3A_36, %dma_wait3A_37] : memref<10016x128xf32, #tpu.memory_space<hbm>> -> memref<656x128xf32, #tpu.memory_space<hbm>>
        tpu.wait_dma2 semaphore(%run_scoped3A : memref<!tpu.dma_semaphore, #tpu.memory_space<semaphore_mem>>) src(%dma_wait3A_38 : memref<656x128xf32, #tpu.memory_space<hbm>>) dst(%dma_wait3A_35 : memref<656x128xf32, #tpu.memory_space<vmem_shared>>)
        tpu.yield
      }) : () -> ()
    } else {
    }
    %mul3A = arith.constant 16 : i32
    %mul3A_10 = arith.muli %arg0, %mul3A : i32
    %add3A = arith.addi %mul3A_10, %arg1 : i32
    %mul3A_11 = arith.constant 40 : i32
    %mul3A_12 = arith.muli %add3A, %mul3A_11 : i32
    "tpu.region"() ({
      %run_scoped3A = tpu.sem_alloc : memref<!tpu.dma_semaphore, #tpu.memory_space<semaphore_mem>>
      %dma_start3A = arith.constant 0 : i32
      %dma_start3A_29 = tpu.memref_slice %arg2[%mul3A_12, %dma_start3A] : memref<1280x128xi32, #tpu.memory_space<hbm>> -> memref<40x128xi32, #tpu.memory_space<hbm>>
      %dma_start3A_30 = arith.constant 0 : i32
      %dma_start3A_31 = tpu.memref_slice %arg2[%mul3A_12, %dma_start3A_30] : memref<1280x128xi32, #tpu.memory_space<hbm>> -> memref<40x128xi32, #tpu.memory_space<hbm>>
      tpu.enqueue_dma source(%dma_start3A_31 : memref<40x128xi32, #tpu.memory_space<hbm>>) target(%arg5 : memref<40x128xi32, #tpu.memory_space<vmem>>) target_semaphore(%run_scoped3A : memref<!tpu.dma_semaphore, #tpu.memory_space<semaphore_mem>>)
      %dma_wait3A = arith.constant 0 : i32
      %dma_wait3A_32 = tpu.memref_slice %arg2[%mul3A_12, %dma_wait3A] : memref<1280x128xi32, #tpu.memory_space<hbm>> -> memref<40x128xi32, #tpu.memory_space<hbm>>
      %dma_wait3A_33 = arith.constant 0 : i32
      %dma_wait3A_34 = tpu.memref_slice %arg2[%mul3A_12, %dma_wait3A_33] : memref<1280x128xi32, #tpu.memory_space<hbm>> -> memref<40x128xi32, #tpu.memory_space<hbm>>
      tpu.wait_dma2 semaphore(%run_scoped3A : memref<!tpu.dma_semaphore, #tpu.memory_space<semaphore_mem>>) src(%dma_wait3A_34 : memref<40x128xi32, #tpu.memory_space<hbm>>) dst(%arg5 : memref<40x128xi32, #tpu.memory_space<vmem>>)
      tpu.yield
    }) : () -> ()
    %barrier3A = arith.constant 0 : index
    tpu.barrier barrier_id(%barrier3A)
    %scan3A_13 = arith.constant 0 : i32
    %scan3A_14 = arith.constant 40 : i32
    %scan3A_15 = arith.addi %scan3A_13, %scan3A_14 : i32
    %scan3A_16 = arith.constant 1 : i32
    scf.for %scan3A_29 = %scan3A_13 to %scan3A_15 step %scan3A_16  : i32 {
      %mul3A_30 = arith.constant 1 : i32
      %mul3A_31 = arith.muli %scan3A_29, %mul3A_30 : i32
      %add3A_32 = arith.constant 0 : i32
      %add3A_33 = arith.addi %add3A_32, %mul3A_31 : i32
      "tpu.region"() ({
        %run_scoped3A = tpu.sem_alloc : memref<!tpu.dma_semaphore, #tpu.memory_space<semaphore_mem>>
        %dma_start3A = arith.constant 0 : i32
        %dma_start3A_34 = tpu.memref_slice %arg5[%add3A_33, %dma_start3A] : memref<40x128xi32, #tpu.memory_space<vmem>> -> memref<1x128xi32, #tpu.memory_space<vmem>>
        %dma_start3A_35 = tpu.memref_squeeze %dma_start3A_34 : memref<1x128xi32, #tpu.memory_space<vmem>> -> memref<128xi32, #tpu.memory_space<vmem>>
        %dma_start3A_36 = arith.constant 0 : i32
        %dma_start3A_37 = arith.constant 0 : i32
        %dma_start3A_38 = tpu.memref_slice %arg7[%dma_start3A_36, %dma_start3A_37] : memref<10016x128xf32, #tpu.memory_space<vmem_shared>> -> memref<10016x128xf32, #tpu.memory_space<vmem_shared>>
        tpu.enqueue_indirect_dma source(%arg6 : memref<128x128xf32, #tpu.memory_space<vmem>>) target(%dma_start3A_38 : memref<10016x128xf32, #tpu.memory_space<vmem_shared>>) offsets(%dma_start3A_35 : memref<128xi32, #tpu.memory_space<vmem>>) semaphore(%run_scoped3A : memref<!tpu.dma_semaphore, #tpu.memory_space<semaphore_mem>>) {add = true}
        %dma_wait3A = arith.constant 0 : i32
        %dma_wait3A_39 = tpu.memref_slice %arg5[%add3A_33, %dma_wait3A] : memref<40x128xi32, #tpu.memory_space<vmem>> -> memref<1x128xi32, #tpu.memory_space<vmem>>
        %dma_wait3A_40 = tpu.memref_squeeze %dma_wait3A_39 : memref<1x128xi32, #tpu.memory_space<vmem>> -> memref<128xi32, #tpu.memory_space<vmem>>
        %dma_wait3A_41 = arith.constant 0 : i32
        %dma_wait3A_42 = arith.constant 0 : i32
        %dma_wait3A_43 = tpu.memref_slice %arg7[%dma_wait3A_41, %dma_wait3A_42] : memref<10016x128xf32, #tpu.memory_space<vmem_shared>> -> memref<10016x128xf32, #tpu.memory_space<vmem_shared>>
        tpu.wait_indirect_dma semaphore(%run_scoped3A : memref<!tpu.dma_semaphore, #tpu.memory_space<semaphore_mem>>) src(%arg6 : memref<128x128xf32, #tpu.memory_space<vmem>>) dst(%dma_wait3A_43 : memref<10016x128xf32, #tpu.memory_space<vmem_shared>>)
        tpu.yield
      }) : () -> ()
    }
    %scan3A_17 = arith.constant 40 : i32
    %barrier3A_18 = arith.constant 0 : index
    tpu.barrier barrier_id(%barrier3A_18)
    %lt3A_19 = arith.constant 15 : i32
    %lt3A_20 = arith.cmpi slt, %arg1, %lt3A_19 : i32
    %convert_element_type3A_21 = arith.extui %lt3A_20 : i1 to i32
    %cond3A_22 = arith.constant 0 : i32
    %cond3A_23 = arith.cmpi ne, %convert_element_type3A_21, %cond3A_22 : i32
    scf.if %cond3A_23 {
      %mul3A_29 = arith.constant 624 : i32
      %mul3A_30 = arith.muli %arg1, %mul3A_29 : i32
      %mul3A_31 = arith.constant 624 : i32
      %mul3A_32 = arith.muli %arg1, %mul3A_31 : i32
      "tpu.region"() ({
        %run_scoped3A = tpu.sem_alloc : memref<!tpu.dma_semaphore, #tpu.memory_space<semaphore_mem>>
        %dma_start3A = arith.constant 0 : i32
        %dma_start3A_33 = arith.constant 0 : i32
        %dma_start3A_34 = tpu.memref_slice %arg4[%arg0, %dma_start3A, %dma_start3A_33] : memref<2x10000x128xf32, #tpu.memory_space<hbm>> -> memref<1x10000x128xf32, #tpu.memory_space<hbm>>
        %dma_start3A_35 = tpu.memref_squeeze %dma_start3A_34 : memref<1x10000x128xf32, #tpu.memory_space<hbm>> -> memref<10000x128xf32, #tpu.memory_space<hbm>>
        %dma_start3A_36 = arith.constant 0 : i32
        %dma_start3A_37 = tpu.memref_slice %dma_start3A_35[%mul3A_32, %dma_start3A_36] : memref<10000x128xf32, #tpu.memory_space<hbm>> -> memref<624x128xf32, #tpu.memory_space<hbm>>
        %dma_start3A_38 = arith.constant 0 : i32
        %dma_start3A_39 = tpu.memref_slice %arg7[%mul3A_30, %dma_start3A_38] : memref<10016x128xf32, #tpu.memory_space<vmem_shared>> -> memref<624x128xf32, #tpu.memory_space<vmem_shared>>
        tpu.enqueue_dma source(%dma_start3A_39 : memref<624x128xf32, #tpu.memory_space<vmem_shared>>) target(%dma_start3A_37 : memref<624x128xf32, #tpu.memory_space<hbm>>) target_semaphore(%run_scoped3A : memref<!tpu.dma_semaphore, #tpu.memory_space<semaphore_mem>>)
        %dma_wait3A = arith.constant 0 : i32
        %dma_wait3A_40 = arith.constant 0 : i32
        %dma_wait3A_41 = tpu.memref_slice %arg4[%arg0, %dma_wait3A, %dma_wait3A_40] : memref<2x10000x128xf32, #tpu.memory_space<hbm>> -> memref<1x10000x128xf32, #tpu.memory_space<hbm>>
        %dma_wait3A_42 = tpu.memref_squeeze %dma_wait3A_41 : memref<1x10000x128xf32, #tpu.memory_space<hbm>> -> memref<10000x128xf32, #tpu.memory_space<hbm>>
        %dma_wait3A_43 = arith.constant 0 : i32
        %dma_wait3A_44 = tpu.memref_slice %dma_wait3A_42[%mul3A_32, %dma_wait3A_43] : memref<10000x128xf32, #tpu.memory_space<hbm>> -> memref<624x128xf32, #tpu.memory_space<hbm>>
        %dma_wait3A_45 = arith.constant 0 : i32
        %dma_wait3A_46 = tpu.memref_slice %arg7[%mul3A_30, %dma_wait3A_45] : memref<10016x128xf32, #tpu.memory_space<vmem_shared>> -> memref<624x128xf32, #tpu.memory_space<vmem_shared>>
        tpu.wait_dma2 semaphore(%run_scoped3A : memref<!tpu.dma_semaphore, #tpu.memory_space<semaphore_mem>>) src(%dma_wait3A_46 : memref<624x128xf32, #tpu.memory_space<vmem_shared>>) dst(%dma_wait3A_44 : memref<624x128xf32, #tpu.memory_space<hbm>>)
        tpu.yield
      }) : () -> ()
    } else {
    }
    %eq3A_24 = arith.constant 15 : i32
    %eq3A_25 = arith.cmpi eq, %arg1, %eq3A_24 : i32
    %convert_element_type3A_26 = arith.extui %eq3A_25 : i1 to i32
    %cond3A_27 = arith.constant 0 : i32
    %cond3A_28 = arith.cmpi ne, %convert_element_type3A_26, %cond3A_27 : i32
    scf.if %cond3A_28 {
      "tpu.region"() ({
        %run_scoped3A = tpu.sem_alloc : memref<!tpu.dma_semaphore, #tpu.memory_space<semaphore_mem>>
        %dma_start3A = arith.constant 0 : i32
        %dma_start3A_29 = arith.constant 0 : i32
        %dma_start3A_30 = tpu.memref_slice %arg4[%arg0, %dma_start3A, %dma_start3A_29] : memref<2x10000x128xf32, #tpu.memory_space<hbm>> -> memref<1x10000x128xf32, #tpu.memory_space<hbm>>
        %dma_start3A_31 = tpu.memref_squeeze %dma_start3A_30 : memref<1x10000x128xf32, #tpu.memory_space<hbm>> -> memref<10000x128xf32, #tpu.memory_space<hbm>>
        %dma_start3A_32 = arith.constant 9360 : i32
        %dma_start3A_33 = arith.constant 0 : i32
        %dma_start3A_34 = tpu.memref_slice %dma_start3A_31[%dma_start3A_32, %dma_start3A_33] : memref<10000x128xf32, #tpu.memory_space<hbm>> -> memref<640x128xf32, #tpu.memory_space<hbm>>
        %dma_start3A_35 = arith.constant 9360 : i32
        %dma_start3A_36 = arith.constant 0 : i32
        %dma_start3A_37 = tpu.memref_slice %arg7[%dma_start3A_35, %dma_start3A_36] : memref<10016x128xf32, #tpu.memory_space<vmem_shared>> -> memref<640x128xf32, #tpu.memory_space<vmem_shared>>
        tpu.enqueue_dma source(%dma_start3A_37 : memref<640x128xf32, #tpu.memory_space<vmem_shared>>) target(%dma_start3A_34 : memref<640x128xf32, #tpu.memory_space<hbm>>) target_semaphore(%run_scoped3A : memref<!tpu.dma_semaphore, #tpu.memory_space<semaphore_mem>>)
        %dma_wait3A = arith.constant 0 : i32
        %dma_wait3A_38 = arith.constant 0 : i32
        %dma_wait3A_39 = tpu.memref_slice %arg4[%arg0, %dma_wait3A, %dma_wait3A_38] : memref<2x10000x128xf32, #tpu.memory_space<hbm>> -> memref<1x10000x128xf32, #tpu.memory_space<hbm>>
        %dma_wait3A_40 = tpu.memref_squeeze %dma_wait3A_39 : memref<1x10000x128xf32, #tpu.memory_space<hbm>> -> memref<10000x128xf32, #tpu.memory_space<hbm>>
        %dma_wait3A_41 = arith.constant 9360 : i32
        %dma_wait3A_42 = arith.constant 0 : i32
        %dma_wait3A_43 = tpu.memref_slice %dma_wait3A_40[%dma_wait3A_41, %dma_wait3A_42] : memref<10000x128xf32, #tpu.memory_space<hbm>> -> memref<640x128xf32, #tpu.memory_space<hbm>>
        %dma_wait3A_44 = arith.constant 9360 : i32
        %dma_wait3A_45 = arith.constant 0 : i32
        %dma_wait3A_46 = tpu.memref_slice %arg7[%dma_wait3A_44, %dma_wait3A_45] : memref<10016x128xf32, #tpu.memory_space<vmem_shared>> -> memref<640x128xf32, #tpu.memory_space<vmem_shared>>
        tpu.wait_dma2 semaphore(%run_scoped3A : memref<!tpu.dma_semaphore, #tpu.memory_space<semaphore_mem>>) src(%dma_wait3A_46 : memref<640x128xf32, #tpu.memory_space<vmem_shared>>) dst(%dma_wait3A_43 : memref<640x128xf32, #tpu.memory_space<hbm>>)
        tpu.yield
      }) : () -> ()
    } else {
    }
    return
  }
}

#map = affine_map<(d0, d1) -> (0, 0)>
module attributes {stable_mosaic.version = 14 : i64} {
  func.func @spmm_kernel(%arg0: i32, %arg1: i32, %arg2: memref<20000x128xf32, #tpu.memory_space<hbm>>, %arg3: memref<1280x128xi32, #tpu.memory_space<hbm>>, %arg4: memref<1280x128xi32, #tpu.memory_space<hbm>>, %arg5: memref<20000x128xf32, #tpu.memory_space<hbm>>, %arg6: memref<40x128xi32, #tpu.memory_space<vmem>>, %arg7: memref<40x128xi32, #tpu.memory_space<vmem>>, %arg8: memref<128x128xf32, #tpu.memory_space<vmem>>, %arg9: memref<128x128xf32, #tpu.memory_space<vmem>>, %arg10: memref<10016x128xf32, #tpu.memory_space<vmem_shared>>, %arg11: memref<!tpu.dma_semaphore, #tpu.memory_space<semaphore_mem>>, %arg12: memref<!tpu.dma_semaphore, #tpu.memory_space<semaphore_mem>>) attributes {dimension_semantics = [#tpu.dimension_semantics<core_parallel>, #tpu.dimension_semantics<subcore_parallel>], iteration_bounds = array<i64: 2, 16>, scalar_prefetch = 0 : i64, scratch_operands = 7 : i64, tpu.core_type = #tpu.core_type<sc_vector_subcore>, window_params = [{transform_indices = #map}, {transform_indices = #map}, {transform_indices = #map}, {transform_indices = #map}]} {
    %mul3A = arith.constant 1 : i32
    %mul3A_0 = arith.muli %arg0, %mul3A : i32
    %add3A = arith.constant 0 : i32
    %add3A_1 = arith.addi %mul3A_0, %add3A : i32
    %lt3A = arith.constant 15 : i32
    %lt3A_2 = arith.cmpi slt, %arg1, %lt3A : i32
    %convert_element_type3A = arith.extui %lt3A_2 : i1 to i32
    %cond3A = arith.constant 0 : i32
    %cond3A_3 = arith.cmpi ne, %convert_element_type3A, %cond3A : i32
    scf.if %cond3A_3 {
      %mul3A_25 = arith.constant 10000 : i32
      %mul3A_26 = arith.muli %add3A_1, %mul3A_25 : i32
      %mul3A_27 = arith.constant 624 : i32
      %mul3A_28 = arith.muli %arg1, %mul3A_27 : i32
      %add3A_29 = arith.addi %mul3A_26, %mul3A_28 : i32
      %mul3A_30 = arith.constant 624 : i32
      %mul3A_31 = arith.muli %arg1, %mul3A_30 : i32
      "tpu.region"() ({
        %run_scoped3A = tpu.sem_alloc : memref<!tpu.dma_semaphore, #tpu.memory_space<semaphore_mem>>
        %dma_start3A = arith.constant 0 : i32
        %dma_start3A_32 = tpu.memref_slice %arg10[%mul3A_31, %dma_start3A] : memref<10016x128xf32, #tpu.memory_space<vmem_shared>> -> memref<624x128xf32, #tpu.memory_space<vmem_shared>>
        %dma_start3A_33 = arith.constant 0 : i32
        %dma_start3A_34 = tpu.memref_slice %arg2[%add3A_29, %dma_start3A_33] : memref<20000x128xf32, #tpu.memory_space<hbm>> -> memref<624x128xf32, #tpu.memory_space<hbm>>
        tpu.enqueue_dma source(%dma_start3A_34 : memref<624x128xf32, #tpu.memory_space<hbm>>) target(%dma_start3A_32 : memref<624x128xf32, #tpu.memory_space<vmem_shared>>) target_semaphore(%run_scoped3A : memref<!tpu.dma_semaphore, #tpu.memory_space<semaphore_mem>>)
        %dma_wait3A = arith.constant 0 : i32
        %dma_wait3A_35 = tpu.memref_slice %arg10[%mul3A_31, %dma_wait3A] : memref<10016x128xf32, #tpu.memory_space<vmem_shared>> -> memref<624x128xf32, #tpu.memory_space<vmem_shared>>
        %dma_wait3A_36 = arith.constant 0 : i32
        %dma_wait3A_37 = tpu.memref_slice %arg2[%add3A_29, %dma_wait3A_36] : memref<20000x128xf32, #tpu.memory_space<hbm>> -> memref<624x128xf32, #tpu.memory_space<hbm>>
        tpu.wait_dma2 semaphore(%run_scoped3A : memref<!tpu.dma_semaphore, #tpu.memory_space<semaphore_mem>>) src(%dma_wait3A_37 : memref<624x128xf32, #tpu.memory_space<hbm>>) dst(%dma_wait3A_35 : memref<624x128xf32, #tpu.memory_space<vmem_shared>>)
        tpu.yield
      }) : () -> ()
    } else {
    }
    %eq3A = arith.constant 15 : i32
    %eq3A_4 = arith.cmpi eq, %arg1, %eq3A : i32
    %convert_element_type3A_5 = arith.extui %eq3A_4 : i1 to i32
    %cond3A_6 = arith.constant 0 : i32
    %cond3A_7 = arith.cmpi ne, %convert_element_type3A_5, %cond3A_6 : i32
    scf.if %cond3A_7 {
      %mul3A_25 = arith.constant 10000 : i32
      %mul3A_26 = arith.muli %add3A_1, %mul3A_25 : i32
      %add3A_27 = arith.constant 9360 : i32
      %add3A_28 = arith.addi %mul3A_26, %add3A_27 : i32
      "tpu.region"() ({
        %run_scoped3A = tpu.sem_alloc : memref<!tpu.dma_semaphore, #tpu.memory_space<semaphore_mem>>
        %dma_start3A = arith.constant 9360 : i32
        %dma_start3A_29 = arith.constant 0 : i32
        %dma_start3A_30 = tpu.memref_slice %arg10[%dma_start3A, %dma_start3A_29] : memref<10016x128xf32, #tpu.memory_space<vmem_shared>> -> memref<640x128xf32, #tpu.memory_space<vmem_shared>>
        %dma_start3A_31 = arith.constant 0 : i32
        %dma_start3A_32 = tpu.memref_slice %arg2[%add3A_28, %dma_start3A_31] : memref<20000x128xf32, #tpu.memory_space<hbm>> -> memref<640x128xf32, #tpu.memory_space<hbm>>
        tpu.enqueue_dma source(%dma_start3A_32 : memref<640x128xf32, #tpu.memory_space<hbm>>) target(%dma_start3A_30 : memref<640x128xf32, #tpu.memory_space<vmem_shared>>) target_semaphore(%run_scoped3A : memref<!tpu.dma_semaphore, #tpu.memory_space<semaphore_mem>>)
        %dma_wait3A = arith.constant 9360 : i32
        %dma_wait3A_33 = arith.constant 0 : i32
        %dma_wait3A_34 = tpu.memref_slice %arg10[%dma_wait3A, %dma_wait3A_33] : memref<10016x128xf32, #tpu.memory_space<vmem_shared>> -> memref<640x128xf32, #tpu.memory_space<vmem_shared>>
        %dma_wait3A_35 = arith.constant 0 : i32
        %dma_wait3A_36 = tpu.memref_slice %arg2[%add3A_28, %dma_wait3A_35] : memref<20000x128xf32, #tpu.memory_space<hbm>> -> memref<640x128xf32, #tpu.memory_space<hbm>>
        tpu.wait_dma2 semaphore(%run_scoped3A : memref<!tpu.dma_semaphore, #tpu.memory_space<semaphore_mem>>) src(%dma_wait3A_36 : memref<640x128xf32, #tpu.memory_space<hbm>>) dst(%dma_wait3A_34 : memref<640x128xf32, #tpu.memory_space<vmem_shared>>)
        tpu.yield
      }) : () -> ()
    } else {
    }
    %mul3A_8 = arith.constant 10000 : i32
    %mul3A_9 = arith.muli %add3A_1, %mul3A_8 : i32
    %barrier3A = arith.constant 0 : index
    tpu.barrier barrier_id(%barrier3A)
    %scan3A = arith.constant 0 : i32
    %scan3A_10 = arith.constant 2 : i32
    %scan3A_11 = arith.addi %scan3A, %scan3A_10 : i32
    %scan3A_12 = arith.constant 1 : i32
    scf.for %scan3A_25 = %scan3A to %scan3A_11 step %scan3A_12  : i32 {
      %mul3A_26 = arith.constant 1 : i32
      %mul3A_27 = arith.muli %scan3A_25, %mul3A_26 : i32
      %add3A_28 = arith.constant 0 : i32
      %add3A_29 = arith.addi %add3A_28, %mul3A_27 : i32
      %mul3A_30 = arith.constant 80 : i32
      %mul3A_31 = arith.muli %arg1, %mul3A_30 : i32
      %mul3A_32 = arith.constant 40 : i32
      %mul3A_33 = arith.muli %add3A_29, %mul3A_32 : i32
      %add3A_34 = arith.addi %mul3A_31, %mul3A_33 : i32
      "tpu.region"() ({
        %run_scoped3A_72 = tpu.sem_alloc : memref<!tpu.dma_semaphore, #tpu.memory_space<semaphore_mem>>
        %dma_start3A_73 = arith.constant 0 : i32
        %dma_start3A_74 = tpu.memref_slice %arg4[%add3A_34, %dma_start3A_73] : memref<1280x128xi32, #tpu.memory_space<hbm>> -> memref<40x128xi32, #tpu.memory_space<hbm>>
        %dma_start3A_75 = arith.constant 0 : i32
        %dma_start3A_76 = tpu.memref_slice %arg4[%add3A_34, %dma_start3A_75] : memref<1280x128xi32, #tpu.memory_space<hbm>> -> memref<40x128xi32, #tpu.memory_space<hbm>>
        tpu.enqueue_dma source(%dma_start3A_76 : memref<40x128xi32, #tpu.memory_space<hbm>>) target(%arg6 : memref<40x128xi32, #tpu.memory_space<vmem>>) target_semaphore(%run_scoped3A_72 : memref<!tpu.dma_semaphore, #tpu.memory_space<semaphore_mem>>)
        %dma_wait3A_77 = arith.constant 0 : i32
        %dma_wait3A_78 = tpu.memref_slice %arg4[%add3A_34, %dma_wait3A_77] : memref<1280x128xi32, #tpu.memory_space<hbm>> -> memref<40x128xi32, #tpu.memory_space<hbm>>
        %dma_wait3A_79 = arith.constant 0 : i32
        %dma_wait3A_80 = tpu.memref_slice %arg4[%add3A_34, %dma_wait3A_79] : memref<1280x128xi32, #tpu.memory_space<hbm>> -> memref<40x128xi32, #tpu.memory_space<hbm>>
        tpu.wait_dma2 semaphore(%run_scoped3A_72 : memref<!tpu.dma_semaphore, #tpu.memory_space<semaphore_mem>>) src(%dma_wait3A_80 : memref<40x128xi32, #tpu.memory_space<hbm>>) dst(%arg6 : memref<40x128xi32, #tpu.memory_space<vmem>>)
        tpu.yield
      }) : () -> ()
      "tpu.region"() ({
        %run_scoped3A_72 = tpu.sem_alloc : memref<!tpu.dma_semaphore, #tpu.memory_space<semaphore_mem>>
        %dma_start3A_73 = arith.constant 0 : i32
        %dma_start3A_74 = tpu.memref_slice %arg3[%add3A_34, %dma_start3A_73] : memref<1280x128xi32, #tpu.memory_space<hbm>> -> memref<40x128xi32, #tpu.memory_space<hbm>>
        %dma_start3A_75 = arith.constant 0 : i32
        %dma_start3A_76 = tpu.memref_slice %arg3[%add3A_34, %dma_start3A_75] : memref<1280x128xi32, #tpu.memory_space<hbm>> -> memref<40x128xi32, #tpu.memory_space<hbm>>
        tpu.enqueue_dma source(%dma_start3A_76 : memref<40x128xi32, #tpu.memory_space<hbm>>) target(%arg7 : memref<40x128xi32, #tpu.memory_space<vmem>>) target_semaphore(%run_scoped3A_72 : memref<!tpu.dma_semaphore, #tpu.memory_space<semaphore_mem>>)
        %dma_wait3A_77 = arith.constant 0 : i32
        %dma_wait3A_78 = tpu.memref_slice %arg3[%add3A_34, %dma_wait3A_77] : memref<1280x128xi32, #tpu.memory_space<hbm>> -> memref<40x128xi32, #tpu.memory_space<hbm>>
        %dma_wait3A_79 = arith.constant 0 : i32
        %dma_wait3A_80 = tpu.memref_slice %arg3[%add3A_34, %dma_wait3A_79] : memref<1280x128xi32, #tpu.memory_space<hbm>> -> memref<40x128xi32, #tpu.memory_space<hbm>>
        tpu.wait_dma2 semaphore(%run_scoped3A_72 : memref<!tpu.dma_semaphore, #tpu.memory_space<semaphore_mem>>) src(%dma_wait3A_80 : memref<40x128xi32, #tpu.memory_space<hbm>>) dst(%arg7 : memref<40x128xi32, #tpu.memory_space<vmem>>)
        tpu.yield
      }) : () -> ()
      %scan3A_35 = arith.constant 0 : i32
      %scan3A_36 = arith.constant 40 : i32
      %scan3A_37 = arith.addi %scan3A_35, %scan3A_36 : i32
      %scan3A_38 = arith.constant 1 : i32
      scf.for %scan3A_72 = %scan3A_35 to %scan3A_37 step %scan3A_38  : i32 {
        %mul3A_73 = arith.constant 1 : i32
        %mul3A_74 = arith.muli %scan3A_72, %mul3A_73 : i32
        %add3A_75 = arith.constant 0 : i32
        %add3A_76 = arith.addi %add3A_75, %mul3A_74 : i32
        %get3A = arith.index_cast %add3A_76 : i32 to index
        %get3A_77 = arith.constant 0 : index
        %get3A_78 = tpu.vector_load %arg6[%get3A, %get3A_77] {strides = array<i32>} : memref<40x128xi32, #tpu.memory_space<vmem>>, vector<1x16xi32>,
        %get3A_79 = vector.shape_cast %get3A_78 : vector<1x16xi32> to vector<16xi32>
        %add3A_80 = vector.broadcast %mul3A_9 : i32 to vector<16xi32>
        %add3A_81 = arith.addi %get3A_79, %add3A_80 : vector<16xi32>
        %swap3A = arith.index_cast %add3A_76 : i32 to index
        %swap3A_82 = arith.constant 0 : index
        %swap3A_83 = tpu.vector_load %arg6[%swap3A, %swap3A_82] {strides = array<i32>} : memref<40x128xi32, #tpu.memory_space<vmem>>, vector<1x16xi32>,
        %swap3A_84 = vector.shape_cast %swap3A_83 : vector<1x16xi32> to vector<16xi32>
        %swap3A_85 = vector.shape_cast %add3A_81 : vector<16xi32> to vector<1x16xi32>
        tpu.vector_store %arg6[%swap3A, %swap3A_82], %swap3A_85 {strides = array<i32>} : memref<40x128xi32, #tpu.memory_space<vmem>>, vector<1x16xi32>,
        %get3A_86 = arith.index_cast %add3A_76 : i32 to index
        %get3A_87 = arith.constant 16 : index
        %get3A_88 = tpu.vector_load %arg6[%get3A_86, %get3A_87] {strides = array<i32>} : memref<40x128xi32, #tpu.memory_space<vmem>>, vector<1x16xi32>,
        %get3A_89 = vector.shape_cast %get3A_88 : vector<1x16xi32> to vector<16xi32>
        %add3A_90 = vector.broadcast %mul3A_9 : i32 to vector<16xi32>
        %add3A_91 = arith.addi %get3A_89, %add3A_90 : vector<16xi32>
        %swap3A_92 = arith.index_cast %add3A_76 : i32 to index
        %swap3A_93 = arith.constant 16 : index
        %swap3A_94 = tpu.vector_load %arg6[%swap3A_92, %swap3A_93] {strides = array<i32>} : memref<40x128xi32, #tpu.memory_space<vmem>>, vector<1x16xi32>,
        %swap3A_95 = vector.shape_cast %swap3A_94 : vector<1x16xi32> to vector<16xi32>
        %swap3A_96 = vector.shape_cast %add3A_91 : vector<16xi32> to vector<1x16xi32>
        tpu.vector_store %arg6[%swap3A_92, %swap3A_93], %swap3A_96 {strides = array<i32>} : memref<40x128xi32, #tpu.memory_space<vmem>>, vector<1x16xi32>,
        %get3A_97 = arith.index_cast %add3A_76 : i32 to index
        %get3A_98 = arith.constant 32 : index
        %get3A_99 = tpu.vector_load %arg6[%get3A_97, %get3A_98] {strides = array<i32>} : memref<40x128xi32, #tpu.memory_space<vmem>>, vector<1x16xi32>,
        %get3A_100 = vector.shape_cast %get3A_99 : vector<1x16xi32> to vector<16xi32>
        %add3A_101 = vector.broadcast %mul3A_9 : i32 to vector<16xi32>
        %add3A_102 = arith.addi %get3A_100, %add3A_101 : vector<16xi32>
        %swap3A_103 = arith.index_cast %add3A_76 : i32 to index
        %swap3A_104 = arith.constant 32 : index
        %swap3A_105 = tpu.vector_load %arg6[%swap3A_103, %swap3A_104] {strides = array<i32>} : memref<40x128xi32, #tpu.memory_space<vmem>>, vector<1x16xi32>,
        %swap3A_106 = vector.shape_cast %swap3A_105 : vector<1x16xi32> to vector<16xi32>
        %swap3A_107 = vector.shape_cast %add3A_102 : vector<16xi32> to vector<1x16xi32>
        tpu.vector_store %arg6[%swap3A_103, %swap3A_104], %swap3A_107 {strides = array<i32>} : memref<40x128xi32, #tpu.memory_space<vmem>>, vector<1x16xi32>,
        %get3A_108 = arith.index_cast %add3A_76 : i32 to index
        %get3A_109 = arith.constant 48 : index
        %get3A_110 = tpu.vector_load %arg6[%get3A_108, %get3A_109] {strides = array<i32>} : memref<40x128xi32, #tpu.memory_space<vmem>>, vector<1x16xi32>,
        %get3A_111 = vector.shape_cast %get3A_110 : vector<1x16xi32> to vector<16xi32>
        %add3A_112 = vector.broadcast %mul3A_9 : i32 to vector<16xi32>
        %add3A_113 = arith.addi %get3A_111, %add3A_112 : vector<16xi32>
        %swap3A_114 = arith.index_cast %add3A_76 : i32 to index
        %swap3A_115 = arith.constant 48 : index
        %swap3A_116 = tpu.vector_load %arg6[%swap3A_114, %swap3A_115] {strides = array<i32>} : memref<40x128xi32, #tpu.memory_space<vmem>>, vector<1x16xi32>,
        %swap3A_117 = vector.shape_cast %swap3A_116 : vector<1x16xi32> to vector<16xi32>
        %swap3A_118 = vector.shape_cast %add3A_113 : vector<16xi32> to vector<1x16xi32>
        tpu.vector_store %arg6[%swap3A_114, %swap3A_115], %swap3A_118 {strides = array<i32>} : memref<40x128xi32, #tpu.memory_space<vmem>>, vector<1x16xi32>,
        %get3A_119 = arith.index_cast %add3A_76 : i32 to index
        %get3A_120 = arith.constant 64 : index
        %get3A_121 = tpu.vector_load %arg6[%get3A_119, %get3A_120] {strides = array<i32>} : memref<40x128xi32, #tpu.memory_space<vmem>>, vector<1x16xi32>,
        %get3A_122 = vector.shape_cast %get3A_121 : vector<1x16xi32> to vector<16xi32>
        %add3A_123 = vector.broadcast %mul3A_9 : i32 to vector<16xi32>
        %add3A_124 = arith.addi %get3A_122, %add3A_123 : vector<16xi32>
        %swap3A_125 = arith.index_cast %add3A_76 : i32 to index
        %swap3A_126 = arith.constant 64 : index
        %swap3A_127 = tpu.vector_load %arg6[%swap3A_125, %swap3A_126] {strides = array<i32>} : memref<40x128xi32, #tpu.memory_space<vmem>>, vector<1x16xi32>,
        %swap3A_128 = vector.shape_cast %swap3A_127 : vector<1x16xi32> to vector<16xi32>
        %swap3A_129 = vector.shape_cast %add3A_124 : vector<16xi32> to vector<1x16xi32>
        tpu.vector_store %arg6[%swap3A_125, %swap3A_126], %swap3A_129 {strides = array<i32>} : memref<40x128xi32, #tpu.memory_space<vmem>>, vector<1x16xi32>,
        %get3A_130 = arith.index_cast %add3A_76 : i32 to index
        %get3A_131 = arith.constant 80 : index
        %get3A_132 = tpu.vector_load %arg6[%get3A_130, %get3A_131] {strides = array<i32>} : memref<40x128xi32, #tpu.memory_space<vmem>>, vector<1x16xi32>,
        %get3A_133 = vector.shape_cast %get3A_132 : vector<1x16xi32> to vector<16xi32>
        %add3A_134 = vector.broadcast %mul3A_9 : i32 to vector<16xi32>
        %add3A_135 = arith.addi %get3A_133, %add3A_134 : vector<16xi32>
        %swap3A_136 = arith.index_cast %add3A_76 : i32 to index
        %swap3A_137 = arith.constant 80 : index
        %swap3A_138 = tpu.vector_load %arg6[%swap3A_136, %swap3A_137] {strides = array<i32>} : memref<40x128xi32, #tpu.memory_space<vmem>>, vector<1x16xi32>,
        %swap3A_139 = vector.shape_cast %swap3A_138 : vector<1x16xi32> to vector<16xi32>
        %swap3A_140 = vector.shape_cast %add3A_135 : vector<16xi32> to vector<1x16xi32>
        tpu.vector_store %arg6[%swap3A_136, %swap3A_137], %swap3A_140 {strides = array<i32>} : memref<40x128xi32, #tpu.memory_space<vmem>>, vector<1x16xi32>,
        %get3A_141 = arith.index_cast %add3A_76 : i32 to index
        %get3A_142 = arith.constant 96 : index
        %get3A_143 = tpu.vector_load %arg6[%get3A_141, %get3A_142] {strides = array<i32>} : memref<40x128xi32, #tpu.memory_space<vmem>>, vector<1x16xi32>,
        %get3A_144 = vector.shape_cast %get3A_143 : vector<1x16xi32> to vector<16xi32>
        %add3A_145 = vector.broadcast %mul3A_9 : i32 to vector<16xi32>
        %add3A_146 = arith.addi %get3A_144, %add3A_145 : vector<16xi32>
        %swap3A_147 = arith.index_cast %add3A_76 : i32 to index
        %swap3A_148 = arith.constant 96 : index
        %swap3A_149 = tpu.vector_load %arg6[%swap3A_147, %swap3A_148] {strides = array<i32>} : memref<40x128xi32, #tpu.memory_space<vmem>>, vector<1x16xi32>,
        %swap3A_150 = vector.shape_cast %swap3A_149 : vector<1x16xi32> to vector<16xi32>
        %swap3A_151 = vector.shape_cast %add3A_146 : vector<16xi32> to vector<1x16xi32>
        tpu.vector_store %arg6[%swap3A_147, %swap3A_148], %swap3A_151 {strides = array<i32>} : memref<40x128xi32, #tpu.memory_space<vmem>>, vector<1x16xi32>,
        %get3A_152 = arith.index_cast %add3A_76 : i32 to index
        %get3A_153 = arith.constant 112 : index
        %get3A_154 = tpu.vector_load %arg6[%get3A_152, %get3A_153] {strides = array<i32>} : memref<40x128xi32, #tpu.memory_space<vmem>>, vector<1x16xi32>,
        %get3A_155 = vector.shape_cast %get3A_154 : vector<1x16xi32> to vector<16xi32>
        %add3A_156 = vector.broadcast %mul3A_9 : i32 to vector<16xi32>
        %add3A_157 = arith.addi %get3A_155, %add3A_156 : vector<16xi32>
        %swap3A_158 = arith.index_cast %add3A_76 : i32 to index
        %swap3A_159 = arith.constant 112 : index
        %swap3A_160 = tpu.vector_load %arg6[%swap3A_158, %swap3A_159] {strides = array<i32>} : memref<40x128xi32, #tpu.memory_space<vmem>>, vector<1x16xi32>,
        %swap3A_161 = vector.shape_cast %swap3A_160 : vector<1x16xi32> to vector<16xi32>
        %swap3A_162 = vector.shape_cast %add3A_157 : vector<16xi32> to vector<1x16xi32>
        tpu.vector_store %arg6[%swap3A_158, %swap3A_159], %swap3A_162 {strides = array<i32>} : memref<40x128xi32, #tpu.memory_space<vmem>>, vector<1x16xi32>,
      }
      %scan3A_39 = arith.constant 40 : i32
      %dma_start3A = arith.constant 0 : i32
      %dma_start3A_40 = arith.constant 0 : i32
      %dma_start3A_41 = tpu.memref_slice %arg6[%dma_start3A, %dma_start3A_40] : memref<40x128xi32, #tpu.memory_space<vmem>> -> memref<1x128xi32, #tpu.memory_space<vmem>>
      %dma_start3A_42 = tpu.memref_squeeze %dma_start3A_41 : memref<1x128xi32, #tpu.memory_space<vmem>> -> memref<128xi32, #tpu.memory_space<vmem>>
      %dma_start3A_43 = arith.constant 0 : i32
      %dma_start3A_44 = arith.constant 0 : i32
      %dma_start3A_45 = tpu.memref_slice %arg2[%dma_start3A_43, %dma_start3A_44] : memref<20000x128xf32, #tpu.memory_space<hbm>> -> memref<20000x128xf32, #tpu.memory_space<hbm>>
      tpu.enqueue_indirect_dma source(%dma_start3A_45 : memref<20000x128xf32, #tpu.memory_space<hbm>>) target(%arg8 : memref<128x128xf32, #tpu.memory_space<vmem>>) offsets(%dma_start3A_42 : memref<128xi32, #tpu.memory_space<vmem>>) semaphore(%arg11 : memref<!tpu.dma_semaphore, #tpu.memory_space<semaphore_mem>>)
      %dma_start3A_46 = arith.constant 1 : i32
      %dma_start3A_47 = arith.constant 0 : i32
      %dma_start3A_48 = tpu.memref_slice %arg6[%dma_start3A_46, %dma_start3A_47] : memref<40x128xi32, #tpu.memory_space<vmem>> -> memref<1x128xi32, #tpu.memory_space<vmem>>
      %dma_start3A_49 = tpu.memref_squeeze %dma_start3A_48 : memref<1x128xi32, #tpu.memory_space<vmem>> -> memref<128xi32, #tpu.memory_space<vmem>>
      %dma_start3A_50 = arith.constant 0 : i32
      %dma_start3A_51 = arith.constant 0 : i32
      %dma_start3A_52 = tpu.memref_slice %arg2[%dma_start3A_50, %dma_start3A_51] : memref<20000x128xf32, #tpu.memory_space<hbm>> -> memref<20000x128xf32, #tpu.memory_space<hbm>>
      tpu.enqueue_indirect_dma source(%dma_start3A_52 : memref<20000x128xf32, #tpu.memory_space<hbm>>) target(%arg9 : memref<128x128xf32, #tpu.memory_space<vmem>>) offsets(%dma_start3A_49 : memref<128xi32, #tpu.memory_space<vmem>>) semaphore(%arg12 : memref<!tpu.dma_semaphore, #tpu.memory_space<semaphore_mem>>)
      %scan3A_53 = arith.constant 0 : i32
      %scan3A_54 = arith.constant 19 : i32
      %scan3A_55 = arith.addi %scan3A_53, %scan3A_54 : i32
      %scan3A_56 = arith.constant 1 : i32
      scf.for %scan3A_72 = %scan3A_53 to %scan3A_55 step %scan3A_56  : i32 {
        %mul3A_73 = arith.constant 2 : i32
        %mul3A_74 = arith.muli %scan3A_72, %mul3A_73 : i32
        %add3A_75 = arith.constant 0 : i32
        %add3A_76 = arith.addi %add3A_75, %mul3A_74 : i32
        %add3A_77 = arith.constant 0 : i32
        %add3A_78 = arith.addi %add3A_76, %add3A_77 : i32
        %dma_wait3A_79 = arith.constant 0 : i32
        %dma_wait3A_80 = tpu.memref_slice %arg6[%add3A_78, %dma_wait3A_79] : memref<40x128xi32, #tpu.memory_space<vmem>> -> memref<1x128xi32, #tpu.memory_space<vmem>>
        %dma_wait3A_81 = tpu.memref_squeeze %dma_wait3A_80 : memref<1x128xi32, #tpu.memory_space<vmem>> -> memref<128xi32, #tpu.memory_space<vmem>>
        %dma_wait3A_82 = arith.constant 0 : i32
        %dma_wait3A_83 = arith.constant 0 : i32
        %dma_wait3A_84 = tpu.memref_slice %arg2[%dma_wait3A_82, %dma_wait3A_83] : memref<20000x128xf32, #tpu.memory_space<hbm>> -> memref<20000x128xf32, #tpu.memory_space<hbm>>
        tpu.wait_indirect_dma semaphore(%arg11 : memref<!tpu.dma_semaphore, #tpu.memory_space<semaphore_mem>>) src(%dma_wait3A_84 : memref<20000x128xf32, #tpu.memory_space<hbm>>) dst(%arg8 : memref<128x128xf32, #tpu.memory_space<vmem>>)
        %add3A_85 = arith.constant 0 : i32
        %add3A_86 = arith.addi %add3A_76, %add3A_85 : i32
        "tpu.region"() ({
          %run_scoped3A_117 = tpu.sem_alloc : memref<!tpu.dma_semaphore, #tpu.memory_space<semaphore_mem>>
          %dma_start3A_118 = arith.constant 0 : i32
          %dma_start3A_119 = tpu.memref_slice %arg7[%add3A_86, %dma_start3A_118] : memref<40x128xi32, #tpu.memory_space<vmem>> -> memref<1x128xi32, #tpu.memory_space<vmem>>
          %dma_start3A_120 = tpu.memref_squeeze %dma_start3A_119 : memref<1x128xi32, #tpu.memory_space<vmem>> -> memref<128xi32, #tpu.memory_space<vmem>>
          %dma_start3A_121 = arith.constant 0 : i32
          %dma_start3A_122 = arith.constant 0 : i32
          %dma_start3A_123 = tpu.memref_slice %arg10[%dma_start3A_121, %dma_start3A_122] : memref<10016x128xf32, #tpu.memory_space<vmem_shared>> -> memref<10016x128xf32, #tpu.memory_space<vmem_shared>>
          tpu.enqueue_indirect_dma source(%arg8 : memref<128x128xf32, #tpu.memory_space<vmem>>) target(%dma_start3A_123 : memref<10016x128xf32, #tpu.memory_space<vmem_shared>>) offsets(%dma_start3A_120 : memref<128xi32, #tpu.memory_space<vmem>>) semaphore(%run_scoped3A_117 : memref<!tpu.dma_semaphore, #tpu.memory_space<semaphore_mem>>) {add = true}
          %dma_wait3A_124 = arith.constant 0 : i32
          %dma_wait3A_125 = tpu.memref_slice %arg7[%add3A_86, %dma_wait3A_124] : memref<40x128xi32, #tpu.memory_space<vmem>> -> memref<1x128xi32, #tpu.memory_space<vmem>>
          %dma_wait3A_126 = tpu.memref_squeeze %dma_wait3A_125 : memref<1x128xi32, #tpu.memory_space<vmem>> -> memref<128xi32, #tpu.memory_space<vmem>>
          %dma_wait3A_127 = arith.constant 0 : i32
          %dma_wait3A_128 = arith.constant 0 : i32
          %dma_wait3A_129 = tpu.memref_slice %arg10[%dma_wait3A_127, %dma_wait3A_128] : memref<10016x128xf32, #tpu.memory_space<vmem_shared>> -> memref<10016x128xf32, #tpu.memory_space<vmem_shared>>
          tpu.wait_indirect_dma semaphore(%run_scoped3A_117 : memref<!tpu.dma_semaphore, #tpu.memory_space<semaphore_mem>>) src(%arg8 : memref<128x128xf32, #tpu.memory_space<vmem>>) dst(%dma_wait3A_129 : memref<10016x128xf32, #tpu.memory_space<vmem_shared>>)
          tpu.yield
        }) : () -> ()
        %add3A_87 = arith.constant 2 : i32
        %add3A_88 = arith.addi %add3A_76, %add3A_87 : i32
        %add3A_89 = arith.constant 0 : i32
        %add3A_90 = arith.addi %add3A_88, %add3A_89 : i32
        %dma_start3A_91 = arith.constant 0 : i32
        %dma_start3A_92 = tpu.memref_slice %arg6[%add3A_90, %dma_start3A_91] : memref<40x128xi32, #tpu.memory_space<vmem>> -> memref<1x128xi32, #tpu.memory_space<vmem>>
        %dma_start3A_93 = tpu.memref_squeeze %dma_start3A_92 : memref<1x128xi32, #tpu.memory_space<vmem>> -> memref<128xi32, #tpu.memory_space<vmem>>
        %dma_start3A_94 = arith.constant 0 : i32
        %dma_start3A_95 = arith.constant 0 : i32
        %dma_start3A_96 = tpu.memref_slice %arg2[%dma_start3A_94, %dma_start3A_95] : memref<20000x128xf32, #tpu.memory_space<hbm>> -> memref<20000x128xf32, #tpu.memory_space<hbm>>
        tpu.enqueue_indirect_dma source(%dma_start3A_96 : memref<20000x128xf32, #tpu.memory_space<hbm>>) target(%arg8 : memref<128x128xf32, #tpu.memory_space<vmem>>) offsets(%dma_start3A_93 : memref<128xi32, #tpu.memory_space<vmem>>) semaphore(%arg11 : memref<!tpu.dma_semaphore, #tpu.memory_space<semaphore_mem>>)
        %add3A_97 = arith.constant 1 : i32
        %add3A_98 = arith.addi %add3A_76, %add3A_97 : i32
        %dma_wait3A_99 = arith.constant 0 : i32
        %dma_wait3A_100 = tpu.memref_slice %arg6[%add3A_98, %dma_wait3A_99] : memref<40x128xi32, #tpu.memory_space<vmem>> -> memref<1x128xi32, #tpu.memory_space<vmem>>
        %dma_wait3A_101 = tpu.memref_squeeze %dma_wait3A_100 : memref<1x128xi32, #tpu.memory_space<vmem>> -> memref<128xi32, #tpu.memory_space<vmem>>
        %dma_wait3A_102 = arith.constant 0 : i32
        %dma_wait3A_103 = arith.constant 0 : i32
        %dma_wait3A_104 = tpu.memref_slice %arg2[%dma_wait3A_102, %dma_wait3A_103] : memref<20000x128xf32, #tpu.memory_space<hbm>> -> memref<20000x128xf32, #tpu.memory_space<hbm>>
        tpu.wait_indirect_dma semaphore(%arg12 : memref<!tpu.dma_semaphore, #tpu.memory_space<semaphore_mem>>) src(%dma_wait3A_104 : memref<20000x128xf32, #tpu.memory_space<hbm>>) dst(%arg9 : memref<128x128xf32, #tpu.memory_space<vmem>>)
        %add3A_105 = arith.constant 1 : i32
        %add3A_106 = arith.addi %add3A_76, %add3A_105 : i32
        "tpu.region"() ({
          %run_scoped3A_117 = tpu.sem_alloc : memref<!tpu.dma_semaphore, #tpu.memory_space<semaphore_mem>>
          %dma_start3A_118 = arith.constant 0 : i32
          %dma_start3A_119 = tpu.memref_slice %arg7[%add3A_106, %dma_start3A_118] : memref<40x128xi32, #tpu.memory_space<vmem>> -> memref<1x128xi32, #tpu.memory_space<vmem>>
          %dma_start3A_120 = tpu.memref_squeeze %dma_start3A_119 : memref<1x128xi32, #tpu.memory_space<vmem>> -> memref<128xi32, #tpu.memory_space<vmem>>
          %dma_start3A_121 = arith.constant 0 : i32
          %dma_start3A_122 = arith.constant 0 : i32
          %dma_start3A_123 = tpu.memref_slice %arg10[%dma_start3A_121, %dma_start3A_122] : memref<10016x128xf32, #tpu.memory_space<vmem_shared>> -> memref<10016x128xf32, #tpu.memory_space<vmem_shared>>
          tpu.enqueue_indirect_dma source(%arg9 : memref<128x128xf32, #tpu.memory_space<vmem>>) target(%dma_start3A_123 : memref<10016x128xf32, #tpu.memory_space<vmem_shared>>) offsets(%dma_start3A_120 : memref<128xi32, #tpu.memory_space<vmem>>) semaphore(%run_scoped3A_117 : memref<!tpu.dma_semaphore, #tpu.memory_space<semaphore_mem>>) {add = true}
          %dma_wait3A_124 = arith.constant 0 : i32
          %dma_wait3A_125 = tpu.memref_slice %arg7[%add3A_106, %dma_wait3A_124] : memref<40x128xi32, #tpu.memory_space<vmem>> -> memref<1x128xi32, #tpu.memory_space<vmem>>
          %dma_wait3A_126 = tpu.memref_squeeze %dma_wait3A_125 : memref<1x128xi32, #tpu.memory_space<vmem>> -> memref<128xi32, #tpu.memory_space<vmem>>
          %dma_wait3A_127 = arith.constant 0 : i32
          %dma_wait3A_128 = arith.constant 0 : i32
          %dma_wait3A_129 = tpu.memref_slice %arg10[%dma_wait3A_127, %dma_wait3A_128] : memref<10016x128xf32, #tpu.memory_space<vmem_shared>> -> memref<10016x128xf32, #tpu.memory_space<vmem_shared>>
          tpu.wait_indirect_dma semaphore(%run_scoped3A_117 : memref<!tpu.dma_semaphore, #tpu.memory_space<semaphore_mem>>) src(%arg9 : memref<128x128xf32, #tpu.memory_space<vmem>>) dst(%dma_wait3A_129 : memref<10016x128xf32, #tpu.memory_space<vmem_shared>>)
          tpu.yield
        }) : () -> ()
        %add3A_107 = arith.constant 2 : i32
        %add3A_108 = arith.addi %add3A_76, %add3A_107 : i32
        %add3A_109 = arith.constant 1 : i32
        %add3A_110 = arith.addi %add3A_108, %add3A_109 : i32
        %dma_start3A_111 = arith.constant 0 : i32
        %dma_start3A_112 = tpu.memref_slice %arg6[%add3A_110, %dma_start3A_111] : memref<40x128xi32, #tpu.memory_space<vmem>> -> memref<1x128xi32, #tpu.memory_space<vmem>>
        %dma_start3A_113 = tpu.memref_squeeze %dma_start3A_112 : memref<1x128xi32, #tpu.memory_space<vmem>> -> memref<128xi32, #tpu.memory_space<vmem>>
        %dma_start3A_114 = arith.constant 0 : i32
        %dma_start3A_115 = arith.constant 0 : i32
        %dma_start3A_116 = tpu.memref_slice %arg2[%dma_start3A_114, %dma_start3A_115] : memref<20000x128xf32, #tpu.memory_space<hbm>> -> memref<20000x128xf32, #tpu.memory_space<hbm>>
        tpu.enqueue_indirect_dma source(%dma_start3A_116 : memref<20000x128xf32, #tpu.memory_space<hbm>>) target(%arg9 : memref<128x128xf32, #tpu.memory_space<vmem>>) offsets(%dma_start3A_113 : memref<128xi32, #tpu.memory_space<vmem>>) semaphore(%arg12 : memref<!tpu.dma_semaphore, #tpu.memory_space<semaphore_mem>>)
      }
      %scan3A_57 = arith.constant 19 : i32
      %dma_wait3A = arith.constant 38 : i32
      %dma_wait3A_58 = arith.constant 0 : i32
      %dma_wait3A_59 = tpu.memref_slice %arg6[%dma_wait3A, %dma_wait3A_58] : memref<40x128xi32, #tpu.memory_space<vmem>> -> memref<1x128xi32, #tpu.memory_space<vmem>>
      %dma_wait3A_60 = tpu.memref_squeeze %dma_wait3A_59 : memref<1x128xi32, #tpu.memory_space<vmem>> -> memref<128xi32, #tpu.memory_space<vmem>>
      %dma_wait3A_61 = arith.constant 0 : i32
      %dma_wait3A_62 = arith.constant 0 : i32
      %dma_wait3A_63 = tpu.memref_slice %arg2[%dma_wait3A_61, %dma_wait3A_62] : memref<20000x128xf32, #tpu.memory_space<hbm>> -> memref<20000x128xf32, #tpu.memory_space<hbm>>
      tpu.wait_indirect_dma semaphore(%arg11 : memref<!tpu.dma_semaphore, #tpu.memory_space<semaphore_mem>>) src(%dma_wait3A_63 : memref<20000x128xf32, #tpu.memory_space<hbm>>) dst(%arg8 : memref<128x128xf32, #tpu.memory_space<vmem>>)
      %run_scoped3A = arith.constant 38 : i32
      "tpu.region"() ({
        %run_scoped3A_72 = tpu.sem_alloc : memref<!tpu.dma_semaphore, #tpu.memory_space<semaphore_mem>>
        %dma_start3A_73 = arith.constant 0 : i32
        %dma_start3A_74 = tpu.memref_slice %arg7[%run_scoped3A, %dma_start3A_73] : memref<40x128xi32, #tpu.memory_space<vmem>> -> memref<1x128xi32, #tpu.memory_space<vmem>>
        %dma_start3A_75 = tpu.memref_squeeze %dma_start3A_74 : memref<1x128xi32, #tpu.memory_space<vmem>> -> memref<128xi32, #tpu.memory_space<vmem>>
        %dma_start3A_76 = arith.constant 0 : i32
        %dma_start3A_77 = arith.constant 0 : i32
        %dma_start3A_78 = tpu.memref_slice %arg10[%dma_start3A_76, %dma_start3A_77] : memref<10016x128xf32, #tpu.memory_space<vmem_shared>> -> memref<10016x128xf32, #tpu.memory_space<vmem_shared>>
        tpu.enqueue_indirect_dma source(%arg8 : memref<128x128xf32, #tpu.memory_space<vmem>>) target(%dma_start3A_78 : memref<10016x128xf32, #tpu.memory_space<vmem_shared>>) offsets(%dma_start3A_75 : memref<128xi32, #tpu.memory_space<vmem>>) semaphore(%run_scoped3A_72 : memref<!tpu.dma_semaphore, #tpu.memory_space<semaphore_mem>>) {add = true}
        %dma_wait3A_79 = arith.constant 0 : i32
        %dma_wait3A_80 = tpu.memref_slice %arg7[%run_scoped3A, %dma_wait3A_79] : memref<40x128xi32, #tpu.memory_space<vmem>> -> memref<1x128xi32, #tpu.memory_space<vmem>>
        %dma_wait3A_81 = tpu.memref_squeeze %dma_wait3A_80 : memref<1x128xi32, #tpu.memory_space<vmem>> -> memref<128xi32, #tpu.memory_space<vmem>>
        %dma_wait3A_82 = arith.constant 0 : i32
        %dma_wait3A_83 = arith.constant 0 : i32
        %dma_wait3A_84 = tpu.memref_slice %arg10[%dma_wait3A_82, %dma_wait3A_83] : memref<10016x128xf32, #tpu.memory_space<vmem_shared>> -> memref<10016x128xf32, #tpu.memory_space<vmem_shared>>
        tpu.wait_indirect_dma semaphore(%run_scoped3A_72 : memref<!tpu.dma_semaphore, #tpu.memory_space<semaphore_mem>>) src(%arg8 : memref<128x128xf32, #tpu.memory_space<vmem>>) dst(%dma_wait3A_84 : memref<10016x128xf32, #tpu.memory_space<vmem_shared>>)
        tpu.yield
      }) : () -> ()
      %dma_wait3A_64 = arith.constant 39 : i32
      %dma_wait3A_65 = arith.constant 0 : i32
      %dma_wait3A_66 = tpu.memref_slice %arg6[%dma_wait3A_64, %dma_wait3A_65] : memref<40x128xi32, #tpu.memory_space<vmem>> -> memref<1x128xi32, #tpu.memory_space<vmem>>
      %dma_wait3A_67 = tpu.memref_squeeze %dma_wait3A_66 : memref<1x128xi32, #tpu.memory_space<vmem>> -> memref<128xi32, #tpu.memory_space<vmem>>
      %dma_wait3A_68 = arith.constant 0 : i32
      %dma_wait3A_69 = arith.constant 0 : i32
      %dma_wait3A_70 = tpu.memref_slice %arg2[%dma_wait3A_68, %dma_wait3A_69] : memref<20000x128xf32, #tpu.memory_space<hbm>> -> memref<20000x128xf32, #tpu.memory_space<hbm>>
      tpu.wait_indirect_dma semaphore(%arg12 : memref<!tpu.dma_semaphore, #tpu.memory_space<semaphore_mem>>) src(%dma_wait3A_70 : memref<20000x128xf32, #tpu.memory_space<hbm>>) dst(%arg9 : memref<128x128xf32, #tpu.memory_space<vmem>>)
      %run_scoped3A_71 = arith.constant 39 : i32
      "tpu.region"() ({
        %run_scoped3A_72 = tpu.sem_alloc : memref<!tpu.dma_semaphore, #tpu.memory_space<semaphore_mem>>
        %dma_start3A_73 = arith.constant 0 : i32
        %dma_start3A_74 = tpu.memref_slice %arg7[%run_scoped3A_71, %dma_start3A_73] : memref<40x128xi32, #tpu.memory_space<vmem>> -> memref<1x128xi32, #tpu.memory_space<vmem>>
        %dma_start3A_75 = tpu.memref_squeeze %dma_start3A_74 : memref<1x128xi32, #tpu.memory_space<vmem>> -> memref<128xi32, #tpu.memory_space<vmem>>
        %dma_start3A_76 = arith.constant 0 : i32
        %dma_start3A_77 = arith.constant 0 : i32
        %dma_start3A_78 = tpu.memref_slice %arg10[%dma_start3A_76, %dma_start3A_77] : memref<10016x128xf32, #tpu.memory_space<vmem_shared>> -> memref<10016x128xf32, #tpu.memory_space<vmem_shared>>
        tpu.enqueue_indirect_dma source(%arg9 : memref<128x128xf32, #tpu.memory_space<vmem>>) target(%dma_start3A_78 : memref<10016x128xf32, #tpu.memory_space<vmem_shared>>) offsets(%dma_start3A_75 : memref<128xi32, #tpu.memory_space<vmem>>) semaphore(%run_scoped3A_72 : memref<!tpu.dma_semaphore, #tpu.memory_space<semaphore_mem>>) {add = true}
        %dma_wait3A_79 = arith.constant 0 : i32
        %dma_wait3A_80 = tpu.memref_slice %arg7[%run_scoped3A_71, %dma_wait3A_79] : memref<40x128xi32, #tpu.memory_space<vmem>> -> memref<1x128xi32, #tpu.memory_space<vmem>>
        %dma_wait3A_81 = tpu.memref_squeeze %dma_wait3A_80 : memref<1x128xi32, #tpu.memory_space<vmem>> -> memref<128xi32, #tpu.memory_space<vmem>>
        %dma_wait3A_82 = arith.constant 0 : i32
        %dma_wait3A_83 = arith.constant 0 : i32
        %dma_wait3A_84 = tpu.memref_slice %arg10[%dma_wait3A_82, %dma_wait3A_83] : memref<10016x128xf32, #tpu.memory_space<vmem_shared>> -> memref<10016x128xf32, #tpu.memory_space<vmem_shared>>
        tpu.wait_indirect_dma semaphore(%run_scoped3A_72 : memref<!tpu.dma_semaphore, #tpu.memory_space<semaphore_mem>>) src(%arg9 : memref<128x128xf32, #tpu.memory_space<vmem>>) dst(%dma_wait3A_84 : memref<10016x128xf32, #tpu.memory_space<vmem_shared>>)
        tpu.yield
      }) : () -> ()
    }
    %scan3A_13 = arith.constant 2 : i32
    %barrier3A_14 = arith.constant 0 : index
    tpu.barrier barrier_id(%barrier3A_14)
    %lt3A_15 = arith.constant 15 : i32
    %lt3A_16 = arith.cmpi slt, %arg1, %lt3A_15 : i32
    %convert_element_type3A_17 = arith.extui %lt3A_16 : i1 to i32
    %cond3A_18 = arith.constant 0 : i32
    %cond3A_19 = arith.cmpi ne, %convert_element_type3A_17, %cond3A_18 : i32
    scf.if %cond3A_19 {
      %mul3A_25 = arith.constant 624 : i32
      %mul3A_26 = arith.muli %arg1, %mul3A_25 : i32
      %mul3A_27 = arith.constant 10000 : i32
      %mul3A_28 = arith.muli %add3A_1, %mul3A_27 : i32
      %mul3A_29 = arith.constant 624 : i32
      %mul3A_30 = arith.muli %arg1, %mul3A_29 : i32
      %add3A_31 = arith.addi %mul3A_28, %mul3A_30 : i32
      "tpu.region"() ({
        %run_scoped3A = tpu.sem_alloc : memref<!tpu.dma_semaphore, #tpu.memory_space<semaphore_mem>>
        %dma_start3A = arith.constant 0 : i32
        %dma_start3A_32 = tpu.memref_slice %arg5[%add3A_31, %dma_start3A] : memref<20000x128xf32, #tpu.memory_space<hbm>> -> memref<624x128xf32, #tpu.memory_space<hbm>>
        %dma_start3A_33 = arith.constant 0 : i32
        %dma_start3A_34 = tpu.memref_slice %arg10[%mul3A_26, %dma_start3A_33] : memref<10016x128xf32, #tpu.memory_space<vmem_shared>> -> memref<624x128xf32, #tpu.memory_space<vmem_shared>>
        tpu.enqueue_dma source(%dma_start3A_34 : memref<624x128xf32, #tpu.memory_space<vmem_shared>>) target(%dma_start3A_32 : memref<624x128xf32, #tpu.memory_space<hbm>>) target_semaphore(%run_scoped3A : memref<!tpu.dma_semaphore, #tpu.memory_space<semaphore_mem>>)
        %dma_wait3A = arith.constant 0 : i32
        %dma_wait3A_35 = tpu.memref_slice %arg5[%add3A_31, %dma_wait3A] : memref<20000x128xf32, #tpu.memory_space<hbm>> -> memref<624x128xf32, #tpu.memory_space<hbm>>
        %dma_wait3A_36 = arith.constant 0 : i32
        %dma_wait3A_37 = tpu.memref_slice %arg10[%mul3A_26, %dma_wait3A_36] : memref<10016x128xf32, #tpu.memory_space<vmem_shared>> -> memref<624x128xf32, #tpu.memory_space<vmem_shared>>
        tpu.wait_dma2 semaphore(%run_scoped3A : memref<!tpu.dma_semaphore, #tpu.memory_space<semaphore_mem>>) src(%dma_wait3A_37 : memref<624x128xf32, #tpu.memory_space<vmem_shared>>) dst(%dma_wait3A_35 : memref<624x128xf32, #tpu.memory_space<hbm>>)
        tpu.yield
      }) : () -> ()
    } else {
    }
    %eq3A_20 = arith.constant 15 : i32
    %eq3A_21 = arith.cmpi eq, %arg1, %eq3A_20 : i32
    %convert_element_type3A_22 = arith.extui %eq3A_21 : i1 to i32
    %cond3A_23 = arith.constant 0 : i32
    %cond3A_24 = arith.cmpi ne, %convert_element_type3A_22, %cond3A_23 : i32
    scf.if %cond3A_24 {
      %mul3A_25 = arith.constant 10000 : i32
      %mul3A_26 = arith.muli %add3A_1, %mul3A_25 : i32
      %add3A_27 = arith.constant 9360 : i32
      %add3A_28 = arith.addi %mul3A_26, %add3A_27 : i32
      "tpu.region"() ({
        %run_scoped3A = tpu.sem_alloc : memref<!tpu.dma_semaphore, #tpu.memory_space<semaphore_mem>>
        %dma_start3A = arith.constant 0 : i32
        %dma_start3A_29 = tpu.memref_slice %arg5[%add3A_28, %dma_start3A] : memref<20000x128xf32, #tpu.memory_space<hbm>> -> memref<640x128xf32, #tpu.memory_space<hbm>>
        %dma_start3A_30 = arith.constant 9360 : i32
        %dma_start3A_31 = arith.constant 0 : i32
        %dma_start3A_32 = tpu.memref_slice %arg10[%dma_start3A_30, %dma_start3A_31] : memref<10016x128xf32, #tpu.memory_space<vmem_shared>> -> memref<640x128xf32, #tpu.memory_space<vmem_shared>>
        tpu.enqueue_dma source(%dma_start3A_32 : memref<640x128xf32, #tpu.memory_space<vmem_shared>>) target(%dma_start3A_29 : memref<640x128xf32, #tpu.memory_space<hbm>>) target_semaphore(%run_scoped3A : memref<!tpu.dma_semaphore, #tpu.memory_space<semaphore_mem>>)
        %dma_wait3A = arith.constant 0 : i32
        %dma_wait3A_33 = tpu.memref_slice %arg5[%add3A_28, %dma_wait3A] : memref<20000x128xf32, #tpu.memory_space<hbm>> -> memref<640x128xf32, #tpu.memory_space<hbm>>
        %dma_wait3A_34 = arith.constant 9360 : i32
        %dma_wait3A_35 = arith.constant 0 : i32
        %dma_wait3A_36 = tpu.memref_slice %arg10[%dma_wait3A_34, %dma_wait3A_35] : memref<10016x128xf32, #tpu.memory_space<vmem_shared>> -> memref<640x128xf32, #tpu.memory_space<vmem_shared>>
        tpu.wait_dma2 semaphore(%run_scoped3A : memref<!tpu.dma_semaphore, #tpu.memory_space<semaphore_mem>>) src(%dma_wait3A_36 : memref<640x128xf32, #tpu.memory_space<vmem_shared>>) dst(%dma_wait3A_33 : memref<640x128xf32, #tpu.memory_space<hbm>>)
        tpu.yield
      }) : () -> ()
    } else {
    }
    return
  }
}

#map = affine_map<(d0, d1) -> (0, 0)>
module attributes {stable_mosaic.version = 14 : i64} {
  func.func @spmm_kernel(%arg0: i32, %arg1: i32, %arg2: memref<40000x128xf32, #tpu.memory_space<hbm>>, %arg3: memref<1280x128xi32, #tpu.memory_space<hbm>>, %arg4: memref<1280x128xi32, #tpu.memory_space<hbm>>, %arg5: memref<40000x128xf32, #tpu.memory_space<hbm>>, %arg6: memref<40x128xi32, #tpu.memory_space<vmem>>, %arg7: memref<40x128xi32, #tpu.memory_space<vmem>>, %arg8: memref<128x128xf32, #tpu.memory_space<vmem>>, %arg9: memref<128x128xf32, #tpu.memory_space<vmem>>, %arg10: memref<10016x128xf32, #tpu.memory_space<vmem_shared>>, %arg11: memref<!tpu.dma_semaphore, #tpu.memory_space<semaphore_mem>>, %arg12: memref<!tpu.dma_semaphore, #tpu.memory_space<semaphore_mem>>) attributes {dimension_semantics = [#tpu.dimension_semantics<core_parallel>, #tpu.dimension_semantics<subcore_parallel>], iteration_bounds = array<i64: 2, 16>, scalar_prefetch = 0 : i64, scratch_operands = 7 : i64, tpu.core_type = #tpu.core_type<sc_vector_subcore>, window_params = [{transform_indices = #map}, {transform_indices = #map}, {transform_indices = #map}, {transform_indices = #map}]} {
    %mul3A = arith.constant 2 : i32
    %mul3A_0 = arith.muli %arg0, %mul3A : i32
    %add3A = arith.constant 0 : i32
    %add3A_1 = arith.addi %mul3A_0, %add3A : i32
    %lt3A = arith.constant 15 : i32
    %lt3A_2 = arith.cmpi slt, %arg1, %lt3A : i32
    %convert_element_type3A = arith.extui %lt3A_2 : i1 to i32
    %cond3A = arith.constant 0 : i32
    %cond3A_3 = arith.cmpi ne, %convert_element_type3A, %cond3A : i32
    scf.if %cond3A_3 {
      %mul3A_58 = arith.constant 10000 : i32
      %mul3A_59 = arith.muli %add3A_1, %mul3A_58 : i32
      %mul3A_60 = arith.constant 624 : i32
      %mul3A_61 = arith.muli %arg1, %mul3A_60 : i32
      %add3A_62 = arith.addi %mul3A_59, %mul3A_61 : i32
      %mul3A_63 = arith.constant 624 : i32
      %mul3A_64 = arith.muli %arg1, %mul3A_63 : i32
      "tpu.region"() ({
        %run_scoped3A = tpu.sem_alloc : memref<!tpu.dma_semaphore, #tpu.memory_space<semaphore_mem>>
        %dma_start3A = arith.constant 0 : i32
        %dma_start3A_65 = tpu.memref_slice %arg10[%mul3A_64, %dma_start3A] : memref<10016x128xf32, #tpu.memory_space<vmem_shared>> -> memref<624x128xf32, #tpu.memory_space<vmem_shared>>
        %dma_start3A_66 = arith.constant 0 : i32
        %dma_start3A_67 = tpu.memref_slice %arg2[%add3A_62, %dma_start3A_66] : memref<40000x128xf32, #tpu.memory_space<hbm>> -> memref<624x128xf32, #tpu.memory_space<hbm>>
        tpu.enqueue_dma source(%dma_start3A_67 : memref<624x128xf32, #tpu.memory_space<hbm>>) target(%dma_start3A_65 : memref<624x128xf32, #tpu.memory_space<vmem_shared>>) target_semaphore(%run_scoped3A : memref<!tpu.dma_semaphore, #tpu.memory_space<semaphore_mem>>)
        %dma_wait3A = arith.constant 0 : i32
        %dma_wait3A_68 = tpu.memref_slice %arg10[%mul3A_64, %dma_wait3A] : memref<10016x128xf32, #tpu.memory_space<vmem_shared>> -> memref<624x128xf32, #tpu.memory_space<vmem_shared>>
        %dma_wait3A_69 = arith.constant 0 : i32
        %dma_wait3A_70 = tpu.memref_slice %arg2[%add3A_62, %dma_wait3A_69] : memref<40000x128xf32, #tpu.memory_space<hbm>> -> memref<624x128xf32, #tpu.memory_space<hbm>>
        tpu.wait_dma2 semaphore(%run_scoped3A : memref<!tpu.dma_semaphore, #tpu.memory_space<semaphore_mem>>) src(%dma_wait3A_70 : memref<624x128xf32, #tpu.memory_space<hbm>>) dst(%dma_wait3A_68 : memref<624x128xf32, #tpu.memory_space<vmem_shared>>)
        tpu.yield
      }) : () -> ()
    } else {
    }
    %eq3A = arith.constant 15 : i32
    %eq3A_4 = arith.cmpi eq, %arg1, %eq3A : i32
    %convert_element_type3A_5 = arith.extui %eq3A_4 : i1 to i32
    %cond3A_6 = arith.constant 0 : i32
    %cond3A_7 = arith.cmpi ne, %convert_element_type3A_5, %cond3A_6 : i32
    scf.if %cond3A_7 {
      %mul3A_58 = arith.constant 10000 : i32
      %mul3A_59 = arith.muli %add3A_1, %mul3A_58 : i32
      %add3A_60 = arith.constant 9360 : i32
      %add3A_61 = arith.addi %mul3A_59, %add3A_60 : i32
      "tpu.region"() ({
        %run_scoped3A = tpu.sem_alloc : memref<!tpu.dma_semaphore, #tpu.memory_space<semaphore_mem>>
        %dma_start3A = arith.constant 9360 : i32
        %dma_start3A_62 = arith.constant 0 : i32
        %dma_start3A_63 = tpu.memref_slice %arg10[%dma_start3A, %dma_start3A_62] : memref<10016x128xf32, #tpu.memory_space<vmem_shared>> -> memref<640x128xf32, #tpu.memory_space<vmem_shared>>
        %dma_start3A_64 = arith.constant 0 : i32
        %dma_start3A_65 = tpu.memref_slice %arg2[%add3A_61, %dma_start3A_64] : memref<40000x128xf32, #tpu.memory_space<hbm>> -> memref<640x128xf32, #tpu.memory_space<hbm>>
        tpu.enqueue_dma source(%dma_start3A_65 : memref<640x128xf32, #tpu.memory_space<hbm>>) target(%dma_start3A_63 : memref<640x128xf32, #tpu.memory_space<vmem_shared>>) target_semaphore(%run_scoped3A : memref<!tpu.dma_semaphore, #tpu.memory_space<semaphore_mem>>)
        %dma_wait3A = arith.constant 9360 : i32
        %dma_wait3A_66 = arith.constant 0 : i32
        %dma_wait3A_67 = tpu.memref_slice %arg10[%dma_wait3A, %dma_wait3A_66] : memref<10016x128xf32, #tpu.memory_space<vmem_shared>> -> memref<640x128xf32, #tpu.memory_space<vmem_shared>>
        %dma_wait3A_68 = arith.constant 0 : i32
        %dma_wait3A_69 = tpu.memref_slice %arg2[%add3A_61, %dma_wait3A_68] : memref<40000x128xf32, #tpu.memory_space<hbm>> -> memref<640x128xf32, #tpu.memory_space<hbm>>
        tpu.wait_dma2 semaphore(%run_scoped3A : memref<!tpu.dma_semaphore, #tpu.memory_space<semaphore_mem>>) src(%dma_wait3A_69 : memref<640x128xf32, #tpu.memory_space<hbm>>) dst(%dma_wait3A_67 : memref<640x128xf32, #tpu.memory_space<vmem_shared>>)
        tpu.yield
      }) : () -> ()
    } else {
    }
    %mul3A_8 = arith.constant 10000 : i32
    %mul3A_9 = arith.muli %add3A_1, %mul3A_8 : i32
    %barrier3A = arith.constant 0 : index
    tpu.barrier barrier_id(%barrier3A)
    %scan3A = arith.constant 0 : i32
    %scan3A_10 = arith.constant 2 : i32
    %scan3A_11 = arith.addi %scan3A, %scan3A_10 : i32
    %scan3A_12 = arith.constant 1 : i32
    scf.for %scan3A_58 = %scan3A to %scan3A_11 step %scan3A_12  : i32 {
      %mul3A_59 = arith.constant 1 : i32
      %mul3A_60 = arith.muli %scan3A_58, %mul3A_59 : i32
      %add3A_61 = arith.constant 0 : i32
      %add3A_62 = arith.addi %add3A_61, %mul3A_60 : i32
      %mul3A_63 = arith.constant 80 : i32
      %mul3A_64 = arith.muli %arg1, %mul3A_63 : i32
      %mul3A_65 = arith.constant 40 : i32
      %mul3A_66 = arith.muli %add3A_62, %mul3A_65 : i32
      %add3A_67 = arith.addi %mul3A_64, %mul3A_66 : i32
      "tpu.region"() ({
        %run_scoped3A_105 = tpu.sem_alloc : memref<!tpu.dma_semaphore, #tpu.memory_space<semaphore_mem>>
        %dma_start3A_106 = arith.constant 0 : i32
        %dma_start3A_107 = tpu.memref_slice %arg4[%add3A_67, %dma_start3A_106] : memref<1280x128xi32, #tpu.memory_space<hbm>> -> memref<40x128xi32, #tpu.memory_space<hbm>>
        %dma_start3A_108 = arith.constant 0 : i32
        %dma_start3A_109 = tpu.memref_slice %arg4[%add3A_67, %dma_start3A_108] : memref<1280x128xi32, #tpu.memory_space<hbm>> -> memref<40x128xi32, #tpu.memory_space<hbm>>
        tpu.enqueue_dma source(%dma_start3A_109 : memref<40x128xi32, #tpu.memory_space<hbm>>) target(%arg6 : memref<40x128xi32, #tpu.memory_space<vmem>>) target_semaphore(%run_scoped3A_105 : memref<!tpu.dma_semaphore, #tpu.memory_space<semaphore_mem>>)
        %dma_wait3A_110 = arith.constant 0 : i32
        %dma_wait3A_111 = tpu.memref_slice %arg4[%add3A_67, %dma_wait3A_110] : memref<1280x128xi32, #tpu.memory_space<hbm>> -> memref<40x128xi32, #tpu.memory_space<hbm>>
        %dma_wait3A_112 = arith.constant 0 : i32
        %dma_wait3A_113 = tpu.memref_slice %arg4[%add3A_67, %dma_wait3A_112] : memref<1280x128xi32, #tpu.memory_space<hbm>> -> memref<40x128xi32, #tpu.memory_space<hbm>>
        tpu.wait_dma2 semaphore(%run_scoped3A_105 : memref<!tpu.dma_semaphore, #tpu.memory_space<semaphore_mem>>) src(%dma_wait3A_113 : memref<40x128xi32, #tpu.memory_space<hbm>>) dst(%arg6 : memref<40x128xi32, #tpu.memory_space<vmem>>)
        tpu.yield
      }) : () -> ()
      "tpu.region"() ({
        %run_scoped3A_105 = tpu.sem_alloc : memref<!tpu.dma_semaphore, #tpu.memory_space<semaphore_mem>>
        %dma_start3A_106 = arith.constant 0 : i32
        %dma_start3A_107 = tpu.memref_slice %arg3[%add3A_67, %dma_start3A_106] : memref<1280x128xi32, #tpu.memory_space<hbm>> -> memref<40x128xi32, #tpu.memory_space<hbm>>
        %dma_start3A_108 = arith.constant 0 : i32
        %dma_start3A_109 = tpu.memref_slice %arg3[%add3A_67, %dma_start3A_108] : memref<1280x128xi32, #tpu.memory_space<hbm>> -> memref<40x128xi32, #tpu.memory_space<hbm>>
        tpu.enqueue_dma source(%dma_start3A_109 : memref<40x128xi32, #tpu.memory_space<hbm>>) target(%arg7 : memref<40x128xi32, #tpu.memory_space<vmem>>) target_semaphore(%run_scoped3A_105 : memref<!tpu.dma_semaphore, #tpu.memory_space<semaphore_mem>>)
        %dma_wait3A_110 = arith.constant 0 : i32
        %dma_wait3A_111 = tpu.memref_slice %arg3[%add3A_67, %dma_wait3A_110] : memref<1280x128xi32, #tpu.memory_space<hbm>> -> memref<40x128xi32, #tpu.memory_space<hbm>>
        %dma_wait3A_112 = arith.constant 0 : i32
        %dma_wait3A_113 = tpu.memref_slice %arg3[%add3A_67, %dma_wait3A_112] : memref<1280x128xi32, #tpu.memory_space<hbm>> -> memref<40x128xi32, #tpu.memory_space<hbm>>
        tpu.wait_dma2 semaphore(%run_scoped3A_105 : memref<!tpu.dma_semaphore, #tpu.memory_space<semaphore_mem>>) src(%dma_wait3A_113 : memref<40x128xi32, #tpu.memory_space<hbm>>) dst(%arg7 : memref<40x128xi32, #tpu.memory_space<vmem>>)
        tpu.yield
      }) : () -> ()
      %scan3A_68 = arith.constant 0 : i32
      %scan3A_69 = arith.constant 40 : i32
      %scan3A_70 = arith.addi %scan3A_68, %scan3A_69 : i32
      %scan3A_71 = arith.constant 1 : i32
      scf.for %scan3A_105 = %scan3A_68 to %scan3A_70 step %scan3A_71  : i32 {
        %mul3A_106 = arith.constant 1 : i32
        %mul3A_107 = arith.muli %scan3A_105, %mul3A_106 : i32
        %add3A_108 = arith.constant 0 : i32
        %add3A_109 = arith.addi %add3A_108, %mul3A_107 : i32
        %get3A = arith.index_cast %add3A_109 : i32 to index
        %get3A_110 = arith.constant 0 : index
        %get3A_111 = tpu.vector_load %arg6[%get3A, %get3A_110] {strides = array<i32>} : memref<40x128xi32, #tpu.memory_space<vmem>>, vector<1x16xi32>,
        %get3A_112 = vector.shape_cast %get3A_111 : vector<1x16xi32> to vector<16xi32>
        %add3A_113 = vector.broadcast %mul3A_9 : i32 to vector<16xi32>
        %add3A_114 = arith.addi %get3A_112, %add3A_113 : vector<16xi32>
        %swap3A = arith.index_cast %add3A_109 : i32 to index
        %swap3A_115 = arith.constant 0 : index
        %swap3A_116 = tpu.vector_load %arg6[%swap3A, %swap3A_115] {strides = array<i32>} : memref<40x128xi32, #tpu.memory_space<vmem>>, vector<1x16xi32>,
        %swap3A_117 = vector.shape_cast %swap3A_116 : vector<1x16xi32> to vector<16xi32>
        %swap3A_118 = vector.shape_cast %add3A_114 : vector<16xi32> to vector<1x16xi32>
        tpu.vector_store %arg6[%swap3A, %swap3A_115], %swap3A_118 {strides = array<i32>} : memref<40x128xi32, #tpu.memory_space<vmem>>, vector<1x16xi32>,
        %get3A_119 = arith.index_cast %add3A_109 : i32 to index
        %get3A_120 = arith.constant 16 : index
        %get3A_121 = tpu.vector_load %arg6[%get3A_119, %get3A_120] {strides = array<i32>} : memref<40x128xi32, #tpu.memory_space<vmem>>, vector<1x16xi32>,
        %get3A_122 = vector.shape_cast %get3A_121 : vector<1x16xi32> to vector<16xi32>
        %add3A_123 = vector.broadcast %mul3A_9 : i32 to vector<16xi32>
        %add3A_124 = arith.addi %get3A_122, %add3A_123 : vector<16xi32>
        %swap3A_125 = arith.index_cast %add3A_109 : i32 to index
        %swap3A_126 = arith.constant 16 : index
        %swap3A_127 = tpu.vector_load %arg6[%swap3A_125, %swap3A_126] {strides = array<i32>} : memref<40x128xi32, #tpu.memory_space<vmem>>, vector<1x16xi32>,
        %swap3A_128 = vector.shape_cast %swap3A_127 : vector<1x16xi32> to vector<16xi32>
        %swap3A_129 = vector.shape_cast %add3A_124 : vector<16xi32> to vector<1x16xi32>
        tpu.vector_store %arg6[%swap3A_125, %swap3A_126], %swap3A_129 {strides = array<i32>} : memref<40x128xi32, #tpu.memory_space<vmem>>, vector<1x16xi32>,
        %get3A_130 = arith.index_cast %add3A_109 : i32 to index
        %get3A_131 = arith.constant 32 : index
        %get3A_132 = tpu.vector_load %arg6[%get3A_130, %get3A_131] {strides = array<i32>} : memref<40x128xi32, #tpu.memory_space<vmem>>, vector<1x16xi32>,
        %get3A_133 = vector.shape_cast %get3A_132 : vector<1x16xi32> to vector<16xi32>
        %add3A_134 = vector.broadcast %mul3A_9 : i32 to vector<16xi32>
        %add3A_135 = arith.addi %get3A_133, %add3A_134 : vector<16xi32>
        %swap3A_136 = arith.index_cast %add3A_109 : i32 to index
        %swap3A_137 = arith.constant 32 : index
        %swap3A_138 = tpu.vector_load %arg6[%swap3A_136, %swap3A_137] {strides = array<i32>} : memref<40x128xi32, #tpu.memory_space<vmem>>, vector<1x16xi32>,
        %swap3A_139 = vector.shape_cast %swap3A_138 : vector<1x16xi32> to vector<16xi32>
        %swap3A_140 = vector.shape_cast %add3A_135 : vector<16xi32> to vector<1x16xi32>
        tpu.vector_store %arg6[%swap3A_136, %swap3A_137], %swap3A_140 {strides = array<i32>} : memref<40x128xi32, #tpu.memory_space<vmem>>, vector<1x16xi32>,
        %get3A_141 = arith.index_cast %add3A_109 : i32 to index
        %get3A_142 = arith.constant 48 : index
        %get3A_143 = tpu.vector_load %arg6[%get3A_141, %get3A_142] {strides = array<i32>} : memref<40x128xi32, #tpu.memory_space<vmem>>, vector<1x16xi32>,
        %get3A_144 = vector.shape_cast %get3A_143 : vector<1x16xi32> to vector<16xi32>
        %add3A_145 = vector.broadcast %mul3A_9 : i32 to vector<16xi32>
        %add3A_146 = arith.addi %get3A_144, %add3A_145 : vector<16xi32>
        %swap3A_147 = arith.index_cast %add3A_109 : i32 to index
        %swap3A_148 = arith.constant 48 : index
        %swap3A_149 = tpu.vector_load %arg6[%swap3A_147, %swap3A_148] {strides = array<i32>} : memref<40x128xi32, #tpu.memory_space<vmem>>, vector<1x16xi32>,
        %swap3A_150 = vector.shape_cast %swap3A_149 : vector<1x16xi32> to vector<16xi32>
        %swap3A_151 = vector.shape_cast %add3A_146 : vector<16xi32> to vector<1x16xi32>
        tpu.vector_store %arg6[%swap3A_147, %swap3A_148], %swap3A_151 {strides = array<i32>} : memref<40x128xi32, #tpu.memory_space<vmem>>, vector<1x16xi32>,
        %get3A_152 = arith.index_cast %add3A_109 : i32 to index
        %get3A_153 = arith.constant 64 : index
        %get3A_154 = tpu.vector_load %arg6[%get3A_152, %get3A_153] {strides = array<i32>} : memref<40x128xi32, #tpu.memory_space<vmem>>, vector<1x16xi32>,
        %get3A_155 = vector.shape_cast %get3A_154 : vector<1x16xi32> to vector<16xi32>
        %add3A_156 = vector.broadcast %mul3A_9 : i32 to vector<16xi32>
        %add3A_157 = arith.addi %get3A_155, %add3A_156 : vector<16xi32>
        %swap3A_158 = arith.index_cast %add3A_109 : i32 to index
        %swap3A_159 = arith.constant 64 : index
        %swap3A_160 = tpu.vector_load %arg6[%swap3A_158, %swap3A_159] {strides = array<i32>} : memref<40x128xi32, #tpu.memory_space<vmem>>, vector<1x16xi32>,
        %swap3A_161 = vector.shape_cast %swap3A_160 : vector<1x16xi32> to vector<16xi32>
        %swap3A_162 = vector.shape_cast %add3A_157 : vector<16xi32> to vector<1x16xi32>
        tpu.vector_store %arg6[%swap3A_158, %swap3A_159], %swap3A_162 {strides = array<i32>} : memref<40x128xi32, #tpu.memory_space<vmem>>, vector<1x16xi32>,
        %get3A_163 = arith.index_cast %add3A_109 : i32 to index
        %get3A_164 = arith.constant 80 : index
        %get3A_165 = tpu.vector_load %arg6[%get3A_163, %get3A_164] {strides = array<i32>} : memref<40x128xi32, #tpu.memory_space<vmem>>, vector<1x16xi32>,
        %get3A_166 = vector.shape_cast %get3A_165 : vector<1x16xi32> to vector<16xi32>
        %add3A_167 = vector.broadcast %mul3A_9 : i32 to vector<16xi32>
        %add3A_168 = arith.addi %get3A_166, %add3A_167 : vector<16xi32>
        %swap3A_169 = arith.index_cast %add3A_109 : i32 to index
        %swap3A_170 = arith.constant 80 : index
        %swap3A_171 = tpu.vector_load %arg6[%swap3A_169, %swap3A_170] {strides = array<i32>} : memref<40x128xi32, #tpu.memory_space<vmem>>, vector<1x16xi32>,
        %swap3A_172 = vector.shape_cast %swap3A_171 : vector<1x16xi32> to vector<16xi32>
        %swap3A_173 = vector.shape_cast %add3A_168 : vector<16xi32> to vector<1x16xi32>
        tpu.vector_store %arg6[%swap3A_169, %swap3A_170], %swap3A_173 {strides = array<i32>} : memref<40x128xi32, #tpu.memory_space<vmem>>, vector<1x16xi32>,
        %get3A_174 = arith.index_cast %add3A_109 : i32 to index
        %get3A_175 = arith.constant 96 : index
        %get3A_176 = tpu.vector_load %arg6[%get3A_174, %get3A_175] {strides = array<i32>} : memref<40x128xi32, #tpu.memory_space<vmem>>, vector<1x16xi32>,
        %get3A_177 = vector.shape_cast %get3A_176 : vector<1x16xi32> to vector<16xi32>
        %add3A_178 = vector.broadcast %mul3A_9 : i32 to vector<16xi32>
        %add3A_179 = arith.addi %get3A_177, %add3A_178 : vector<16xi32>
        %swap3A_180 = arith.index_cast %add3A_109 : i32 to index
        %swap3A_181 = arith.constant 96 : index
        %swap3A_182 = tpu.vector_load %arg6[%swap3A_180, %swap3A_181] {strides = array<i32>} : memref<40x128xi32, #tpu.memory_space<vmem>>, vector<1x16xi32>,
        %swap3A_183 = vector.shape_cast %swap3A_182 : vector<1x16xi32> to vector<16xi32>
        %swap3A_184 = vector.shape_cast %add3A_179 : vector<16xi32> to vector<1x16xi32>
        tpu.vector_store %arg6[%swap3A_180, %swap3A_181], %swap3A_184 {strides = array<i32>} : memref<40x128xi32, #tpu.memory_space<vmem>>, vector<1x16xi32>,
        %get3A_185 = arith.index_cast %add3A_109 : i32 to index
        %get3A_186 = arith.constant 112 : index
        %get3A_187 = tpu.vector_load %arg6[%get3A_185, %get3A_186] {strides = array<i32>} : memref<40x128xi32, #tpu.memory_space<vmem>>, vector<1x16xi32>,
        %get3A_188 = vector.shape_cast %get3A_187 : vector<1x16xi32> to vector<16xi32>
        %add3A_189 = vector.broadcast %mul3A_9 : i32 to vector<16xi32>
        %add3A_190 = arith.addi %get3A_188, %add3A_189 : vector<16xi32>
        %swap3A_191 = arith.index_cast %add3A_109 : i32 to index
        %swap3A_192 = arith.constant 112 : index
        %swap3A_193 = tpu.vector_load %arg6[%swap3A_191, %swap3A_192] {strides = array<i32>} : memref<40x128xi32, #tpu.memory_space<vmem>>, vector<1x16xi32>,
        %swap3A_194 = vector.shape_cast %swap3A_193 : vector<1x16xi32> to vector<16xi32>
        %swap3A_195 = vector.shape_cast %add3A_190 : vector<16xi32> to vector<1x16xi32>
        tpu.vector_store %arg6[%swap3A_191, %swap3A_192], %swap3A_195 {strides = array<i32>} : memref<40x128xi32, #tpu.memory_space<vmem>>, vector<1x16xi32>,
      }
      %scan3A_72 = arith.constant 40 : i32
      %dma_start3A = arith.constant 0 : i32
      %dma_start3A_73 = arith.constant 0 : i32
      %dma_start3A_74 = tpu.memref_slice %arg6[%dma_start3A, %dma_start3A_73] : memref<40x128xi32, #tpu.memory_space<vmem>> -> memref<1x128xi32, #tpu.memory_space<vmem>>
      %dma_start3A_75 = tpu.memref_squeeze %dma_start3A_74 : memref<1x128xi32, #tpu.memory_space<vmem>> -> memref<128xi32, #tpu.memory_space<vmem>>
      %dma_start3A_76 = arith.constant 0 : i32
      %dma_start3A_77 = arith.constant 0 : i32
      %dma_start3A_78 = tpu.memref_slice %arg2[%dma_start3A_76, %dma_start3A_77] : memref<40000x128xf32, #tpu.memory_space<hbm>> -> memref<40000x128xf32, #tpu.memory_space<hbm>>
      tpu.enqueue_indirect_dma source(%dma_start3A_78 : memref<40000x128xf32, #tpu.memory_space<hbm>>) target(%arg8 : memref<128x128xf32, #tpu.memory_space<vmem>>) offsets(%dma_start3A_75 : memref<128xi32, #tpu.memory_space<vmem>>) semaphore(%arg11 : memref<!tpu.dma_semaphore, #tpu.memory_space<semaphore_mem>>)
      %dma_start3A_79 = arith.constant 1 : i32
      %dma_start3A_80 = arith.constant 0 : i32
      %dma_start3A_81 = tpu.memref_slice %arg6[%dma_start3A_79, %dma_start3A_80] : memref<40x128xi32, #tpu.memory_space<vmem>> -> memref<1x128xi32, #tpu.memory_space<vmem>>
      %dma_start3A_82 = tpu.memref_squeeze %dma_start3A_81 : memref<1x128xi32, #tpu.memory_space<vmem>> -> memref<128xi32, #tpu.memory_space<vmem>>
      %dma_start3A_83 = arith.constant 0 : i32
      %dma_start3A_84 = arith.constant 0 : i32
      %dma_start3A_85 = tpu.memref_slice %arg2[%dma_start3A_83, %dma_start3A_84] : memref<40000x128xf32, #tpu.memory_space<hbm>> -> memref<40000x128xf32, #tpu.memory_space<hbm>>
      tpu.enqueue_indirect_dma source(%dma_start3A_85 : memref<40000x128xf32, #tpu.memory_space<hbm>>) target(%arg9 : memref<128x128xf32, #tpu.memory_space<vmem>>) offsets(%dma_start3A_82 : memref<128xi32, #tpu.memory_space<vmem>>) semaphore(%arg12 : memref<!tpu.dma_semaphore, #tpu.memory_space<semaphore_mem>>)
      %scan3A_86 = arith.constant 0 : i32
      %scan3A_87 = arith.constant 19 : i32
      %scan3A_88 = arith.addi %scan3A_86, %scan3A_87 : i32
      %scan3A_89 = arith.constant 1 : i32
      scf.for %scan3A_105 = %scan3A_86 to %scan3A_88 step %scan3A_89  : i32 {
        %mul3A_106 = arith.constant 2 : i32
        %mul3A_107 = arith.muli %scan3A_105, %mul3A_106 : i32
        %add3A_108 = arith.constant 0 : i32
        %add3A_109 = arith.addi %add3A_108, %mul3A_107 : i32
        %add3A_110 = arith.constant 0 : i32
        %add3A_111 = arith.addi %add3A_109, %add3A_110 : i32
        %dma_wait3A_112 = arith.constant 0 : i32
        %dma_wait3A_113 = tpu.memref_slice %arg6[%add3A_111, %dma_wait3A_112] : memref<40x128xi32, #tpu.memory_space<vmem>> -> memref<1x128xi32, #tpu.memory_space<vmem>>
        %dma_wait3A_114 = tpu.memref_squeeze %dma_wait3A_113 : memref<1x128xi32, #tpu.memory_space<vmem>> -> memref<128xi32, #tpu.memory_space<vmem>>
        %dma_wait3A_115 = arith.constant 0 : i32
        %dma_wait3A_116 = arith.constant 0 : i32
        %dma_wait3A_117 = tpu.memref_slice %arg2[%dma_wait3A_115, %dma_wait3A_116] : memref<40000x128xf32, #tpu.memory_space<hbm>> -> memref<40000x128xf32, #tpu.memory_space<hbm>>
        tpu.wait_indirect_dma semaphore(%arg11 : memref<!tpu.dma_semaphore, #tpu.memory_space<semaphore_mem>>) src(%dma_wait3A_117 : memref<40000x128xf32, #tpu.memory_space<hbm>>) dst(%arg8 : memref<128x128xf32, #tpu.memory_space<vmem>>)
        %add3A_118 = arith.constant 0 : i32
        %add3A_119 = arith.addi %add3A_109, %add3A_118 : i32
        "tpu.region"() ({
          %run_scoped3A_150 = tpu.sem_alloc : memref<!tpu.dma_semaphore, #tpu.memory_space<semaphore_mem>>
          %dma_start3A_151 = arith.constant 0 : i32
          %dma_start3A_152 = tpu.memref_slice %arg7[%add3A_119, %dma_start3A_151] : memref<40x128xi32, #tpu.memory_space<vmem>> -> memref<1x128xi32, #tpu.memory_space<vmem>>
          %dma_start3A_153 = tpu.memref_squeeze %dma_start3A_152 : memref<1x128xi32, #tpu.memory_space<vmem>> -> memref<128xi32, #tpu.memory_space<vmem>>
          %dma_start3A_154 = arith.constant 0 : i32
          %dma_start3A_155 = arith.constant 0 : i32
          %dma_start3A_156 = tpu.memref_slice %arg10[%dma_start3A_154, %dma_start3A_155] : memref<10016x128xf32, #tpu.memory_space<vmem_shared>> -> memref<10016x128xf32, #tpu.memory_space<vmem_shared>>
          tpu.enqueue_indirect_dma source(%arg8 : memref<128x128xf32, #tpu.memory_space<vmem>>) target(%dma_start3A_156 : memref<10016x128xf32, #tpu.memory_space<vmem_shared>>) offsets(%dma_start3A_153 : memref<128xi32, #tpu.memory_space<vmem>>) semaphore(%run_scoped3A_150 : memref<!tpu.dma_semaphore, #tpu.memory_space<semaphore_mem>>) {add = true}
          %dma_wait3A_157 = arith.constant 0 : i32
          %dma_wait3A_158 = tpu.memref_slice %arg7[%add3A_119, %dma_wait3A_157] : memref<40x128xi32, #tpu.memory_space<vmem>> -> memref<1x128xi32, #tpu.memory_space<vmem>>
          %dma_wait3A_159 = tpu.memref_squeeze %dma_wait3A_158 : memref<1x128xi32, #tpu.memory_space<vmem>> -> memref<128xi32, #tpu.memory_space<vmem>>
          %dma_wait3A_160 = arith.constant 0 : i32
          %dma_wait3A_161 = arith.constant 0 : i32
          %dma_wait3A_162 = tpu.memref_slice %arg10[%dma_wait3A_160, %dma_wait3A_161] : memref<10016x128xf32, #tpu.memory_space<vmem_shared>> -> memref<10016x128xf32, #tpu.memory_space<vmem_shared>>
          tpu.wait_indirect_dma semaphore(%run_scoped3A_150 : memref<!tpu.dma_semaphore, #tpu.memory_space<semaphore_mem>>) src(%arg8 : memref<128x128xf32, #tpu.memory_space<vmem>>) dst(%dma_wait3A_162 : memref<10016x128xf32, #tpu.memory_space<vmem_shared>>)
          tpu.yield
        }) : () -> ()
        %add3A_120 = arith.constant 2 : i32
        %add3A_121 = arith.addi %add3A_109, %add3A_120 : i32
        %add3A_122 = arith.constant 0 : i32
        %add3A_123 = arith.addi %add3A_121, %add3A_122 : i32
        %dma_start3A_124 = arith.constant 0 : i32
        %dma_start3A_125 = tpu.memref_slice %arg6[%add3A_123, %dma_start3A_124] : memref<40x128xi32, #tpu.memory_space<vmem>> -> memref<1x128xi32, #tpu.memory_space<vmem>>
        %dma_start3A_126 = tpu.memref_squeeze %dma_start3A_125 : memref<1x128xi32, #tpu.memory_space<vmem>> -> memref<128xi32, #tpu.memory_space<vmem>>
        %dma_start3A_127 = arith.constant 0 : i32
        %dma_start3A_128 = arith.constant 0 : i32
        %dma_start3A_129 = tpu.memref_slice %arg2[%dma_start3A_127, %dma_start3A_128] : memref<40000x128xf32, #tpu.memory_space<hbm>> -> memref<40000x128xf32, #tpu.memory_space<hbm>>
        tpu.enqueue_indirect_dma source(%dma_start3A_129 : memref<40000x128xf32, #tpu.memory_space<hbm>>) target(%arg8 : memref<128x128xf32, #tpu.memory_space<vmem>>) offsets(%dma_start3A_126 : memref<128xi32, #tpu.memory_space<vmem>>) semaphore(%arg11 : memref<!tpu.dma_semaphore, #tpu.memory_space<semaphore_mem>>)
        %add3A_130 = arith.constant 1 : i32
        %add3A_131 = arith.addi %add3A_109, %add3A_130 : i32
        %dma_wait3A_132 = arith.constant 0 : i32
        %dma_wait3A_133 = tpu.memref_slice %arg6[%add3A_131, %dma_wait3A_132] : memref<40x128xi32, #tpu.memory_space<vmem>> -> memref<1x128xi32, #tpu.memory_space<vmem>>
        %dma_wait3A_134 = tpu.memref_squeeze %dma_wait3A_133 : memref<1x128xi32, #tpu.memory_space<vmem>> -> memref<128xi32, #tpu.memory_space<vmem>>
        %dma_wait3A_135 = arith.constant 0 : i32
        %dma_wait3A_136 = arith.constant 0 : i32
        %dma_wait3A_137 = tpu.memref_slice %arg2[%dma_wait3A_135, %dma_wait3A_136] : memref<40000x128xf32, #tpu.memory_space<hbm>> -> memref<40000x128xf32, #tpu.memory_space<hbm>>
        tpu.wait_indirect_dma semaphore(%arg12 : memref<!tpu.dma_semaphore, #tpu.memory_space<semaphore_mem>>) src(%dma_wait3A_137 : memref<40000x128xf32, #tpu.memory_space<hbm>>) dst(%arg9 : memref<128x128xf32, #tpu.memory_space<vmem>>)
        %add3A_138 = arith.constant 1 : i32
        %add3A_139 = arith.addi %add3A_109, %add3A_138 : i32
        "tpu.region"() ({
          %run_scoped3A_150 = tpu.sem_alloc : memref<!tpu.dma_semaphore, #tpu.memory_space<semaphore_mem>>
          %dma_start3A_151 = arith.constant 0 : i32
          %dma_start3A_152 = tpu.memref_slice %arg7[%add3A_139, %dma_start3A_151] : memref<40x128xi32, #tpu.memory_space<vmem>> -> memref<1x128xi32, #tpu.memory_space<vmem>>
          %dma_start3A_153 = tpu.memref_squeeze %dma_start3A_152 : memref<1x128xi32, #tpu.memory_space<vmem>> -> memref<128xi32, #tpu.memory_space<vmem>>
          %dma_start3A_154 = arith.constant 0 : i32
          %dma_start3A_155 = arith.constant 0 : i32
          %dma_start3A_156 = tpu.memref_slice %arg10[%dma_start3A_154, %dma_start3A_155] : memref<10016x128xf32, #tpu.memory_space<vmem_shared>> -> memref<10016x128xf32, #tpu.memory_space<vmem_shared>>
          tpu.enqueue_indirect_dma source(%arg9 : memref<128x128xf32, #tpu.memory_space<vmem>>) target(%dma_start3A_156 : memref<10016x128xf32, #tpu.memory_space<vmem_shared>>) offsets(%dma_start3A_153 : memref<128xi32, #tpu.memory_space<vmem>>) semaphore(%run_scoped3A_150 : memref<!tpu.dma_semaphore, #tpu.memory_space<semaphore_mem>>) {add = true}
          %dma_wait3A_157 = arith.constant 0 : i32
          %dma_wait3A_158 = tpu.memref_slice %arg7[%add3A_139, %dma_wait3A_157] : memref<40x128xi32, #tpu.memory_space<vmem>> -> memref<1x128xi32, #tpu.memory_space<vmem>>
          %dma_wait3A_159 = tpu.memref_squeeze %dma_wait3A_158 : memref<1x128xi32, #tpu.memory_space<vmem>> -> memref<128xi32, #tpu.memory_space<vmem>>
          %dma_wait3A_160 = arith.constant 0 : i32
          %dma_wait3A_161 = arith.constant 0 : i32
          %dma_wait3A_162 = tpu.memref_slice %arg10[%dma_wait3A_160, %dma_wait3A_161] : memref<10016x128xf32, #tpu.memory_space<vmem_shared>> -> memref<10016x128xf32, #tpu.memory_space<vmem_shared>>
          tpu.wait_indirect_dma semaphore(%run_scoped3A_150 : memref<!tpu.dma_semaphore, #tpu.memory_space<semaphore_mem>>) src(%arg9 : memref<128x128xf32, #tpu.memory_space<vmem>>) dst(%dma_wait3A_162 : memref<10016x128xf32, #tpu.memory_space<vmem_shared>>)
          tpu.yield
        }) : () -> ()
        %add3A_140 = arith.constant 2 : i32
        %add3A_141 = arith.addi %add3A_109, %add3A_140 : i32
        %add3A_142 = arith.constant 1 : i32
        %add3A_143 = arith.addi %add3A_141, %add3A_142 : i32
        %dma_start3A_144 = arith.constant 0 : i32
        %dma_start3A_145 = tpu.memref_slice %arg6[%add3A_143, %dma_start3A_144] : memref<40x128xi32, #tpu.memory_space<vmem>> -> memref<1x128xi32, #tpu.memory_space<vmem>>
        %dma_start3A_146 = tpu.memref_squeeze %dma_start3A_145 : memref<1x128xi32, #tpu.memory_space<vmem>> -> memref<128xi32, #tpu.memory_space<vmem>>
        %dma_start3A_147 = arith.constant 0 : i32
        %dma_start3A_148 = arith.constant 0 : i32
        %dma_start3A_149 = tpu.memref_slice %arg2[%dma_start3A_147, %dma_start3A_148] : memref<40000x128xf32, #tpu.memory_space<hbm>> -> memref<40000x128xf32, #tpu.memory_space<hbm>>
        tpu.enqueue_indirect_dma source(%dma_start3A_149 : memref<40000x128xf32, #tpu.memory_space<hbm>>) target(%arg9 : memref<128x128xf32, #tpu.memory_space<vmem>>) offsets(%dma_start3A_146 : memref<128xi32, #tpu.memory_space<vmem>>) semaphore(%arg12 : memref<!tpu.dma_semaphore, #tpu.memory_space<semaphore_mem>>)
      }
      %scan3A_90 = arith.constant 19 : i32
      %dma_wait3A = arith.constant 38 : i32
      %dma_wait3A_91 = arith.constant 0 : i32
      %dma_wait3A_92 = tpu.memref_slice %arg6[%dma_wait3A, %dma_wait3A_91] : memref<40x128xi32, #tpu.memory_space<vmem>> -> memref<1x128xi32, #tpu.memory_space<vmem>>
      %dma_wait3A_93 = tpu.memref_squeeze %dma_wait3A_92 : memref<1x128xi32, #tpu.memory_space<vmem>> -> memref<128xi32, #tpu.memory_space<vmem>>
      %dma_wait3A_94 = arith.constant 0 : i32
      %dma_wait3A_95 = arith.constant 0 : i32
      %dma_wait3A_96 = tpu.memref_slice %arg2[%dma_wait3A_94, %dma_wait3A_95] : memref<40000x128xf32, #tpu.memory_space<hbm>> -> memref<40000x128xf32, #tpu.memory_space<hbm>>
      tpu.wait_indirect_dma semaphore(%arg11 : memref<!tpu.dma_semaphore, #tpu.memory_space<semaphore_mem>>) src(%dma_wait3A_96 : memref<40000x128xf32, #tpu.memory_space<hbm>>) dst(%arg8 : memref<128x128xf32, #tpu.memory_space<vmem>>)
      %run_scoped3A = arith.constant 38 : i32
      "tpu.region"() ({
        %run_scoped3A_105 = tpu.sem_alloc : memref<!tpu.dma_semaphore, #tpu.memory_space<semaphore_mem>>
        %dma_start3A_106 = arith.constant 0 : i32
        %dma_start3A_107 = tpu.memref_slice %arg7[%run_scoped3A, %dma_start3A_106] : memref<40x128xi32, #tpu.memory_space<vmem>> -> memref<1x128xi32, #tpu.memory_space<vmem>>
        %dma_start3A_108 = tpu.memref_squeeze %dma_start3A_107 : memref<1x128xi32, #tpu.memory_space<vmem>> -> memref<128xi32, #tpu.memory_space<vmem>>
        %dma_start3A_109 = arith.constant 0 : i32
        %dma_start3A_110 = arith.constant 0 : i32
        %dma_start3A_111 = tpu.memref_slice %arg10[%dma_start3A_109, %dma_start3A_110] : memref<10016x128xf32, #tpu.memory_space<vmem_shared>> -> memref<10016x128xf32, #tpu.memory_space<vmem_shared>>
        tpu.enqueue_indirect_dma source(%arg8 : memref<128x128xf32, #tpu.memory_space<vmem>>) target(%dma_start3A_111 : memref<10016x128xf32, #tpu.memory_space<vmem_shared>>) offsets(%dma_start3A_108 : memref<128xi32, #tpu.memory_space<vmem>>) semaphore(%run_scoped3A_105 : memref<!tpu.dma_semaphore, #tpu.memory_space<semaphore_mem>>) {add = true}
        %dma_wait3A_112 = arith.constant 0 : i32
        %dma_wait3A_113 = tpu.memref_slice %arg7[%run_scoped3A, %dma_wait3A_112] : memref<40x128xi32, #tpu.memory_space<vmem>> -> memref<1x128xi32, #tpu.memory_space<vmem>>
        %dma_wait3A_114 = tpu.memref_squeeze %dma_wait3A_113 : memref<1x128xi32, #tpu.memory_space<vmem>> -> memref<128xi32, #tpu.memory_space<vmem>>
        %dma_wait3A_115 = arith.constant 0 : i32
        %dma_wait3A_116 = arith.constant 0 : i32
        %dma_wait3A_117 = tpu.memref_slice %arg10[%dma_wait3A_115, %dma_wait3A_116] : memref<10016x128xf32, #tpu.memory_space<vmem_shared>> -> memref<10016x128xf32, #tpu.memory_space<vmem_shared>>
        tpu.wait_indirect_dma semaphore(%run_scoped3A_105 : memref<!tpu.dma_semaphore, #tpu.memory_space<semaphore_mem>>) src(%arg8 : memref<128x128xf32, #tpu.memory_space<vmem>>) dst(%dma_wait3A_117 : memref<10016x128xf32, #tpu.memory_space<vmem_shared>>)
        tpu.yield
      }) : () -> ()
      %dma_wait3A_97 = arith.constant 39 : i32
      %dma_wait3A_98 = arith.constant 0 : i32
      %dma_wait3A_99 = tpu.memref_slice %arg6[%dma_wait3A_97, %dma_wait3A_98] : memref<40x128xi32, #tpu.memory_space<vmem>> -> memref<1x128xi32, #tpu.memory_space<vmem>>
      %dma_wait3A_100 = tpu.memref_squeeze %dma_wait3A_99 : memref<1x128xi32, #tpu.memory_space<vmem>> -> memref<128xi32, #tpu.memory_space<vmem>>
      %dma_wait3A_101 = arith.constant 0 : i32
      %dma_wait3A_102 = arith.constant 0 : i32
      %dma_wait3A_103 = tpu.memref_slice %arg2[%dma_wait3A_101, %dma_wait3A_102] : memref<40000x128xf32, #tpu.memory_space<hbm>> -> memref<40000x128xf32, #tpu.memory_space<hbm>>
      tpu.wait_indirect_dma semaphore(%arg12 : memref<!tpu.dma_semaphore, #tpu.memory_space<semaphore_mem>>) src(%dma_wait3A_103 : memref<40000x128xf32, #tpu.memory_space<hbm>>) dst(%arg9 : memref<128x128xf32, #tpu.memory_space<vmem>>)
      %run_scoped3A_104 = arith.constant 39 : i32
      "tpu.region"() ({
        %run_scoped3A_105 = tpu.sem_alloc : memref<!tpu.dma_semaphore, #tpu.memory_space<semaphore_mem>>
        %dma_start3A_106 = arith.constant 0 : i32
        %dma_start3A_107 = tpu.memref_slice %arg7[%run_scoped3A_104, %dma_start3A_106] : memref<40x128xi32, #tpu.memory_space<vmem>> -> memref<1x128xi32, #tpu.memory_space<vmem>>
        %dma_start3A_108 = tpu.memref_squeeze %dma_start3A_107 : memref<1x128xi32, #tpu.memory_space<vmem>> -> memref<128xi32, #tpu.memory_space<vmem>>
        %dma_start3A_109 = arith.constant 0 : i32
        %dma_start3A_110 = arith.constant 0 : i32
        %dma_start3A_111 = tpu.memref_slice %arg10[%dma_start3A_109, %dma_start3A_110] : memref<10016x128xf32, #tpu.memory_space<vmem_shared>> -> memref<10016x128xf32, #tpu.memory_space<vmem_shared>>
        tpu.enqueue_indirect_dma source(%arg9 : memref<128x128xf32, #tpu.memory_space<vmem>>) target(%dma_start3A_111 : memref<10016x128xf32, #tpu.memory_space<vmem_shared>>) offsets(%dma_start3A_108 : memref<128xi32, #tpu.memory_space<vmem>>) semaphore(%run_scoped3A_105 : memref<!tpu.dma_semaphore, #tpu.memory_space<semaphore_mem>>) {add = true}
        %dma_wait3A_112 = arith.constant 0 : i32
        %dma_wait3A_113 = tpu.memref_slice %arg7[%run_scoped3A_104, %dma_wait3A_112] : memref<40x128xi32, #tpu.memory_space<vmem>> -> memref<1x128xi32, #tpu.memory_space<vmem>>
        %dma_wait3A_114 = tpu.memref_squeeze %dma_wait3A_113 : memref<1x128xi32, #tpu.memory_space<vmem>> -> memref<128xi32, #tpu.memory_space<vmem>>
        %dma_wait3A_115 = arith.constant 0 : i32
        %dma_wait3A_116 = arith.constant 0 : i32
        %dma_wait3A_117 = tpu.memref_slice %arg10[%dma_wait3A_115, %dma_wait3A_116] : memref<10016x128xf32, #tpu.memory_space<vmem_shared>> -> memref<10016x128xf32, #tpu.memory_space<vmem_shared>>
        tpu.wait_indirect_dma semaphore(%run_scoped3A_105 : memref<!tpu.dma_semaphore, #tpu.memory_space<semaphore_mem>>) src(%arg9 : memref<128x128xf32, #tpu.memory_space<vmem>>) dst(%dma_wait3A_117 : memref<10016x128xf32, #tpu.memory_space<vmem_shared>>)
        tpu.yield
      }) : () -> ()
    }
    %scan3A_13 = arith.constant 2 : i32
    %barrier3A_14 = arith.constant 0 : index
    tpu.barrier barrier_id(%barrier3A_14)
    %lt3A_15 = arith.constant 15 : i32
    %lt3A_16 = arith.cmpi slt, %arg1, %lt3A_15 : i32
    %convert_element_type3A_17 = arith.extui %lt3A_16 : i1 to i32
    %cond3A_18 = arith.constant 0 : i32
    %cond3A_19 = arith.cmpi ne, %convert_element_type3A_17, %cond3A_18 : i32
    scf.if %cond3A_19 {
      %mul3A_58 = arith.constant 624 : i32
      %mul3A_59 = arith.muli %arg1, %mul3A_58 : i32
      %mul3A_60 = arith.constant 10000 : i32
      %mul3A_61 = arith.muli %add3A_1, %mul3A_60 : i32
      %mul3A_62 = arith.constant 624 : i32
      %mul3A_63 = arith.muli %arg1, %mul3A_62 : i32
      %add3A_64 = arith.addi %mul3A_61, %mul3A_63 : i32
      "tpu.region"() ({
        %run_scoped3A = tpu.sem_alloc : memref<!tpu.dma_semaphore, #tpu.memory_space<semaphore_mem>>
        %dma_start3A = arith.constant 0 : i32
        %dma_start3A_65 = tpu.memref_slice %arg5[%add3A_64, %dma_start3A] : memref<40000x128xf32, #tpu.memory_space<hbm>> -> memref<624x128xf32, #tpu.memory_space<hbm>>
        %dma_start3A_66 = arith.constant 0 : i32
        %dma_start3A_67 = tpu.memref_slice %arg10[%mul3A_59, %dma_start3A_66] : memref<10016x128xf32, #tpu.memory_space<vmem_shared>> -> memref<624x128xf32, #tpu.memory_space<vmem_shared>>
        tpu.enqueue_dma source(%dma_start3A_67 : memref<624x128xf32, #tpu.memory_space<vmem_shared>>) target(%dma_start3A_65 : memref<624x128xf32, #tpu.memory_space<hbm>>) target_semaphore(%run_scoped3A : memref<!tpu.dma_semaphore, #tpu.memory_space<semaphore_mem>>)
        %dma_wait3A = arith.constant 0 : i32
        %dma_wait3A_68 = tpu.memref_slice %arg5[%add3A_64, %dma_wait3A] : memref<40000x128xf32, #tpu.memory_space<hbm>> -> memref<624x128xf32, #tpu.memory_space<hbm>>
        %dma_wait3A_69 = arith.constant 0 : i32
        %dma_wait3A_70 = tpu.memref_slice %arg10[%mul3A_59, %dma_wait3A_69] : memref<10016x128xf32, #tpu.memory_space<vmem_shared>> -> memref<624x128xf32, #tpu.memory_space<vmem_shared>>
        tpu.wait_dma2 semaphore(%run_scoped3A : memref<!tpu.dma_semaphore, #tpu.memory_space<semaphore_mem>>) src(%dma_wait3A_70 : memref<624x128xf32, #tpu.memory_space<vmem_shared>>) dst(%dma_wait3A_68 : memref<624x128xf32, #tpu.memory_space<hbm>>)
        tpu.yield
      }) : () -> ()
    } else {
    }
    %eq3A_20 = arith.constant 15 : i32
    %eq3A_21 = arith.cmpi eq, %arg1, %eq3A_20 : i32
    %convert_element_type3A_22 = arith.extui %eq3A_21 : i1 to i32
    %cond3A_23 = arith.constant 0 : i32
    %cond3A_24 = arith.cmpi ne, %convert_element_type3A_22, %cond3A_23 : i32
    scf.if %cond3A_24 {
      %mul3A_58 = arith.constant 10000 : i32
      %mul3A_59 = arith.muli %add3A_1, %mul3A_58 : i32
      %add3A_60 = arith.constant 9360 : i32
      %add3A_61 = arith.addi %mul3A_59, %add3A_60 : i32
      "tpu.region"() ({
        %run_scoped3A = tpu.sem_alloc : memref<!tpu.dma_semaphore, #tpu.memory_space<semaphore_mem>>
        %dma_start3A = arith.constant 0 : i32
        %dma_start3A_62 = tpu.memref_slice %arg5[%add3A_61, %dma_start3A] : memref<40000x128xf32, #tpu.memory_space<hbm>> -> memref<640x128xf32, #tpu.memory_space<hbm>>
        %dma_start3A_63 = arith.constant 9360 : i32
        %dma_start3A_64 = arith.constant 0 : i32
        %dma_start3A_65 = tpu.memref_slice %arg10[%dma_start3A_63, %dma_start3A_64] : memref<10016x128xf32, #tpu.memory_space<vmem_shared>> -> memref<640x128xf32, #tpu.memory_space<vmem_shared>>
        tpu.enqueue_dma source(%dma_start3A_65 : memref<640x128xf32, #tpu.memory_space<vmem_shared>>) target(%dma_start3A_62 : memref<640x128xf32, #tpu.memory_space<hbm>>) target_semaphore(%run_scoped3A : memref<!tpu.dma_semaphore, #tpu.memory_space<semaphore_mem>>)
        %dma_wait3A = arith.constant 0 : i32
        %dma_wait3A_66 = tpu.memref_slice %arg5[%add3A_61, %dma_wait3A] : memref<40000x128xf32, #tpu.memory_space<hbm>> -> memref<640x128xf32, #tpu.memory_space<hbm>>
        %dma_wait3A_67 = arith.constant 9360 : i32
        %dma_wait3A_68 = arith.constant 0 : i32
        %dma_wait3A_69 = tpu.memref_slice %arg10[%dma_wait3A_67, %dma_wait3A_68] : memref<10016x128xf32, #tpu.memory_space<vmem_shared>> -> memref<640x128xf32, #tpu.memory_space<vmem_shared>>
        tpu.wait_dma2 semaphore(%run_scoped3A : memref<!tpu.dma_semaphore, #tpu.memory_space<semaphore_mem>>) src(%dma_wait3A_69 : memref<640x128xf32, #tpu.memory_space<vmem_shared>>) dst(%dma_wait3A_66 : memref<640x128xf32, #tpu.memory_space<hbm>>)
        tpu.yield
      }) : () -> ()
    } else {
    }
    %mul3A_25 = arith.constant 2 : i32
    %mul3A_26 = arith.muli %arg0, %mul3A_25 : i32
    %add3A_27 = arith.constant 1 : i32
    %add3A_28 = arith.addi %mul3A_26, %add3A_27 : i32
    %lt3A_29 = arith.constant 15 : i32
    %lt3A_30 = arith.cmpi slt, %arg1, %lt3A_29 : i32
    %convert_element_type3A_31 = arith.extui %lt3A_30 : i1 to i32
    %cond3A_32 = arith.constant 0 : i32
    %cond3A_33 = arith.cmpi ne, %convert_element_type3A_31, %cond3A_32 : i32
    scf.if %cond3A_33 {
      %mul3A_58 = arith.constant 10000 : i32
      %mul3A_59 = arith.muli %add3A_28, %mul3A_58 : i32
      %mul3A_60 = arith.constant 624 : i32
      %mul3A_61 = arith.muli %arg1, %mul3A_60 : i32
      %add3A_62 = arith.addi %mul3A_59, %mul3A_61 : i32
      %mul3A_63 = arith.constant 624 : i32
      %mul3A_64 = arith.muli %arg1, %mul3A_63 : i32
      "tpu.region"() ({
        %run_scoped3A = tpu.sem_alloc : memref<!tpu.dma_semaphore, #tpu.memory_space<semaphore_mem>>
        %dma_start3A = arith.constant 0 : i32
        %dma_start3A_65 = tpu.memref_slice %arg10[%mul3A_64, %dma_start3A] : memref<10016x128xf32, #tpu.memory_space<vmem_shared>> -> memref<624x128xf32, #tpu.memory_space<vmem_shared>>
        %dma_start3A_66 = arith.constant 0 : i32
        %dma_start3A_67 = tpu.memref_slice %arg2[%add3A_62, %dma_start3A_66] : memref<40000x128xf32, #tpu.memory_space<hbm>> -> memref<624x128xf32, #tpu.memory_space<hbm>>
        tpu.enqueue_dma source(%dma_start3A_67 : memref<624x128xf32, #tpu.memory_space<hbm>>) target(%dma_start3A_65 : memref<624x128xf32, #tpu.memory_space<vmem_shared>>) target_semaphore(%run_scoped3A : memref<!tpu.dma_semaphore, #tpu.memory_space<semaphore_mem>>)
        %dma_wait3A = arith.constant 0 : i32
        %dma_wait3A_68 = tpu.memref_slice %arg10[%mul3A_64, %dma_wait3A] : memref<10016x128xf32, #tpu.memory_space<vmem_shared>> -> memref<624x128xf32, #tpu.memory_space<vmem_shared>>
        %dma_wait3A_69 = arith.constant 0 : i32
        %dma_wait3A_70 = tpu.memref_slice %arg2[%add3A_62, %dma_wait3A_69] : memref<40000x128xf32, #tpu.memory_space<hbm>> -> memref<624x128xf32, #tpu.memory_space<hbm>>
        tpu.wait_dma2 semaphore(%run_scoped3A : memref<!tpu.dma_semaphore, #tpu.memory_space<semaphore_mem>>) src(%dma_wait3A_70 : memref<624x128xf32, #tpu.memory_space<hbm>>) dst(%dma_wait3A_68 : memref<624x128xf32, #tpu.memory_space<vmem_shared>>)
        tpu.yield
      }) : () -> ()
    } else {
    }
    %eq3A_34 = arith.constant 15 : i32
    %eq3A_35 = arith.cmpi eq, %arg1, %eq3A_34 : i32
    %convert_element_type3A_36 = arith.extui %eq3A_35 : i1 to i32
    %cond3A_37 = arith.constant 0 : i32
    %cond3A_38 = arith.cmpi ne, %convert_element_type3A_36, %cond3A_37 : i32
    scf.if %cond3A_38 {
      %mul3A_58 = arith.constant 10000 : i32
      %mul3A_59 = arith.muli %add3A_28, %mul3A_58 : i32
      %add3A_60 = arith.constant 9360 : i32
      %add3A_61 = arith.addi %mul3A_59, %add3A_60 : i32
      "tpu.region"() ({
        %run_scoped3A = tpu.sem_alloc : memref<!tpu.dma_semaphore, #tpu.memory_space<semaphore_mem>>
        %dma_start3A = arith.constant 9360 : i32
        %dma_start3A_62 = arith.constant 0 : i32
        %dma_start3A_63 = tpu.memref_slice %arg10[%dma_start3A, %dma_start3A_62] : memref<10016x128xf32, #tpu.memory_space<vmem_shared>> -> memref<640x128xf32, #tpu.memory_space<vmem_shared>>
        %dma_start3A_64 = arith.constant 0 : i32
        %dma_start3A_65 = tpu.memref_slice %arg2[%add3A_61, %dma_start3A_64] : memref<40000x128xf32, #tpu.memory_space<hbm>> -> memref<640x128xf32, #tpu.memory_space<hbm>>
        tpu.enqueue_dma source(%dma_start3A_65 : memref<640x128xf32, #tpu.memory_space<hbm>>) target(%dma_start3A_63 : memref<640x128xf32, #tpu.memory_space<vmem_shared>>) target_semaphore(%run_scoped3A : memref<!tpu.dma_semaphore, #tpu.memory_space<semaphore_mem>>)
        %dma_wait3A = arith.constant 9360 : i32
        %dma_wait3A_66 = arith.constant 0 : i32
        %dma_wait3A_67 = tpu.memref_slice %arg10[%dma_wait3A, %dma_wait3A_66] : memref<10016x128xf32, #tpu.memory_space<vmem_shared>> -> memref<640x128xf32, #tpu.memory_space<vmem_shared>>
        %dma_wait3A_68 = arith.constant 0 : i32
        %dma_wait3A_69 = tpu.memref_slice %arg2[%add3A_61, %dma_wait3A_68] : memref<40000x128xf32, #tpu.memory_space<hbm>> -> memref<640x128xf32, #tpu.memory_space<hbm>>
        tpu.wait_dma2 semaphore(%run_scoped3A : memref<!tpu.dma_semaphore, #tpu.memory_space<semaphore_mem>>) src(%dma_wait3A_69 : memref<640x128xf32, #tpu.memory_space<hbm>>) dst(%dma_wait3A_67 : memref<640x128xf32, #tpu.memory_space<vmem_shared>>)
        tpu.yield
      }) : () -> ()
    } else {
    }
    %mul3A_39 = arith.constant 10000 : i32
    %mul3A_40 = arith.muli %add3A_28, %mul3A_39 : i32
    %barrier3A_41 = arith.constant 0 : index
    tpu.barrier barrier_id(%barrier3A_41)
    %scan3A_42 = arith.constant 0 : i32
    %scan3A_43 = arith.constant 2 : i32
    %scan3A_44 = arith.addi %scan3A_42, %scan3A_43 : i32
    %scan3A_45 = arith.constant 1 : i32
    scf.for %scan3A_58 = %scan3A_42 to %scan3A_44 step %scan3A_45  : i32 {
      %mul3A_59 = arith.constant 1 : i32
      %mul3A_60 = arith.muli %scan3A_58, %mul3A_59 : i32
      %add3A_61 = arith.constant 0 : i32
      %add3A_62 = arith.addi %add3A_61, %mul3A_60 : i32
      %mul3A_63 = arith.constant 80 : i32
      %mul3A_64 = arith.muli %arg1, %mul3A_63 : i32
      %mul3A_65 = arith.constant 40 : i32
      %mul3A_66 = arith.muli %add3A_62, %mul3A_65 : i32
      %add3A_67 = arith.addi %mul3A_64, %mul3A_66 : i32
      "tpu.region"() ({
        %run_scoped3A_105 = tpu.sem_alloc : memref<!tpu.dma_semaphore, #tpu.memory_space<semaphore_mem>>
        %dma_start3A_106 = arith.constant 0 : i32
        %dma_start3A_107 = tpu.memref_slice %arg4[%add3A_67, %dma_start3A_106] : memref<1280x128xi32, #tpu.memory_space<hbm>> -> memref<40x128xi32, #tpu.memory_space<hbm>>
        %dma_start3A_108 = arith.constant 0 : i32
        %dma_start3A_109 = tpu.memref_slice %arg4[%add3A_67, %dma_start3A_108] : memref<1280x128xi32, #tpu.memory_space<hbm>> -> memref<40x128xi32, #tpu.memory_space<hbm>>
        tpu.enqueue_dma source(%dma_start3A_109 : memref<40x128xi32, #tpu.memory_space<hbm>>) target(%arg6 : memref<40x128xi32, #tpu.memory_space<vmem>>) target_semaphore(%run_scoped3A_105 : memref<!tpu.dma_semaphore, #tpu.memory_space<semaphore_mem>>)
        %dma_wait3A_110 = arith.constant 0 : i32
        %dma_wait3A_111 = tpu.memref_slice %arg4[%add3A_67, %dma_wait3A_110] : memref<1280x128xi32, #tpu.memory_space<hbm>> -> memref<40x128xi32, #tpu.memory_space<hbm>>
        %dma_wait3A_112 = arith.constant 0 : i32
        %dma_wait3A_113 = tpu.memref_slice %arg4[%add3A_67, %dma_wait3A_112] : memref<1280x128xi32, #tpu.memory_space<hbm>> -> memref<40x128xi32, #tpu.memory_space<hbm>>
        tpu.wait_dma2 semaphore(%run_scoped3A_105 : memref<!tpu.dma_semaphore, #tpu.memory_space<semaphore_mem>>) src(%dma_wait3A_113 : memref<40x128xi32, #tpu.memory_space<hbm>>) dst(%arg6 : memref<40x128xi32, #tpu.memory_space<vmem>>)
        tpu.yield
      }) : () -> ()
      "tpu.region"() ({
        %run_scoped3A_105 = tpu.sem_alloc : memref<!tpu.dma_semaphore, #tpu.memory_space<semaphore_mem>>
        %dma_start3A_106 = arith.constant 0 : i32
        %dma_start3A_107 = tpu.memref_slice %arg3[%add3A_67, %dma_start3A_106] : memref<1280x128xi32, #tpu.memory_space<hbm>> -> memref<40x128xi32, #tpu.memory_space<hbm>>
        %dma_start3A_108 = arith.constant 0 : i32
        %dma_start3A_109 = tpu.memref_slice %arg3[%add3A_67, %dma_start3A_108] : memref<1280x128xi32, #tpu.memory_space<hbm>> -> memref<40x128xi32, #tpu.memory_space<hbm>>
        tpu.enqueue_dma source(%dma_start3A_109 : memref<40x128xi32, #tpu.memory_space<hbm>>) target(%arg7 : memref<40x128xi32, #tpu.memory_space<vmem>>) target_semaphore(%run_scoped3A_105 : memref<!tpu.dma_semaphore, #tpu.memory_space<semaphore_mem>>)
        %dma_wait3A_110 = arith.constant 0 : i32
        %dma_wait3A_111 = tpu.memref_slice %arg3[%add3A_67, %dma_wait3A_110] : memref<1280x128xi32, #tpu.memory_space<hbm>> -> memref<40x128xi32, #tpu.memory_space<hbm>>
        %dma_wait3A_112 = arith.constant 0 : i32
        %dma_wait3A_113 = tpu.memref_slice %arg3[%add3A_67, %dma_wait3A_112] : memref<1280x128xi32, #tpu.memory_space<hbm>> -> memref<40x128xi32, #tpu.memory_space<hbm>>
        tpu.wait_dma2 semaphore(%run_scoped3A_105 : memref<!tpu.dma_semaphore, #tpu.memory_space<semaphore_mem>>) src(%dma_wait3A_113 : memref<40x128xi32, #tpu.memory_space<hbm>>) dst(%arg7 : memref<40x128xi32, #tpu.memory_space<vmem>>)
        tpu.yield
      }) : () -> ()
      %scan3A_68 = arith.constant 0 : i32
      %scan3A_69 = arith.constant 40 : i32
      %scan3A_70 = arith.addi %scan3A_68, %scan3A_69 : i32
      %scan3A_71 = arith.constant 1 : i32
      scf.for %scan3A_105 = %scan3A_68 to %scan3A_70 step %scan3A_71  : i32 {
        %mul3A_106 = arith.constant 1 : i32
        %mul3A_107 = arith.muli %scan3A_105, %mul3A_106 : i32
        %add3A_108 = arith.constant 0 : i32
        %add3A_109 = arith.addi %add3A_108, %mul3A_107 : i32
        %get3A = arith.index_cast %add3A_109 : i32 to index
        %get3A_110 = arith.constant 0 : index
        %get3A_111 = tpu.vector_load %arg6[%get3A, %get3A_110] {strides = array<i32>} : memref<40x128xi32, #tpu.memory_space<vmem>>, vector<1x16xi32>,
        %get3A_112 = vector.shape_cast %get3A_111 : vector<1x16xi32> to vector<16xi32>
        %add3A_113 = vector.broadcast %mul3A_40 : i32 to vector<16xi32>
        %add3A_114 = arith.addi %get3A_112, %add3A_113 : vector<16xi32>
        %swap3A = arith.index_cast %add3A_109 : i32 to index
        %swap3A_115 = arith.constant 0 : index
        %swap3A_116 = tpu.vector_load %arg6[%swap3A, %swap3A_115] {strides = array<i32>} : memref<40x128xi32, #tpu.memory_space<vmem>>, vector<1x16xi32>,
        %swap3A_117 = vector.shape_cast %swap3A_116 : vector<1x16xi32> to vector<16xi32>
        %swap3A_118 = vector.shape_cast %add3A_114 : vector<16xi32> to vector<1x16xi32>
        tpu.vector_store %arg6[%swap3A, %swap3A_115], %swap3A_118 {strides = array<i32>} : memref<40x128xi32, #tpu.memory_space<vmem>>, vector<1x16xi32>,
        %get3A_119 = arith.index_cast %add3A_109 : i32 to index
        %get3A_120 = arith.constant 16 : index
        %get3A_121 = tpu.vector_load %arg6[%get3A_119, %get3A_120] {strides = array<i32>} : memref<40x128xi32, #tpu.memory_space<vmem>>, vector<1x16xi32>,
        %get3A_122 = vector.shape_cast %get3A_121 : vector<1x16xi32> to vector<16xi32>
        %add3A_123 = vector.broadcast %mul3A_40 : i32 to vector<16xi32>
        %add3A_124 = arith.addi %get3A_122, %add3A_123 : vector<16xi32>
        %swap3A_125 = arith.index_cast %add3A_109 : i32 to index
        %swap3A_126 = arith.constant 16 : index
        %swap3A_127 = tpu.vector_load %arg6[%swap3A_125, %swap3A_126] {strides = array<i32>} : memref<40x128xi32, #tpu.memory_space<vmem>>, vector<1x16xi32>,
        %swap3A_128 = vector.shape_cast %swap3A_127 : vector<1x16xi32> to vector<16xi32>
        %swap3A_129 = vector.shape_cast %add3A_124 : vector<16xi32> to vector<1x16xi32>
        tpu.vector_store %arg6[%swap3A_125, %swap3A_126], %swap3A_129 {strides = array<i32>} : memref<40x128xi32, #tpu.memory_space<vmem>>, vector<1x16xi32>,
        %get3A_130 = arith.index_cast %add3A_109 : i32 to index
        %get3A_131 = arith.constant 32 : index
        %get3A_132 = tpu.vector_load %arg6[%get3A_130, %get3A_131] {strides = array<i32>} : memref<40x128xi32, #tpu.memory_space<vmem>>, vector<1x16xi32>,
        %get3A_133 = vector.shape_cast %get3A_132 : vector<1x16xi32> to vector<16xi32>
        %add3A_134 = vector.broadcast %mul3A_40 : i32 to vector<16xi32>
        %add3A_135 = arith.addi %get3A_133, %add3A_134 : vector<16xi32>
        %swap3A_136 = arith.index_cast %add3A_109 : i32 to index
        %swap3A_137 = arith.constant 32 : index
        %swap3A_138 = tpu.vector_load %arg6[%swap3A_136, %swap3A_137] {strides = array<i32>} : memref<40x128xi32, #tpu.memory_space<vmem>>, vector<1x16xi32>,
        %swap3A_139 = vector.shape_cast %swap3A_138 : vector<1x16xi32> to vector<16xi32>
        %swap3A_140 = vector.shape_cast %add3A_135 : vector<16xi32> to vector<1x16xi32>
        tpu.vector_store %arg6[%swap3A_136, %swap3A_137], %swap3A_140 {strides = array<i32>} : memref<40x128xi32, #tpu.memory_space<vmem>>, vector<1x16xi32>,
        %get3A_141 = arith.index_cast %add3A_109 : i32 to index
        %get3A_142 = arith.constant 48 : index
        %get3A_143 = tpu.vector_load %arg6[%get3A_141, %get3A_142] {strides = array<i32>} : memref<40x128xi32, #tpu.memory_space<vmem>>, vector<1x16xi32>,
        %get3A_144 = vector.shape_cast %get3A_143 : vector<1x16xi32> to vector<16xi32>
        %add3A_145 = vector.broadcast %mul3A_40 : i32 to vector<16xi32>
        %add3A_146 = arith.addi %get3A_144, %add3A_145 : vector<16xi32>
        %swap3A_147 = arith.index_cast %add3A_109 : i32 to index
        %swap3A_148 = arith.constant 48 : index
        %swap3A_149 = tpu.vector_load %arg6[%swap3A_147, %swap3A_148] {strides = array<i32>} : memref<40x128xi32, #tpu.memory_space<vmem>>, vector<1x16xi32>,
        %swap3A_150 = vector.shape_cast %swap3A_149 : vector<1x16xi32> to vector<16xi32>
        %swap3A_151 = vector.shape_cast %add3A_146 : vector<16xi32> to vector<1x16xi32>
        tpu.vector_store %arg6[%swap3A_147, %swap3A_148], %swap3A_151 {strides = array<i32>} : memref<40x128xi32, #tpu.memory_space<vmem>>, vector<1x16xi32>,
        %get3A_152 = arith.index_cast %add3A_109 : i32 to index
        %get3A_153 = arith.constant 64 : index
        %get3A_154 = tpu.vector_load %arg6[%get3A_152, %get3A_153] {strides = array<i32>} : memref<40x128xi32, #tpu.memory_space<vmem>>, vector<1x16xi32>,
        %get3A_155 = vector.shape_cast %get3A_154 : vector<1x16xi32> to vector<16xi32>
        %add3A_156 = vector.broadcast %mul3A_40 : i32 to vector<16xi32>
        %add3A_157 = arith.addi %get3A_155, %add3A_156 : vector<16xi32>
        %swap3A_158 = arith.index_cast %add3A_109 : i32 to index
        %swap3A_159 = arith.constant 64 : index
        %swap3A_160 = tpu.vector_load %arg6[%swap3A_158, %swap3A_159] {strides = array<i32>} : memref<40x128xi32, #tpu.memory_space<vmem>>, vector<1x16xi32>,
        %swap3A_161 = vector.shape_cast %swap3A_160 : vector<1x16xi32> to vector<16xi32>
        %swap3A_162 = vector.shape_cast %add3A_157 : vector<16xi32> to vector<1x16xi32>
        tpu.vector_store %arg6[%swap3A_158, %swap3A_159], %swap3A_162 {strides = array<i32>} : memref<40x128xi32, #tpu.memory_space<vmem>>, vector<1x16xi32>,
        %get3A_163 = arith.index_cast %add3A_109 : i32 to index
        %get3A_164 = arith.constant 80 : index
        %get3A_165 = tpu.vector_load %arg6[%get3A_163, %get3A_164] {strides = array<i32>} : memref<40x128xi32, #tpu.memory_space<vmem>>, vector<1x16xi32>,
        %get3A_166 = vector.shape_cast %get3A_165 : vector<1x16xi32> to vector<16xi32>
        %add3A_167 = vector.broadcast %mul3A_40 : i32 to vector<16xi32>
        %add3A_168 = arith.addi %get3A_166, %add3A_167 : vector<16xi32>
        %swap3A_169 = arith.index_cast %add3A_109 : i32 to index
        %swap3A_170 = arith.constant 80 : index
        %swap3A_171 = tpu.vector_load %arg6[%swap3A_169, %swap3A_170] {strides = array<i32>} : memref<40x128xi32, #tpu.memory_space<vmem>>, vector<1x16xi32>,
        %swap3A_172 = vector.shape_cast %swap3A_171 : vector<1x16xi32> to vector<16xi32>
        %swap3A_173 = vector.shape_cast %add3A_168 : vector<16xi32> to vector<1x16xi32>
        tpu.vector_store %arg6[%swap3A_169, %swap3A_170], %swap3A_173 {strides = array<i32>} : memref<40x128xi32, #tpu.memory_space<vmem>>, vector<1x16xi32>,
        %get3A_174 = arith.index_cast %add3A_109 : i32 to index
        %get3A_175 = arith.constant 96 : index
        %get3A_176 = tpu.vector_load %arg6[%get3A_174, %get3A_175] {strides = array<i32>} : memref<40x128xi32, #tpu.memory_space<vmem>>, vector<1x16xi32>,
        %get3A_177 = vector.shape_cast %get3A_176 : vector<1x16xi32> to vector<16xi32>
        %add3A_178 = vector.broadcast %mul3A_40 : i32 to vector<16xi32>
        %add3A_179 = arith.addi %get3A_177, %add3A_178 : vector<16xi32>
        %swap3A_180 = arith.index_cast %add3A_109 : i32 to index
        %swap3A_181 = arith.constant 96 : index
        %swap3A_182 = tpu.vector_load %arg6[%swap3A_180, %swap3A_181] {strides = array<i32>} : memref<40x128xi32, #tpu.memory_space<vmem>>, vector<1x16xi32>,
        %swap3A_183 = vector.shape_cast %swap3A_182 : vector<1x16xi32> to vector<16xi32>
        %swap3A_184 = vector.shape_cast %add3A_179 : vector<16xi32> to vector<1x16xi32>
        tpu.vector_store %arg6[%swap3A_180, %swap3A_181], %swap3A_184 {strides = array<i32>} : memref<40x128xi32, #tpu.memory_space<vmem>>, vector<1x16xi32>,
        %get3A_185 = arith.index_cast %add3A_109 : i32 to index
        %get3A_186 = arith.constant 112 : index
        %get3A_187 = tpu.vector_load %arg6[%get3A_185, %get3A_186] {strides = array<i32>} : memref<40x128xi32, #tpu.memory_space<vmem>>, vector<1x16xi32>,
        %get3A_188 = vector.shape_cast %get3A_187 : vector<1x16xi32> to vector<16xi32>
        %add3A_189 = vector.broadcast %mul3A_40 : i32 to vector<16xi32>
        %add3A_190 = arith.addi %get3A_188, %add3A_189 : vector<16xi32>
        %swap3A_191 = arith.index_cast %add3A_109 : i32 to index
        %swap3A_192 = arith.constant 112 : index
        %swap3A_193 = tpu.vector_load %arg6[%swap3A_191, %swap3A_192] {strides = array<i32>} : memref<40x128xi32, #tpu.memory_space<vmem>>, vector<1x16xi32>,
        %swap3A_194 = vector.shape_cast %swap3A_193 : vector<1x16xi32> to vector<16xi32>
        %swap3A_195 = vector.shape_cast %add3A_190 : vector<16xi32> to vector<1x16xi32>
        tpu.vector_store %arg6[%swap3A_191, %swap3A_192], %swap3A_195 {strides = array<i32>} : memref<40x128xi32, #tpu.memory_space<vmem>>, vector<1x16xi32>,
      }
      %scan3A_72 = arith.constant 40 : i32
      %dma_start3A = arith.constant 0 : i32
      %dma_start3A_73 = arith.constant 0 : i32
      %dma_start3A_74 = tpu.memref_slice %arg6[%dma_start3A, %dma_start3A_73] : memref<40x128xi32, #tpu.memory_space<vmem>> -> memref<1x128xi32, #tpu.memory_space<vmem>>
      %dma_start3A_75 = tpu.memref_squeeze %dma_start3A_74 : memref<1x128xi32, #tpu.memory_space<vmem>> -> memref<128xi32, #tpu.memory_space<vmem>>
      %dma_start3A_76 = arith.constant 0 : i32
      %dma_start3A_77 = arith.constant 0 : i32
      %dma_start3A_78 = tpu.memref_slice %arg2[%dma_start3A_76, %dma_start3A_77] : memref<40000x128xf32, #tpu.memory_space<hbm>> -> memref<40000x128xf32, #tpu.memory_space<hbm>>
      tpu.enqueue_indirect_dma source(%dma_start3A_78 : memref<40000x128xf32, #tpu.memory_space<hbm>>) target(%arg8 : memref<128x128xf32, #tpu.memory_space<vmem>>) offsets(%dma_start3A_75 : memref<128xi32, #tpu.memory_space<vmem>>) semaphore(%arg11 : memref<!tpu.dma_semaphore, #tpu.memory_space<semaphore_mem>>)
      %dma_start3A_79 = arith.constant 1 : i32
      %dma_start3A_80 = arith.constant 0 : i32
      %dma_start3A_81 = tpu.memref_slice %arg6[%dma_start3A_79, %dma_start3A_80] : memref<40x128xi32, #tpu.memory_space<vmem>> -> memref<1x128xi32, #tpu.memory_space<vmem>>
      %dma_start3A_82 = tpu.memref_squeeze %dma_start3A_81 : memref<1x128xi32, #tpu.memory_space<vmem>> -> memref<128xi32, #tpu.memory_space<vmem>>
      %dma_start3A_83 = arith.constant 0 : i32
      %dma_start3A_84 = arith.constant 0 : i32
      %dma_start3A_85 = tpu.memref_slice %arg2[%dma_start3A_83, %dma_start3A_84] : memref<40000x128xf32, #tpu.memory_space<hbm>> -> memref<40000x128xf32, #tpu.memory_space<hbm>>
      tpu.enqueue_indirect_dma source(%dma_start3A_85 : memref<40000x128xf32, #tpu.memory_space<hbm>>) target(%arg9 : memref<128x128xf32, #tpu.memory_space<vmem>>) offsets(%dma_start3A_82 : memref<128xi32, #tpu.memory_space<vmem>>) semaphore(%arg12 : memref<!tpu.dma_semaphore, #tpu.memory_space<semaphore_mem>>)
      %scan3A_86 = arith.constant 0 : i32
      %scan3A_87 = arith.constant 19 : i32
      %scan3A_88 = arith.addi %scan3A_86, %scan3A_87 : i32
      %scan3A_89 = arith.constant 1 : i32
      scf.for %scan3A_105 = %scan3A_86 to %scan3A_88 step %scan3A_89  : i32 {
        %mul3A_106 = arith.constant 2 : i32
        %mul3A_107 = arith.muli %scan3A_105, %mul3A_106 : i32
        %add3A_108 = arith.constant 0 : i32
        %add3A_109 = arith.addi %add3A_108, %mul3A_107 : i32
        %add3A_110 = arith.constant 0 : i32
        %add3A_111 = arith.addi %add3A_109, %add3A_110 : i32
        %dma_wait3A_112 = arith.constant 0 : i32
        %dma_wait3A_113 = tpu.memref_slice %arg6[%add3A_111, %dma_wait3A_112] : memref<40x128xi32, #tpu.memory_space<vmem>> -> memref<1x128xi32, #tpu.memory_space<vmem>>
        %dma_wait3A_114 = tpu.memref_squeeze %dma_wait3A_113 : memref<1x128xi32, #tpu.memory_space<vmem>> -> memref<128xi32, #tpu.memory_space<vmem>>
        %dma_wait3A_115 = arith.constant 0 : i32
        %dma_wait3A_116 = arith.constant 0 : i32
        %dma_wait3A_117 = tpu.memref_slice %arg2[%dma_wait3A_115, %dma_wait3A_116] : memref<40000x128xf32, #tpu.memory_space<hbm>> -> memref<40000x128xf32, #tpu.memory_space<hbm>>
        tpu.wait_indirect_dma semaphore(%arg11 : memref<!tpu.dma_semaphore, #tpu.memory_space<semaphore_mem>>) src(%dma_wait3A_117 : memref<40000x128xf32, #tpu.memory_space<hbm>>) dst(%arg8 : memref<128x128xf32, #tpu.memory_space<vmem>>)
        %add3A_118 = arith.constant 0 : i32
        %add3A_119 = arith.addi %add3A_109, %add3A_118 : i32
        "tpu.region"() ({
          %run_scoped3A_150 = tpu.sem_alloc : memref<!tpu.dma_semaphore, #tpu.memory_space<semaphore_mem>>
          %dma_start3A_151 = arith.constant 0 : i32
          %dma_start3A_152 = tpu.memref_slice %arg7[%add3A_119, %dma_start3A_151] : memref<40x128xi32, #tpu.memory_space<vmem>> -> memref<1x128xi32, #tpu.memory_space<vmem>>
          %dma_start3A_153 = tpu.memref_squeeze %dma_start3A_152 : memref<1x128xi32, #tpu.memory_space<vmem>> -> memref<128xi32, #tpu.memory_space<vmem>>
          %dma_start3A_154 = arith.constant 0 : i32
          %dma_start3A_155 = arith.constant 0 : i32
          %dma_start3A_156 = tpu.memref_slice %arg10[%dma_start3A_154, %dma_start3A_155] : memref<10016x128xf32, #tpu.memory_space<vmem_shared>> -> memref<10016x128xf32, #tpu.memory_space<vmem_shared>>
          tpu.enqueue_indirect_dma source(%arg8 : memref<128x128xf32, #tpu.memory_space<vmem>>) target(%dma_start3A_156 : memref<10016x128xf32, #tpu.memory_space<vmem_shared>>) offsets(%dma_start3A_153 : memref<128xi32, #tpu.memory_space<vmem>>) semaphore(%run_scoped3A_150 : memref<!tpu.dma_semaphore, #tpu.memory_space<semaphore_mem>>) {add = true}
          %dma_wait3A_157 = arith.constant 0 : i32
          %dma_wait3A_158 = tpu.memref_slice %arg7[%add3A_119, %dma_wait3A_157] : memref<40x128xi32, #tpu.memory_space<vmem>> -> memref<1x128xi32, #tpu.memory_space<vmem>>
          %dma_wait3A_159 = tpu.memref_squeeze %dma_wait3A_158 : memref<1x128xi32, #tpu.memory_space<vmem>> -> memref<128xi32, #tpu.memory_space<vmem>>
          %dma_wait3A_160 = arith.constant 0 : i32
          %dma_wait3A_161 = arith.constant 0 : i32
          %dma_wait3A_162 = tpu.memref_slice %arg10[%dma_wait3A_160, %dma_wait3A_161] : memref<10016x128xf32, #tpu.memory_space<vmem_shared>> -> memref<10016x128xf32, #tpu.memory_space<vmem_shared>>
          tpu.wait_indirect_dma semaphore(%run_scoped3A_150 : memref<!tpu.dma_semaphore, #tpu.memory_space<semaphore_mem>>) src(%arg8 : memref<128x128xf32, #tpu.memory_space<vmem>>) dst(%dma_wait3A_162 : memref<10016x128xf32, #tpu.memory_space<vmem_shared>>)
          tpu.yield
        }) : () -> ()
        %add3A_120 = arith.constant 2 : i32
        %add3A_121 = arith.addi %add3A_109, %add3A_120 : i32
        %add3A_122 = arith.constant 0 : i32
        %add3A_123 = arith.addi %add3A_121, %add3A_122 : i32
        %dma_start3A_124 = arith.constant 0 : i32
        %dma_start3A_125 = tpu.memref_slice %arg6[%add3A_123, %dma_start3A_124] : memref<40x128xi32, #tpu.memory_space<vmem>> -> memref<1x128xi32, #tpu.memory_space<vmem>>
        %dma_start3A_126 = tpu.memref_squeeze %dma_start3A_125 : memref<1x128xi32, #tpu.memory_space<vmem>> -> memref<128xi32, #tpu.memory_space<vmem>>
        %dma_start3A_127 = arith.constant 0 : i32
        %dma_start3A_128 = arith.constant 0 : i32
        %dma_start3A_129 = tpu.memref_slice %arg2[%dma_start3A_127, %dma_start3A_128] : memref<40000x128xf32, #tpu.memory_space<hbm>> -> memref<40000x128xf32, #tpu.memory_space<hbm>>
        tpu.enqueue_indirect_dma source(%dma_start3A_129 : memref<40000x128xf32, #tpu.memory_space<hbm>>) target(%arg8 : memref<128x128xf32, #tpu.memory_space<vmem>>) offsets(%dma_start3A_126 : memref<128xi32, #tpu.memory_space<vmem>>) semaphore(%arg11 : memref<!tpu.dma_semaphore, #tpu.memory_space<semaphore_mem>>)
        %add3A_130 = arith.constant 1 : i32
        %add3A_131 = arith.addi %add3A_109, %add3A_130 : i32
        %dma_wait3A_132 = arith.constant 0 : i32
        %dma_wait3A_133 = tpu.memref_slice %arg6[%add3A_131, %dma_wait3A_132] : memref<40x128xi32, #tpu.memory_space<vmem>> -> memref<1x128xi32, #tpu.memory_space<vmem>>
        %dma_wait3A_134 = tpu.memref_squeeze %dma_wait3A_133 : memref<1x128xi32, #tpu.memory_space<vmem>> -> memref<128xi32, #tpu.memory_space<vmem>>
        %dma_wait3A_135 = arith.constant 0 : i32
        %dma_wait3A_136 = arith.constant 0 : i32
        %dma_wait3A_137 = tpu.memref_slice %arg2[%dma_wait3A_135, %dma_wait3A_136] : memref<40000x128xf32, #tpu.memory_space<hbm>> -> memref<40000x128xf32, #tpu.memory_space<hbm>>
        tpu.wait_indirect_dma semaphore(%arg12 : memref<!tpu.dma_semaphore, #tpu.memory_space<semaphore_mem>>) src(%dma_wait3A_137 : memref<40000x128xf32, #tpu.memory_space<hbm>>) dst(%arg9 : memref<128x128xf32, #tpu.memory_space<vmem>>)
        %add3A_138 = arith.constant 1 : i32
        %add3A_139 = arith.addi %add3A_109, %add3A_138 : i32
        "tpu.region"() ({
          %run_scoped3A_150 = tpu.sem_alloc : memref<!tpu.dma_semaphore, #tpu.memory_space<semaphore_mem>>
          %dma_start3A_151 = arith.constant 0 : i32
          %dma_start3A_152 = tpu.memref_slice %arg7[%add3A_139, %dma_start3A_151] : memref<40x128xi32, #tpu.memory_space<vmem>> -> memref<1x128xi32, #tpu.memory_space<vmem>>
          %dma_start3A_153 = tpu.memref_squeeze %dma_start3A_152 : memref<1x128xi32, #tpu.memory_space<vmem>> -> memref<128xi32, #tpu.memory_space<vmem>>
          %dma_start3A_154 = arith.constant 0 : i32
          %dma_start3A_155 = arith.constant 0 : i32
          %dma_start3A_156 = tpu.memref_slice %arg10[%dma_start3A_154, %dma_start3A_155] : memref<10016x128xf32, #tpu.memory_space<vmem_shared>> -> memref<10016x128xf32, #tpu.memory_space<vmem_shared>>
          tpu.enqueue_indirect_dma source(%arg9 : memref<128x128xf32, #tpu.memory_space<vmem>>) target(%dma_start3A_156 : memref<10016x128xf32, #tpu.memory_space<vmem_shared>>) offsets(%dma_start3A_153 : memref<128xi32, #tpu.memory_space<vmem>>) semaphore(%run_scoped3A_150 : memref<!tpu.dma_semaphore, #tpu.memory_space<semaphore_mem>>) {add = true}
          %dma_wait3A_157 = arith.constant 0 : i32
          %dma_wait3A_158 = tpu.memref_slice %arg7[%add3A_139, %dma_wait3A_157] : memref<40x128xi32, #tpu.memory_space<vmem>> -> memref<1x128xi32, #tpu.memory_space<vmem>>
          %dma_wait3A_159 = tpu.memref_squeeze %dma_wait3A_158 : memref<1x128xi32, #tpu.memory_space<vmem>> -> memref<128xi32, #tpu.memory_space<vmem>>
          %dma_wait3A_160 = arith.constant 0 : i32
          %dma_wait3A_161 = arith.constant 0 : i32
          %dma_wait3A_162 = tpu.memref_slice %arg10[%dma_wait3A_160, %dma_wait3A_161] : memref<10016x128xf32, #tpu.memory_space<vmem_shared>> -> memref<10016x128xf32, #tpu.memory_space<vmem_shared>>
          tpu.wait_indirect_dma semaphore(%run_scoped3A_150 : memref<!tpu.dma_semaphore, #tpu.memory_space<semaphore_mem>>) src(%arg9 : memref<128x128xf32, #tpu.memory_space<vmem>>) dst(%dma_wait3A_162 : memref<10016x128xf32, #tpu.memory_space<vmem_shared>>)
          tpu.yield
        }) : () -> ()
        %add3A_140 = arith.constant 2 : i32
        %add3A_141 = arith.addi %add3A_109, %add3A_140 : i32
        %add3A_142 = arith.constant 1 : i32
        %add3A_143 = arith.addi %add3A_141, %add3A_142 : i32
        %dma_start3A_144 = arith.constant 0 : i32
        %dma_start3A_145 = tpu.memref_slice %arg6[%add3A_143, %dma_start3A_144] : memref<40x128xi32, #tpu.memory_space<vmem>> -> memref<1x128xi32, #tpu.memory_space<vmem>>
        %dma_start3A_146 = tpu.memref_squeeze %dma_start3A_145 : memref<1x128xi32, #tpu.memory_space<vmem>> -> memref<128xi32, #tpu.memory_space<vmem>>
        %dma_start3A_147 = arith.constant 0 : i32
        %dma_start3A_148 = arith.constant 0 : i32
        %dma_start3A_149 = tpu.memref_slice %arg2[%dma_start3A_147, %dma_start3A_148] : memref<40000x128xf32, #tpu.memory_space<hbm>> -> memref<40000x128xf32, #tpu.memory_space<hbm>>
        tpu.enqueue_indirect_dma source(%dma_start3A_149 : memref<40000x128xf32, #tpu.memory_space<hbm>>) target(%arg9 : memref<128x128xf32, #tpu.memory_space<vmem>>) offsets(%dma_start3A_146 : memref<128xi32, #tpu.memory_space<vmem>>) semaphore(%arg12 : memref<!tpu.dma_semaphore, #tpu.memory_space<semaphore_mem>>)
      }
      %scan3A_90 = arith.constant 19 : i32
      %dma_wait3A = arith.constant 38 : i32
      %dma_wait3A_91 = arith.constant 0 : i32
      %dma_wait3A_92 = tpu.memref_slice %arg6[%dma_wait3A, %dma_wait3A_91] : memref<40x128xi32, #tpu.memory_space<vmem>> -> memref<1x128xi32, #tpu.memory_space<vmem>>
      %dma_wait3A_93 = tpu.memref_squeeze %dma_wait3A_92 : memref<1x128xi32, #tpu.memory_space<vmem>> -> memref<128xi32, #tpu.memory_space<vmem>>
      %dma_wait3A_94 = arith.constant 0 : i32
      %dma_wait3A_95 = arith.constant 0 : i32
      %dma_wait3A_96 = tpu.memref_slice %arg2[%dma_wait3A_94, %dma_wait3A_95] : memref<40000x128xf32, #tpu.memory_space<hbm>> -> memref<40000x128xf32, #tpu.memory_space<hbm>>
      tpu.wait_indirect_dma semaphore(%arg11 : memref<!tpu.dma_semaphore, #tpu.memory_space<semaphore_mem>>) src(%dma_wait3A_96 : memref<40000x128xf32, #tpu.memory_space<hbm>>) dst(%arg8 : memref<128x128xf32, #tpu.memory_space<vmem>>)
      %run_scoped3A = arith.constant 38 : i32
      "tpu.region"() ({
        %run_scoped3A_105 = tpu.sem_alloc : memref<!tpu.dma_semaphore, #tpu.memory_space<semaphore_mem>>
        %dma_start3A_106 = arith.constant 0 : i32
        %dma_start3A_107 = tpu.memref_slice %arg7[%run_scoped3A, %dma_start3A_106] : memref<40x128xi32, #tpu.memory_space<vmem>> -> memref<1x128xi32, #tpu.memory_space<vmem>>
        %dma_start3A_108 = tpu.memref_squeeze %dma_start3A_107 : memref<1x128xi32, #tpu.memory_space<vmem>> -> memref<128xi32, #tpu.memory_space<vmem>>
        %dma_start3A_109 = arith.constant 0 : i32
        %dma_start3A_110 = arith.constant 0 : i32
        %dma_start3A_111 = tpu.memref_slice %arg10[%dma_start3A_109, %dma_start3A_110] : memref<10016x128xf32, #tpu.memory_space<vmem_shared>> -> memref<10016x128xf32, #tpu.memory_space<vmem_shared>>
        tpu.enqueue_indirect_dma source(%arg8 : memref<128x128xf32, #tpu.memory_space<vmem>>) target(%dma_start3A_111 : memref<10016x128xf32, #tpu.memory_space<vmem_shared>>) offsets(%dma_start3A_108 : memref<128xi32, #tpu.memory_space<vmem>>) semaphore(%run_scoped3A_105 : memref<!tpu.dma_semaphore, #tpu.memory_space<semaphore_mem>>) {add = true}
        %dma_wait3A_112 = arith.constant 0 : i32
        %dma_wait3A_113 = tpu.memref_slice %arg7[%run_scoped3A, %dma_wait3A_112] : memref<40x128xi32, #tpu.memory_space<vmem>> -> memref<1x128xi32, #tpu.memory_space<vmem>>
        %dma_wait3A_114 = tpu.memref_squeeze %dma_wait3A_113 : memref<1x128xi32, #tpu.memory_space<vmem>> -> memref<128xi32, #tpu.memory_space<vmem>>
        %dma_wait3A_115 = arith.constant 0 : i32
        %dma_wait3A_116 = arith.constant 0 : i32
        %dma_wait3A_117 = tpu.memref_slice %arg10[%dma_wait3A_115, %dma_wait3A_116] : memref<10016x128xf32, #tpu.memory_space<vmem_shared>> -> memref<10016x128xf32, #tpu.memory_space<vmem_shared>>
        tpu.wait_indirect_dma semaphore(%run_scoped3A_105 : memref<!tpu.dma_semaphore, #tpu.memory_space<semaphore_mem>>) src(%arg8 : memref<128x128xf32, #tpu.memory_space<vmem>>) dst(%dma_wait3A_117 : memref<10016x128xf32, #tpu.memory_space<vmem_shared>>)
        tpu.yield
      }) : () -> ()
      %dma_wait3A_97 = arith.constant 39 : i32
      %dma_wait3A_98 = arith.constant 0 : i32
      %dma_wait3A_99 = tpu.memref_slice %arg6[%dma_wait3A_97, %dma_wait3A_98] : memref<40x128xi32, #tpu.memory_space<vmem>> -> memref<1x128xi32, #tpu.memory_space<vmem>>
      %dma_wait3A_100 = tpu.memref_squeeze %dma_wait3A_99 : memref<1x128xi32, #tpu.memory_space<vmem>> -> memref<128xi32, #tpu.memory_space<vmem>>
      %dma_wait3A_101 = arith.constant 0 : i32
      %dma_wait3A_102 = arith.constant 0 : i32
      %dma_wait3A_103 = tpu.memref_slice %arg2[%dma_wait3A_101, %dma_wait3A_102] : memref<40000x128xf32, #tpu.memory_space<hbm>> -> memref<40000x128xf32, #tpu.memory_space<hbm>>
      tpu.wait_indirect_dma semaphore(%arg12 : memref<!tpu.dma_semaphore, #tpu.memory_space<semaphore_mem>>) src(%dma_wait3A_103 : memref<40000x128xf32, #tpu.memory_space<hbm>>) dst(%arg9 : memref<128x128xf32, #tpu.memory_space<vmem>>)
      %run_scoped3A_104 = arith.constant 39 : i32
      "tpu.region"() ({
        %run_scoped3A_105 = tpu.sem_alloc : memref<!tpu.dma_semaphore, #tpu.memory_space<semaphore_mem>>
        %dma_start3A_106 = arith.constant 0 : i32
        %dma_start3A_107 = tpu.memref_slice %arg7[%run_scoped3A_104, %dma_start3A_106] : memref<40x128xi32, #tpu.memory_space<vmem>> -> memref<1x128xi32, #tpu.memory_space<vmem>>
        %dma_start3A_108 = tpu.memref_squeeze %dma_start3A_107 : memref<1x128xi32, #tpu.memory_space<vmem>> -> memref<128xi32, #tpu.memory_space<vmem>>
        %dma_start3A_109 = arith.constant 0 : i32
        %dma_start3A_110 = arith.constant 0 : i32
        %dma_start3A_111 = tpu.memref_slice %arg10[%dma_start3A_109, %dma_start3A_110] : memref<10016x128xf32, #tpu.memory_space<vmem_shared>> -> memref<10016x128xf32, #tpu.memory_space<vmem_shared>>
        tpu.enqueue_indirect_dma source(%arg9 : memref<128x128xf32, #tpu.memory_space<vmem>>) target(%dma_start3A_111 : memref<10016x128xf32, #tpu.memory_space<vmem_shared>>) offsets(%dma_start3A_108 : memref<128xi32, #tpu.memory_space<vmem>>) semaphore(%run_scoped3A_105 : memref<!tpu.dma_semaphore, #tpu.memory_space<semaphore_mem>>) {add = true}
        %dma_wait3A_112 = arith.constant 0 : i32
        %dma_wait3A_113 = tpu.memref_slice %arg7[%run_scoped3A_104, %dma_wait3A_112] : memref<40x128xi32, #tpu.memory_space<vmem>> -> memref<1x128xi32, #tpu.memory_space<vmem>>
        %dma_wait3A_114 = tpu.memref_squeeze %dma_wait3A_113 : memref<1x128xi32, #tpu.memory_space<vmem>> -> memref<128xi32, #tpu.memory_space<vmem>>
        %dma_wait3A_115 = arith.constant 0 : i32
        %dma_wait3A_116 = arith.constant 0 : i32
        %dma_wait3A_117 = tpu.memref_slice %arg10[%dma_wait3A_115, %dma_wait3A_116] : memref<10016x128xf32, #tpu.memory_space<vmem_shared>> -> memref<10016x128xf32, #tpu.memory_space<vmem_shared>>
        tpu.wait_indirect_dma semaphore(%run_scoped3A_105 : memref<!tpu.dma_semaphore, #tpu.memory_space<semaphore_mem>>) src(%arg9 : memref<128x128xf32, #tpu.memory_space<vmem>>) dst(%dma_wait3A_117 : memref<10016x128xf32, #tpu.memory_space<vmem_shared>>)
        tpu.yield
      }) : () -> ()
    }
    %scan3A_46 = arith.constant 2 : i32
    %barrier3A_47 = arith.constant 0 : index
    tpu.barrier barrier_id(%barrier3A_47)
    %lt3A_48 = arith.constant 15 : i32
    %lt3A_49 = arith.cmpi slt, %arg1, %lt3A_48 : i32
    %convert_element_type3A_50 = arith.extui %lt3A_49 : i1 to i32
    %cond3A_51 = arith.constant 0 : i32
    %cond3A_52 = arith.cmpi ne, %convert_element_type3A_50, %cond3A_51 : i32
    scf.if %cond3A_52 {
      %mul3A_58 = arith.constant 624 : i32
      %mul3A_59 = arith.muli %arg1, %mul3A_58 : i32
      %mul3A_60 = arith.constant 10000 : i32
      %mul3A_61 = arith.muli %add3A_28, %mul3A_60 : i32
      %mul3A_62 = arith.constant 624 : i32
      %mul3A_63 = arith.muli %arg1, %mul3A_62 : i32
      %add3A_64 = arith.addi %mul3A_61, %mul3A_63 : i32
      "tpu.region"() ({
        %run_scoped3A = tpu.sem_alloc : memref<!tpu.dma_semaphore, #tpu.memory_space<semaphore_mem>>
        %dma_start3A = arith.constant 0 : i32
        %dma_start3A_65 = tpu.memref_slice %arg5[%add3A_64, %dma_start3A] : memref<40000x128xf32, #tpu.memory_space<hbm>> -> memref<624x128xf32, #tpu.memory_space<hbm>>
        %dma_start3A_66 = arith.constant 0 : i32
        %dma_start3A_67 = tpu.memref_slice %arg10[%mul3A_59, %dma_start3A_66] : memref<10016x128xf32, #tpu.memory_space<vmem_shared>> -> memref<624x128xf32, #tpu.memory_space<vmem_shared>>
        tpu.enqueue_dma source(%dma_start3A_67 : memref<624x128xf32, #tpu.memory_space<vmem_shared>>) target(%dma_start3A_65 : memref<624x128xf32, #tpu.memory_space<hbm>>) target_semaphore(%run_scoped3A : memref<!tpu.dma_semaphore, #tpu.memory_space<semaphore_mem>>)
        %dma_wait3A = arith.constant 0 : i32
        %dma_wait3A_68 = tpu.memref_slice %arg5[%add3A_64, %dma_wait3A] : memref<40000x128xf32, #tpu.memory_space<hbm>> -> memref<624x128xf32, #tpu.memory_space<hbm>>
        %dma_wait3A_69 = arith.constant 0 : i32
        %dma_wait3A_70 = tpu.memref_slice %arg10[%mul3A_59, %dma_wait3A_69] : memref<10016x128xf32, #tpu.memory_space<vmem_shared>> -> memref<624x128xf32, #tpu.memory_space<vmem_shared>>
        tpu.wait_dma2 semaphore(%run_scoped3A : memref<!tpu.dma_semaphore, #tpu.memory_space<semaphore_mem>>) src(%dma_wait3A_70 : memref<624x128xf32, #tpu.memory_space<vmem_shared>>) dst(%dma_wait3A_68 : memref<624x128xf32, #tpu.memory_space<hbm>>)
        tpu.yield
      }) : () -> ()
    } else {
    }
    %eq3A_53 = arith.constant 15 : i32
    %eq3A_54 = arith.cmpi eq, %arg1, %eq3A_53 : i32
    %convert_element_type3A_55 = arith.extui %eq3A_54 : i1 to i32
    %cond3A_56 = arith.constant 0 : i32
    %cond3A_57 = arith.cmpi ne, %convert_element_type3A_55, %cond3A_56 : i32
    scf.if %cond3A_57 {
      %mul3A_58 = arith.constant 10000 : i32
      %mul3A_59 = arith.muli %add3A_28, %mul3A_58 : i32
      %add3A_60 = arith.constant 9360 : i32
      %add3A_61 = arith.addi %mul3A_59, %add3A_60 : i32
      "tpu.region"() ({
        %run_scoped3A = tpu.sem_alloc : memref<!tpu.dma_semaphore, #tpu.memory_space<semaphore_mem>>
        %dma_start3A = arith.constant 0 : i32
        %dma_start3A_62 = tpu.memref_slice %arg5[%add3A_61, %dma_start3A] : memref<40000x128xf32, #tpu.memory_space<hbm>> -> memref<640x128xf32, #tpu.memory_space<hbm>>
        %dma_start3A_63 = arith.constant 9360 : i32
        %dma_start3A_64 = arith.constant 0 : i32
        %dma_start3A_65 = tpu.memref_slice %arg10[%dma_start3A_63, %dma_start3A_64] : memref<10016x128xf32, #tpu.memory_space<vmem_shared>> -> memref<640x128xf32, #tpu.memory_space<vmem_shared>>
        tpu.enqueue_dma source(%dma_start3A_65 : memref<640x128xf32, #tpu.memory_space<vmem_shared>>) target(%dma_start3A_62 : memref<640x128xf32, #tpu.memory_space<hbm>>) target_semaphore(%run_scoped3A : memref<!tpu.dma_semaphore, #tpu.memory_space<semaphore_mem>>)
        %dma_wait3A = arith.constant 0 : i32
        %dma_wait3A_66 = tpu.memref_slice %arg5[%add3A_61, %dma_wait3A] : memref<40000x128xf32, #tpu.memory_space<hbm>> -> memref<640x128xf32, #tpu.memory_space<hbm>>
        %dma_wait3A_67 = arith.constant 9360 : i32
        %dma_wait3A_68 = arith.constant 0 : i32
        %dma_wait3A_69 = tpu.memref_slice %arg10[%dma_wait3A_67, %dma_wait3A_68] : memref<10016x128xf32, #tpu.memory_space<vmem_shared>> -> memref<640x128xf32, #tpu.memory_space<vmem_shared>>
        tpu.wait_dma2 semaphore(%run_scoped3A : memref<!tpu.dma_semaphore, #tpu.memory_space<semaphore_mem>>) src(%dma_wait3A_69 : memref<640x128xf32, #tpu.memory_space<vmem_shared>>) dst(%dma_wait3A_66 : memref<640x128xf32, #tpu.memory_space<hbm>>)
        tpu.yield
      }) : () -> ()
    } else {
    }
    return
  }
}

module attributes {stable_mosaic.version = 14 : i64} {
  func.func @_dis_scale_kernel(%arg0: i32, %arg1: i32, %arg2: memref<2x1000x128xf32, #tpu.memory_space<vmem>>, %arg3: memref<1000x128xf32, #tpu.memory_space<vmem>>, %arg4: memref<1000x1xf32, #tpu.memory_space<vmem>>, %arg5: memref<1x1000x128xf32, #tpu.memory_space<vmem>>) attributes {dimension_semantics = [#tpu.dimension_semantics<arbitrary>, #tpu.dimension_semantics<arbitrary>], iteration_bounds = array<i64: 10, 2>, scalar_prefetch = 0 : i64, scratch_operands = 0 : i64, tpu.core_type = #tpu.core_type<tc>, window_params = [{transform_indices = @transform_0, window_bounds = array<i64: 2, 1000, 128>}, {transform_indices = @transform_1, window_bounds = array<i64: 1000, 128>}, {transform_indices = @transform_2, window_bounds = array<i64: 1000, 1>}, {transform_indices = @transform_3, window_bounds = array<i64: 1, 1000, 128>}]} {
    %get3A = arith.constant 0 : index
    %get3A_0 = arith.constant 0 : index
    %get3A_1 = arith.constant 0 : index
    %get3A_2 = vector.load %arg2[%get3A, %get3A_0, %get3A_1] : memref<2x1000x128xf32, #tpu.memory_space<vmem>>, vector<1x1000x128xf32>
    %get3A_3 = vector.shape_cast %get3A_2 : vector<1x1000x128xf32> to vector<1000x128xf32>
    %slice3A = vector.extract_strided_slice %get3A_3 {offsets = [0, 0], sizes = [1000, 1], strides = [1, 1]} : vector<1000x128xf32> to vector<1000x1xf32>
    %get3A_4 = arith.constant 1 : index
    %get3A_5 = arith.constant 0 : index
    %get3A_6 = arith.constant 0 : index
    %get3A_7 = vector.load %arg2[%get3A_4, %get3A_5, %get3A_6] : memref<2x1000x128xf32, #tpu.memory_space<vmem>>, vector<1x1000x128xf32>
    %get3A_8 = vector.shape_cast %get3A_7 : vector<1x1000x128xf32> to vector<1000x128xf32>
    %slice3A_9 = vector.extract_strided_slice %get3A_8 {offsets = [0, 0], sizes = [1000, 1], strides = [1, 1]} : vector<1000x128xf32> to vector<1000x1xf32>
    %add3A = arith.addf %slice3A, %slice3A_9 : vector<1000x1xf32>
    %add3A_10 = arith.constant 1.000000e+00 : f32
    %add3A_11 = vector.broadcast %add3A_10 : f32 to vector<1000x1xf32>
    %add3A_12 = arith.addf %add3A, %add3A_11 : vector<1000x1xf32>
    %rsqrt3A = math.rsqrt %add3A_12 : vector<1000x1xf32>
    %swap3A = arith.constant 0 : index
    %swap3A_13 = arith.constant 0 : index
    %swap3A_14 = vector.load %arg4[%swap3A, %swap3A_13] : memref<1000x1xf32, #tpu.memory_space<vmem>>, vector<1000x1xf32>
    tpu.vector_store %arg4[%swap3A, %swap3A_13], %rsqrt3A {strides = array<i32>} : memref<1000x1xf32, #tpu.memory_space<vmem>>, vector<1000x1xf32>,
    %get3A_15 = arith.constant 0 : index
    %get3A_16 = arith.constant 0 : index
    %get3A_17 = vector.load %arg3[%get3A_15, %get3A_16] : memref<1000x128xf32, #tpu.memory_space<vmem>>, vector<1000x128xf32>
    %mul3A = vector.broadcast %rsqrt3A : vector<1000x1xf32> to vector<1000x128xf32>
    %mul3A_18 = arith.mulf %get3A_17, %mul3A : vector<1000x128xf32>
    %swap3A_19 = arith.constant 0 : index
    %swap3A_20 = arith.constant 0 : index
    %swap3A_21 = arith.constant 0 : index
    %swap3A_22 = vector.load %arg5[%swap3A_19, %swap3A_20, %swap3A_21] : memref<1x1000x128xf32, #tpu.memory_space<vmem>>, vector<1x1000x128xf32>
    %swap3A_23 = vector.shape_cast %swap3A_22 : vector<1x1000x128xf32> to vector<1000x128xf32>
    %swap3A_24 = vector.shape_cast %mul3A_18 : vector<1000x128xf32> to vector<1x1000x128xf32>
    tpu.vector_store %arg5[%swap3A_19, %swap3A_20, %swap3A_21], %swap3A_24 {strides = array<i32>} : memref<1x1000x128xf32, #tpu.memory_space<vmem>>, vector<1x1000x128xf32>,
    return
  }
  func.func @transform_0(%arg0: i32, %arg1: i32) -> (i32, i32, i32) {
    %c0_i32 = arith.constant 0 : i32
    %c0_i32_0 = arith.constant 0 : i32
    %c0_i32_1 = arith.constant 0 : i32
    return %c0_i32, %arg0, %c0_i32_0 : i32, i32, i32
  }
  func.func @transform_1(%arg0: i32, %arg1: i32) -> (i32, i32) {
    %c0_i32 = arith.constant 0 : i32
    return %arg0, %arg1 : i32, i32
  }
  func.func @transform_2(%arg0: i32, %arg1: i32) -> (i32, i32) {
    %c0_i32 = arith.constant 0 : i32
    %c0_i32_0 = arith.constant 0 : i32
    return %arg0, %c0_i32 : i32, i32
  }
  func.func @transform_3(%arg0: i32, %arg1: i32) -> (i32, i32, i32) {
    %c0_i32 = arith.constant 0 : i32
    %c0_i32_0 = arith.constant 0 : i32
    return %arg1, %arg0, %c0_i32 : i32, i32, i32
  }
}

module attributes {stable_mosaic.version = 14 : i64} {
  func.func @_layer1_kernel(%arg0: i32, %arg1: memref<2x1000x128xf32, #tpu.memory_space<vmem>>, %arg2: memref<1000x256xf32, #tpu.memory_space<vmem>>, %arg3: memref<1000x1xf32, #tpu.memory_space<vmem>>, %arg4: memref<256x512xf32, #tpu.memory_space<vmem>>, %arg5: memref<256x512xf32, #tpu.memory_space<vmem>>, %arg6: memref<512xf32, #tpu.memory_space<vmem>>, %arg7: memref<1x1xf32, #tpu.memory_space<vmem>>, %arg8: memref<1000x512xf32, #tpu.memory_space<vmem>>, %arg9: memref<4x1000x128xf32, #tpu.memory_space<vmem>>) attributes {dimension_semantics = [#tpu.dimension_semantics<arbitrary>], iteration_bounds = array<i64: 10>, scalar_prefetch = 0 : i64, scratch_operands = 0 : i64, tpu.core_type = #tpu.core_type<tc>, window_params = [{transform_indices = @transform_0, window_bounds = array<i64: 2, 1000, 128>}, {transform_indices = @transform_1, window_bounds = array<i64: 1000, 256>}, {transform_indices = @transform_2, window_bounds = array<i64: 1000, 1>}, {pipeline_mode = #tpu.pipeline_mode<synchronous>, transform_indices = @transform_3, window_bounds = array<i64: 256, 512>}, {pipeline_mode = #tpu.pipeline_mode<synchronous>, transform_indices = @transform_4, window_bounds = array<i64: 256, 512>}, {pipeline_mode = #tpu.pipeline_mode<synchronous>, transform_indices = @transform_5, window_bounds = array<i64: 512>}, {pipeline_mode = #tpu.pipeline_mode<synchronous>, transform_indices = @transform_6, window_bounds = array<i64: 1, 1>}, {transform_indices = @transform_7, window_bounds = array<i64: 1000, 512>}, {transform_indices = @transform_8, window_bounds = array<i64: 4, 1000, 128>}]} {
    %get3A = arith.constant 0 : index
    %get3A_0 = arith.constant 0 : index
    %get3A_1 = vector.load %arg3[%get3A, %get3A_0] : memref<1000x1xf32, #tpu.memory_space<vmem>>, vector<1000x1xf32>
    %get3A_2 = arith.constant 0 : index
    %get3A_3 = arith.constant 0 : index
    %get3A_4 = arith.constant 0 : index
    %get3A_5 = vector.load %arg1[%get3A_2, %get3A_3, %get3A_4] : memref<2x1000x128xf32, #tpu.memory_space<vmem>>, vector<1x1000x128xf32>
    %get3A_6 = vector.shape_cast %get3A_5 : vector<1x1000x128xf32> to vector<1000x128xf32>
    %get3A_7 = arith.constant 1 : index
    %get3A_8 = arith.constant 0 : index
    %get3A_9 = arith.constant 0 : index
    %get3A_10 = vector.load %arg1[%get3A_7, %get3A_8, %get3A_9] : memref<2x1000x128xf32, #tpu.memory_space<vmem>>, vector<1x1000x128xf32>
    %get3A_11 = vector.shape_cast %get3A_10 : vector<1x1000x128xf32> to vector<1000x128xf32>
    %concatenate3A = tpu.concatenate %get3A_6, %get3A_11 in 1 : vector<1000x128xf32>, vector<1000x128xf32> -> vector<1000x256xf32>
    %mul3A = vector.broadcast %get3A_1 : vector<1000x1xf32> to vector<1000x256xf32>
    %mul3A_12 = arith.mulf %concatenate3A, %mul3A : vector<1000x256xf32>
    %get3A_13 = arith.constant 0 : index
    %get3A_14 = arith.constant 0 : index
    %get3A_15 = vector.load %arg7[%get3A_13, %get3A_14] : memref<1x1xf32, #tpu.memory_space<vmem>>, vector<1x1xf32>
    %get3A_16 = vector.extract %get3A_15[0, 0] : f32 from vector<1x1xf32>
    %neg3A = arith.constant 0.000000e+00 : f32
    %neg3A_17 = arith.subf %neg3A, %get3A_16 : f32
    %exp3A = math.exp %neg3A_17 : f32
    %add3A = arith.constant 1.000000e+00 : f32
    %add3A_18 = arith.addf %add3A, %exp3A : f32
    %div3A = arith.constant 1.000000e+00 : f32
    %div3A_19 = arith.divf %div3A, %add3A_18 : f32
    %get3A_20 = arith.constant 0 : index
    %get3A_21 = arith.constant 0 : index
    %get3A_22 = vector.load %arg4[%get3A_20, %get3A_21] : memref<256x512xf32, #tpu.memory_space<vmem>>, vector<256x512xf32>
    %dot_general3A = arith.constant dense<0.000000e+00> : vector<1000x512xf32>
    %dot_general3A_23 = tpu.matmul %mul3A_12, %get3A_22, %dot_general3A {dimension_numbers = #tpu.dot_dimension_numbers<[1], [0], [0], [1], [0, 0, 1, 1], [], []>, transpose_lhs_hint = false} : vector<1000x256xf32>, vector<256x512xf32>, vector<1000x512xf32> -> vector<1000x512xf32>
    %get3A_24 = arith.constant 0 : index
    %get3A_25 = arith.constant 0 : index
    %get3A_26 = vector.load %arg2[%get3A_24, %get3A_25] : memref<1000x256xf32, #tpu.memory_space<vmem>>, vector<1000x256xf32>
    %sub3A = arith.subf %get3A_26, %mul3A_12 : vector<1000x256xf32>
    %get3A_27 = arith.constant 0 : index
    %get3A_28 = arith.constant 0 : index
    %get3A_29 = vector.load %arg5[%get3A_27, %get3A_28] : memref<256x512xf32, #tpu.memory_space<vmem>>, vector<256x512xf32>
    %dot_general3A_30 = arith.constant dense<0.000000e+00> : vector<1000x512xf32>
    %dot_general3A_31 = tpu.matmul %sub3A, %get3A_29, %dot_general3A_30 {dimension_numbers = #tpu.dot_dimension_numbers<[1], [0], [0], [1], [0, 0, 1, 1], [], []>, transpose_lhs_hint = false} : vector<1000x256xf32>, vector<256x512xf32>, vector<1000x512xf32> -> vector<1000x512xf32>
    %mul3A_32 = vector.broadcast %div3A_19 : f32 to vector<1000x512xf32>
    %mul3A_33 = arith.mulf %mul3A_32, %dot_general3A_23 : vector<1000x512xf32>
    %sub3A_34 = arith.constant 1.000000e+00 : f32
    %sub3A_35 = arith.subf %sub3A_34, %div3A_19 : f32
    %mul3A_36 = vector.broadcast %sub3A_35 : f32 to vector<1000x512xf32>
    %mul3A_37 = arith.mulf %mul3A_36, %dot_general3A_31 : vector<1000x512xf32>
    %add3A_38 = arith.addf %mul3A_33, %mul3A_37 : vector<1000x512xf32>
    %get3A_39 = arith.constant 0 : index
    %get3A_40 = vector.load %arg6[%get3A_39] : memref<512xf32, #tpu.memory_space<vmem>>, vector<512xf32>
    %broadcast_in_dim3A = vector.shape_cast %get3A_40 : vector<512xf32> to vector<1x512xf32>
    %add3A_41 = vector.broadcast %broadcast_in_dim3A : vector<1x512xf32> to vector<1000x512xf32>
    %add3A_42 = arith.addf %add3A_38, %add3A_41 : vector<1000x512xf32>
    %max3A = arith.constant 0.000000e+00 : f32
    %max3A_43 = vector.broadcast %max3A : f32 to vector<1000x512xf32>
    %max3A_44 = arith.maximumf %add3A_42, %max3A_43 : vector<1000x512xf32>
    %swap3A = arith.constant 0 : index
    %swap3A_45 = arith.constant 0 : index
    %swap3A_46 = vector.load %arg8[%swap3A, %swap3A_45] : memref<1000x512xf32, #tpu.memory_space<vmem>>, vector<1000x512xf32>
    tpu.vector_store %arg8[%swap3A, %swap3A_45], %max3A_44 {strides = array<i32>} : memref<1000x512xf32, #tpu.memory_space<vmem>>, vector<1000x512xf32>,
    %slice3A = vector.extract_strided_slice %max3A_44 {offsets = [0, 0], sizes = [1000, 128], strides = [1, 1]} : vector<1000x512xf32> to vector<1000x128xf32>
    %mul3A_47 = vector.broadcast %get3A_1 : vector<1000x1xf32> to vector<1000x128xf32>
    %mul3A_48 = arith.mulf %slice3A, %mul3A_47 : vector<1000x128xf32>
    %swap3A_49 = arith.constant 0 : index
    %swap3A_50 = arith.constant 0 : index
    %swap3A_51 = arith.constant 0 : index
    %swap3A_52 = vector.load %arg9[%swap3A_49, %swap3A_50, %swap3A_51] : memref<4x1000x128xf32, #tpu.memory_space<vmem>>, vector<1x1000x128xf32>
    %swap3A_53 = vector.shape_cast %swap3A_52 : vector<1x1000x128xf32> to vector<1000x128xf32>
    %swap3A_54 = vector.shape_cast %mul3A_48 : vector<1000x128xf32> to vector<1x1000x128xf32>
    tpu.vector_store %arg9[%swap3A_49, %swap3A_50, %swap3A_51], %swap3A_54 {strides = array<i32>} : memref<4x1000x128xf32, #tpu.memory_space<vmem>>, vector<1x1000x128xf32>,
    %slice3A_55 = vector.extract_strided_slice %max3A_44 {offsets = [0, 128], sizes = [1000, 128], strides = [1, 1]} : vector<1000x512xf32> to vector<1000x128xf32>
    %mul3A_56 = vector.broadcast %get3A_1 : vector<1000x1xf32> to vector<1000x128xf32>
    %mul3A_57 = arith.mulf %slice3A_55, %mul3A_56 : vector<1000x128xf32>
    %swap3A_58 = arith.constant 1 : index
    %swap3A_59 = arith.constant 0 : index
    %swap3A_60 = arith.constant 0 : index
    %swap3A_61 = vector.load %arg9[%swap3A_58, %swap3A_59, %swap3A_60] : memref<4x1000x128xf32, #tpu.memory_space<vmem>>, vector<1x1000x128xf32>
    %swap3A_62 = vector.shape_cast %swap3A_61 : vector<1x1000x128xf32> to vector<1000x128xf32>
    %swap3A_63 = vector.shape_cast %mul3A_57 : vector<1000x128xf32> to vector<1x1000x128xf32>
    tpu.vector_store %arg9[%swap3A_58, %swap3A_59, %swap3A_60], %swap3A_63 {strides = array<i32>} : memref<4x1000x128xf32, #tpu.memory_space<vmem>>, vector<1x1000x128xf32>,
    %slice3A_64 = vector.extract_strided_slice %max3A_44 {offsets = [0, 256], sizes = [1000, 128], strides = [1, 1]} : vector<1000x512xf32> to vector<1000x128xf32>
    %mul3A_65 = vector.broadcast %get3A_1 : vector<1000x1xf32> to vector<1000x128xf32>
    %mul3A_66 = arith.mulf %slice3A_64, %mul3A_65 : vector<1000x128xf32>
    %swap3A_67 = arith.constant 2 : index
    %swap3A_68 = arith.constant 0 : index
    %swap3A_69 = arith.constant 0 : index
    %swap3A_70 = vector.load %arg9[%swap3A_67, %swap3A_68, %swap3A_69] : memref<4x1000x128xf32, #tpu.memory_space<vmem>>, vector<1x1000x128xf32>
    %swap3A_71 = vector.shape_cast %swap3A_70 : vector<1x1000x128xf32> to vector<1000x128xf32>
    %swap3A_72 = vector.shape_cast %mul3A_66 : vector<1000x128xf32> to vector<1x1000x128xf32>
    tpu.vector_store %arg9[%swap3A_67, %swap3A_68, %swap3A_69], %swap3A_72 {strides = array<i32>} : memref<4x1000x128xf32, #tpu.memory_space<vmem>>, vector<1x1000x128xf32>,
    %slice3A_73 = vector.extract_strided_slice %max3A_44 {offsets = [0, 384], sizes = [1000, 128], strides = [1, 1]} : vector<1000x512xf32> to vector<1000x128xf32>
    %mul3A_74 = vector.broadcast %get3A_1 : vector<1000x1xf32> to vector<1000x128xf32>
    %mul3A_75 = arith.mulf %slice3A_73, %mul3A_74 : vector<1000x128xf32>
    %swap3A_76 = arith.constant 3 : index
    %swap3A_77 = arith.constant 0 : index
    %swap3A_78 = arith.constant 0 : index
    %swap3A_79 = vector.load %arg9[%swap3A_76, %swap3A_77, %swap3A_78] : memref<4x1000x128xf32, #tpu.memory_space<vmem>>, vector<1x1000x128xf32>
    %swap3A_80 = vector.shape_cast %swap3A_79 : vector<1x1000x128xf32> to vector<1000x128xf32>
    %swap3A_81 = vector.shape_cast %mul3A_75 : vector<1000x128xf32> to vector<1x1000x128xf32>
    tpu.vector_store %arg9[%swap3A_76, %swap3A_77, %swap3A_78], %swap3A_81 {strides = array<i32>} : memref<4x1000x128xf32, #tpu.memory_space<vmem>>, vector<1x1000x128xf32>,
    return
  }
  func.func @transform_0(%arg0: i32) -> (i32, i32, i32) {
    %c0_i32 = arith.constant 0 : i32
    %c0_i32_0 = arith.constant 0 : i32
    %c0_i32_1 = arith.constant 0 : i32
    return %c0_i32, %arg0, %c0_i32_0 : i32, i32, i32
  }
  func.func @transform_1(%arg0: i32) -> (i32, i32) {
    %c0_i32 = arith.constant 0 : i32
    %c0_i32_0 = arith.constant 0 : i32
    return %arg0, %c0_i32 : i32, i32
  }
  func.func @transform_2(%arg0: i32) -> (i32, i32) {
    %c0_i32 = arith.constant 0 : i32
    %c0_i32_0 = arith.constant 0 : i32
    return %arg0, %c0_i32 : i32, i32
  }
  func.func @transform_3(%arg0: i32) -> (i32, i32) {
    %c0_i32 = arith.constant 0 : i32
    %c0_i32_0 = arith.constant 0 : i32
    %c0_i32_1 = arith.constant 0 : i32
    return %c0_i32, %c0_i32_0 : i32, i32
  }
  func.func @transform_4(%arg0: i32) -> (i32, i32) {
    %c0_i32 = arith.constant 0 : i32
    %c0_i32_0 = arith.constant 0 : i32
    %c0_i32_1 = arith.constant 0 : i32
    return %c0_i32, %c0_i32_0 : i32, i32
  }
  func.func @transform_5(%arg0: i32) -> i32 {
    %c0_i32 = arith.constant 0 : i32
    %c0_i32_0 = arith.constant 0 : i32
    return %c0_i32 : i32
  }
  func.func @transform_6(%arg0: i32) -> (i32, i32) {
    %c0_i32 = arith.constant 0 : i32
    %c0_i32_0 = arith.constant 0 : i32
    %c0_i32_1 = arith.constant 0 : i32
    return %c0_i32, %c0_i32_0 : i32, i32
  }
  func.func @transform_7(%arg0: i32) -> (i32, i32) {
    %c0_i32 = arith.constant 0 : i32
    %c0_i32_0 = arith.constant 0 : i32
    return %arg0, %c0_i32 : i32, i32
  }
  func.func @transform_8(%arg0: i32) -> (i32, i32, i32) {
    %c0_i32 = arith.constant 0 : i32
    %c0_i32_0 = arith.constant 0 : i32
    %c0_i32_1 = arith.constant 0 : i32
    return %c0_i32, %arg0, %c0_i32_0 : i32, i32, i32
  }
}

module attributes {stable_mosaic.version = 14 : i64} {
  func.func @_layer2_kernel(%arg0: i32, %arg1: memref<4x1000x128xf32, #tpu.memory_space<vmem>>, %arg2: memref<1000x512xf32, #tpu.memory_space<vmem>>, %arg3: memref<1000x1xf32, #tpu.memory_space<vmem>>, %arg4: memref<512x40xf32, #tpu.memory_space<vmem>>, %arg5: memref<512x40xf32, #tpu.memory_space<vmem>>, %arg6: memref<40xf32, #tpu.memory_space<vmem>>, %arg7: memref<1x1xf32, #tpu.memory_space<vmem>>, %arg8: memref<1000x40xf32, #tpu.memory_space<vmem>>) attributes {dimension_semantics = [#tpu.dimension_semantics<arbitrary>], iteration_bounds = array<i64: 10>, scalar_prefetch = 0 : i64, scratch_operands = 0 : i64, tpu.core_type = #tpu.core_type<tc>, window_params = [{transform_indices = @transform_0, window_bounds = array<i64: 4, 1000, 128>}, {transform_indices = @transform_1, window_bounds = array<i64: 1000, 512>}, {transform_indices = @transform_2, window_bounds = array<i64: 1000, 1>}, {pipeline_mode = #tpu.pipeline_mode<synchronous>, transform_indices = @transform_3, window_bounds = array<i64: 512, 40>}, {pipeline_mode = #tpu.pipeline_mode<synchronous>, transform_indices = @transform_4, window_bounds = array<i64: 512, 40>}, {pipeline_mode = #tpu.pipeline_mode<synchronous>, transform_indices = @transform_5, window_bounds = array<i64: 40>}, {pipeline_mode = #tpu.pipeline_mode<synchronous>, transform_indices = @transform_6, window_bounds = array<i64: 1, 1>}, {transform_indices = @transform_7, window_bounds = array<i64: 1000, 40>}]} {
    %get3A = arith.constant 0 : index
    %get3A_0 = arith.constant 0 : index
    %get3A_1 = vector.load %arg3[%get3A, %get3A_0] : memref<1000x1xf32, #tpu.memory_space<vmem>>, vector<1000x1xf32>
    %get3A_2 = arith.constant 0 : index
    %get3A_3 = arith.constant 0 : index
    %get3A_4 = arith.constant 0 : index
    %get3A_5 = vector.load %arg1[%get3A_2, %get3A_3, %get3A_4] : memref<4x1000x128xf32, #tpu.memory_space<vmem>>, vector<1x1000x128xf32>
    %get3A_6 = vector.shape_cast %get3A_5 : vector<1x1000x128xf32> to vector<1000x128xf32>
    %get3A_7 = arith.constant 1 : index
    %get3A_8 = arith.constant 0 : index
    %get3A_9 = arith.constant 0 : index
    %get3A_10 = vector.load %arg1[%get3A_7, %get3A_8, %get3A_9] : memref<4x1000x128xf32, #tpu.memory_space<vmem>>, vector<1x1000x128xf32>
    %get3A_11 = vector.shape_cast %get3A_10 : vector<1x1000x128xf32> to vector<1000x128xf32>
    %get3A_12 = arith.constant 2 : index
    %get3A_13 = arith.constant 0 : index
    %get3A_14 = arith.constant 0 : index
    %get3A_15 = vector.load %arg1[%get3A_12, %get3A_13, %get3A_14] : memref<4x1000x128xf32, #tpu.memory_space<vmem>>, vector<1x1000x128xf32>
    %get3A_16 = vector.shape_cast %get3A_15 : vector<1x1000x128xf32> to vector<1000x128xf32>
    %get3A_17 = arith.constant 3 : index
    %get3A_18 = arith.constant 0 : index
    %get3A_19 = arith.constant 0 : index
    %get3A_20 = vector.load %arg1[%get3A_17, %get3A_18, %get3A_19] : memref<4x1000x128xf32, #tpu.memory_space<vmem>>, vector<1x1000x128xf32>
    %get3A_21 = vector.shape_cast %get3A_20 : vector<1x1000x128xf32> to vector<1000x128xf32>
    %concatenate3A = tpu.concatenate %get3A_6, %get3A_11, %get3A_16, %get3A_21 in 1 : vector<1000x128xf32>, vector<1000x128xf32>, vector<1000x128xf32>, vector<1000x128xf32> -> vector<1000x512xf32>
    %mul3A = vector.broadcast %get3A_1 : vector<1000x1xf32> to vector<1000x512xf32>
    %mul3A_22 = arith.mulf %concatenate3A, %mul3A : vector<1000x512xf32>
    %get3A_23 = arith.constant 0 : index
    %get3A_24 = arith.constant 0 : index
    %get3A_25 = vector.load %arg7[%get3A_23, %get3A_24] : memref<1x1xf32, #tpu.memory_space<vmem>>, vector<1x1xf32>
    %get3A_26 = vector.extract %get3A_25[0, 0] : f32 from vector<1x1xf32>
    %neg3A = arith.constant 0.000000e+00 : f32
    %neg3A_27 = arith.subf %neg3A, %get3A_26 : f32
    %exp3A = math.exp %neg3A_27 : f32
    %add3A = arith.constant 1.000000e+00 : f32
    %add3A_28 = arith.addf %add3A, %exp3A : f32
    %div3A = arith.constant 1.000000e+00 : f32
    %div3A_29 = arith.divf %div3A, %add3A_28 : f32
    %get3A_30 = arith.constant 0 : index
    %get3A_31 = arith.constant 0 : index
    %get3A_32 = vector.load %arg4[%get3A_30, %get3A_31] : memref<512x40xf32, #tpu.memory_space<vmem>>, vector<512x40xf32>
    %dot_general3A = arith.constant dense<0.000000e+00> : vector<1000x40xf32>
    %dot_general3A_33 = tpu.matmul %mul3A_22, %get3A_32, %dot_general3A {dimension_numbers = #tpu.dot_dimension_numbers<[1], [0], [0], [1], [0, 0, 1, 1], [], []>, transpose_lhs_hint = false} : vector<1000x512xf32>, vector<512x40xf32>, vector<1000x40xf32> -> vector<1000x40xf32>
    %get3A_34 = arith.constant 0 : index
    %get3A_35 = arith.constant 0 : index
    %get3A_36 = vector.load %arg2[%get3A_34, %get3A_35] : memref<1000x512xf32, #tpu.memory_space<vmem>>, vector<1000x512xf32>
    %sub3A = arith.subf %get3A_36, %mul3A_22 : vector<1000x512xf32>
    %get3A_37 = arith.constant 0 : index
    %get3A_38 = arith.constant 0 : index
    %get3A_39 = vector.load %arg5[%get3A_37, %get3A_38] : memref<512x40xf32, #tpu.memory_space<vmem>>, vector<512x40xf32>
    %dot_general3A_40 = arith.constant dense<0.000000e+00> : vector<1000x40xf32>
    %dot_general3A_41 = tpu.matmul %sub3A, %get3A_39, %dot_general3A_40 {dimension_numbers = #tpu.dot_dimension_numbers<[1], [0], [0], [1], [0, 0, 1, 1], [], []>, transpose_lhs_hint = false} : vector<1000x512xf32>, vector<512x40xf32>, vector<1000x40xf32> -> vector<1000x40xf32>
    %mul3A_42 = vector.broadcast %div3A_29 : f32 to vector<1000x40xf32>
    %mul3A_43 = arith.mulf %mul3A_42, %dot_general3A_33 : vector<1000x40xf32>
    %sub3A_44 = arith.constant 1.000000e+00 : f32
    %sub3A_45 = arith.subf %sub3A_44, %div3A_29 : f32
    %mul3A_46 = vector.broadcast %sub3A_45 : f32 to vector<1000x40xf32>
    %mul3A_47 = arith.mulf %mul3A_46, %dot_general3A_41 : vector<1000x40xf32>
    %add3A_48 = arith.addf %mul3A_43, %mul3A_47 : vector<1000x40xf32>
    %get3A_49 = arith.constant 0 : index
    %get3A_50 = vector.load %arg6[%get3A_49] : memref<40xf32, #tpu.memory_space<vmem>>, vector<40xf32>
    %broadcast_in_dim3A = vector.shape_cast %get3A_50 : vector<40xf32> to vector<1x40xf32>
    %add3A_51 = vector.broadcast %broadcast_in_dim3A : vector<1x40xf32> to vector<1000x40xf32>
    %add3A_52 = arith.addf %add3A_48, %add3A_51 : vector<1000x40xf32>
    %swap3A = arith.constant 0 : index
    %swap3A_53 = arith.constant 0 : index
    %swap3A_54 = vector.load %arg8[%swap3A, %swap3A_53] : memref<1000x40xf32, #tpu.memory_space<vmem>>, vector<1000x40xf32>
    tpu.vector_store %arg8[%swap3A, %swap3A_53], %add3A_52 {strides = array<i32>} : memref<1000x40xf32, #tpu.memory_space<vmem>>, vector<1000x40xf32>,
    return
  }
  func.func @transform_0(%arg0: i32) -> (i32, i32, i32) {
    %c0_i32 = arith.constant 0 : i32
    %c0_i32_0 = arith.constant 0 : i32
    %c0_i32_1 = arith.constant 0 : i32
    return %c0_i32, %arg0, %c0_i32_0 : i32, i32, i32
  }
  func.func @transform_1(%arg0: i32) -> (i32, i32) {
    %c0_i32 = arith.constant 0 : i32
    %c0_i32_0 = arith.constant 0 : i32
    return %arg0, %c0_i32 : i32, i32
  }
  func.func @transform_2(%arg0: i32) -> (i32, i32) {
    %c0_i32 = arith.constant 0 : i32
    %c0_i32_0 = arith.constant 0 : i32
    return %arg0, %c0_i32 : i32, i32
  }
  func.func @transform_3(%arg0: i32) -> (i32, i32) {
    %c0_i32 = arith.constant 0 : i32
    %c0_i32_0 = arith.constant 0 : i32
    %c0_i32_1 = arith.constant 0 : i32
    return %c0_i32, %c0_i32_0 : i32, i32
  }
  func.func @transform_4(%arg0: i32) -> (i32, i32) {
    %c0_i32 = arith.constant 0 : i32
    %c0_i32_0 = arith.constant 0 : i32
    %c0_i32_1 = arith.constant 0 : i32
    return %c0_i32, %c0_i32_0 : i32, i32
  }
  func.func @transform_5(%arg0: i32) -> i32 {
    %c0_i32 = arith.constant 0 : i32
    %c0_i32_0 = arith.constant 0 : i32
    return %c0_i32 : i32
  }
  func.func @transform_6(%arg0: i32) -> (i32, i32) {
    %c0_i32 = arith.constant 0 : i32
    %c0_i32_0 = arith.constant 0 : i32
    %c0_i32_1 = arith.constant 0 : i32
    return %c0_i32, %c0_i32_0 : i32, i32
  }
  func.func @transform_7(%arg0: i32) -> (i32, i32) {
    %c0_i32 = arith.constant 0 : i32
    %c0_i32_0 = arith.constant 0 : i32
    return %arg0, %c0_i32 : i32, i32
  }
}

</mosaic_0001>

<sc_bundles>
// kernel: kernel.11.cloned.1.call-start
scs
__scs_entry_jumppad:
0x0: {  	(pc) =	sbr.rel $0x88, $3  }
0x1: {  	(tag) =	ssettag $0x0;
	lr =	simm.s32 $0x1  }
0x2: {  	[smem:$0x3F97] =	sst lr;
	_ =	strace $0xD0000000  }
0x3: {  	_ = 	snop  }
0x4: {  	_ = 	snop  }
0x5: {  	_ = 	snop  }
0x6: {  	_ = 	snop  }
0x7: {  	_ = 	snop  }
__scs_overlays_trampoline_lowered:
0x8: {  	[smem:$0x3FA6] =	sst s0  }
0x9: {  	[smem:$0x3FA7] =	sst s1  }
0xa: {  	[smem:$0x3FA8] =	sst s2  }
0xb: {  	[smem:$0x3FA9] =	sst s3  }
0xc: {  	[smem:$0x3FAA] =	sst s4  }
0xd: {  	[smem:$0x3FAB] =	sst s5  }
0xe: {  	[smem:$0x3FAC] =	sst s6  }
0xf: {  	[smem:$0x3FAD] =	sst s7  }
0x10: {  	[smem:$0x3FAE] =	sst s8  }
0x11: {  	[smem:$0x3FAF] =	sst s9;
	s0 =	simm.s32 @!p0 $0x0  }
0x12: {  	s1 =	sld [smem:$0x3F95];
	s0 =	simm.s32 @p0 $0x1  }
0x13: {  	[smem:$0x3FB0] =	sst s0;
	s0 =	simm.s32 @!p1 $0x0  }
0x14: {  	s2 =	sld [smem:$0x3F94];
	s0 =	simm.s32 @p1 $0x1  }
0x15: {  	[smem:$0x3FB1] =	sst s0;
	s0 =	simm.s32 @!p2 $0x0  }
0x16: {  	s3 =	sld [smem:$0x3FDB];
	s0 =	simm.s32 @p2 $0x1  }
0x17: {  	s4 =	simm.s32 $0x1BF5;
	[smem:$0x3FB3] =	sst s0  }
0x18: {  	s0 =	sld [smem:$0x3F96];
	_ =	swait.ge [sflag:s4], $0x0  }
0x19: {  	s7 =	sld [smem:$0x3F97]  }
0x1a: {  	s8 =	sadd.s32 $0xFFFFE003, lr  }
0x1b: {  	s9 =	sadd.s32 $0xFFFFFEF7, lr;
	s5 =	simm.s32 $0xFFFFFFFF;
	p2 =	slt.u32 s8, $0xFFFFF086  }
0x1c: {  	p1 =	slt.u32 s9, $0xF7A;
	s5 =	simm.s32 @!p2 $0x0  }
0x1d: {  	s5 =	simm.s32 @p1 $0x1;
	p0 =	seq.s32 s7, s2  }
0x1e: {  	s7 =	smul.u32 @!p0 $0xF7A, s2;
	p2 =	seq.s32 @!p0 s5, $0x0  }
0x1f: {  	s9 =	smul.u32 $0xF7A, s1;
	s8 =	simm.s32 @!p0 $0x1BF5;
	p2 =	por !p2, p0  }
0x20: {  	[sflag:s8] =	ssyncset.s32 @!p0 $0xFFFFF086;
	s6 =	sadd.s32 @!p0 s3, s7;
	s7 =	simm.s32 @!p0 $0x108  }
0x21: {  	s3 =	sadd.s32 s3, s9;
	s6 =	sadd.s32 @!p0 $0x88, s6;
	s7 =	simm.s32 @p2 $0x1082  }
0x22: {  	[simem:s7], [sflag:s8] =	dma.local @!p0 [hbm:s6], $0xF7A  }
0x23: {  	s9 =	sor.u32 $0xD0000000, s2;
	s6 =	simm.s32 $0x108;
	_ =	swait.ge @!p0 [sflag:s8], $0x0  }
0x24: {  	s3 =	sadd.s32 $0x88, s3;
	s6 =	simm.s32 @!p1 $0x1082;
	[sflag:s4] =	ssyncset.s32 $0xFFFFF086  }
0x25: {  	[simem:s6], [sflag:s4] =	dma.local [hbm:s3], $0xF7A  }
0x26: {  	[smem:$0x3F97] =	sst s1;
	(tag) =	ssettag s2;
	_ =	strace s9  }
0x27: {  	s1 =	sld [smem:$0x3FA7]  }
0x28: {  	s2 =	sld [smem:$0x3FA8]  }
0x29: {  	s4 =	sld [smem:$0x3FAA]  }
0x2a: {  	p0 =	seq.s32 s5, $0x0;
	s5 =	sld [smem:$0x3FAB]  }
0x2b: {  	s6 =	sld [smem:$0x3FAC]  }
0x2c: {  	s7 =	sld [smem:$0x3FAD]  }
0x2d: {  	s3 =	simm.s32 $0x108;
	s8 =	sld [smem:$0x3FAE]  }
0x2e: {  	s3 =	simm.s32 @!p0 $0x1082;
	s9 =	sld [smem:$0x3FAF]  }
0x2f: {  	lr =	sadd.s32 s0, s3;
	s0 =	sld [smem:$0x3FA6]  }
0x30: {  	s3 =	sld [smem:$0x3FA9]  }
0x31: {  	[smem:$0x3FB2] =	sst s10  }
0x32: {  	s10 =	sld [smem:$0x3FB0];
	_ =	sdelay $0x3  }
0x33: {  	p0 =	seq.s32 s10, $0x1;
	s10 =	sld [smem:$0x3FB2];
	_ =	sdelay $0x3  }
0x34: {  	[smem:$0x3FB2] =	sst s10  }
0x35: {  	s10 =	sld [smem:$0x3FB1];
	_ =	sdelay $0x3  }
0x36: {  	p1 =	seq.s32 s10, $0x1;
	s10 =	sld [smem:$0x3FB2];
	_ =	sdelay $0x3  }
0x37: {  	[smem:$0x3FB2] =	sst s10  }
0x38: {  	s10 =	sld [smem:$0x3FB3]  }
0x39: {  	_ = 	snop;
	(pc) =	sbr.ind lr, $3  }
0x3a: {  	_ = 	snop  }
0x3b: {  	_ = 	snop  }
0x3c: {  	p2 =	seq.s32 s10, $0x1;
	s10 =	sld [smem:$0x3FB2]  }
0x3d: {  	_ =	shalt  }
0x3e: {  	_ =	shalt  }
0x3f: {  	_ =	shalt  }
0x40: {  	_ =	shalt  }
0x41: {  	_ =	shalt  }
0x42: {  	_ =	shalt  }
0x43: {  	_ =	shalt  }
0x44: {  	_ =	shalt  }
0x45: {  	_ =	shalt  }
0x46: {  	_ =	shalt  }
0x47: {  	_ =	shalt  }
0x48: {  	_ =	shalt  }
0x49: {  	_ =	shalt  }
0x4a: {  	_ =	shalt  }
0x4b: {  	_ =	shalt  }
0x4c: {  	_ =	shalt  }
0x4d: {  	_ =	shalt  }
0x4e: {  	_ =	shalt  }
0x4f: {  	_ =	shalt  }
0x50: {  	_ =	shalt  }
0x51: {  	_ =	shalt  }
0x52: {  	_ =	shalt  }
0x53: {  	_ =	shalt  }
0x54: {  	_ =	shalt  }
0x55: {  	_ =	shalt  }
0x56: {  	_ =	shalt  }
0x57: {  	_ =	shalt  }
0x58: {  	_ =	shalt  }
0x59: {  	_ =	shalt  }
0x5a: {  	_ =	shalt  }
0x5b: {  	_ =	shalt  }
0x5c: {  	_ =	shalt  }
0x5d: {  	_ =	shalt  }
0x5e: {  	_ =	shalt  }
0x5f: {  	_ =	shalt  }
0x60: {  	_ =	shalt  }
0x61: {  	_ =	shalt  }
0x62: {  	_ =	shalt  }
0x63: {  	_ =	shalt  }
0x64: {  	_ =	shalt  }
0x65: {  	_ =	shalt  }
0x66: {  	_ =	shalt  }
0x67: {  	_ =	shalt  }
0x68: {  	_ =	shalt  }
0x69: {  	_ =	shalt  }
0x6a: {  	_ =	shalt  }
0x6b: {  	_ =	shalt  }
0x6c: {  	_ =	shalt  }
0x6d: {  	_ =	shalt  }
0x6e: {  	_ =	shalt  }
0x6f: {  	_ =	shalt  }
0x70: {  	_ =	shalt  }
0x71: {  	_ =	shalt  }
0x72: {  	_ =	shalt  }
0x73: {  	_ =	shalt  }
0x74: {  	_ =	shalt  }
0x75: {  	_ =	shalt  }
0x76: {  	_ =	shalt  }
0x77: {  	_ =	shalt  }
0x78: {  	_ =	shalt  }
0x79: {  	_ =	shalt  }
0x7a: {  	_ =	shalt  }
0x7b: {  	_ =	shalt  }
0x7c: {  	_ =	shalt  }
0x7d: {  	_ =	shalt  }
0x7e: {  	_ =	shalt  }
0x7f: {  	_ =	shalt  }
0x80: {  	_ =	shalt  }
0x81: {  	_ =	shalt  }
0x82: {  	_ =	shalt  }
0x83: {  	_ =	shalt  }
0x84: {  	_ =	shalt  }
0x85: {  	_ =	shalt  }
0x86: {  	_ =	shalt  }
0x87: {  	_ =	shalt  }
.Lfunc_end0:
.L_simem_size_0:
called_computation.1_lowered:
.L_overlay_start_0:
0x88: {  	s2 =	sld [smem:$0x3FD9]  }
0x89: {  	s3 =	sld [smem:$0x3FFE];
	_ =	sdelay $0x1  }
0x8a: {  	s1 =	srdreg.scid  }
0x8b: {  	s0 =	sand.u32 $0x1, s1  }
0x8c: {  	s17 =	sshll.u32 s0, $0xA;
	s2 =	sadd.s32 s3, s2  }
0x8d: {  	s2 =	sadd.s32 s2, s17  }
0x8e: {  	[smem:$0x3FBE] =	sst s2  }
0x8f: {  	_ = 	snop  }
0x90: {  	s2 =	sld [smem:$0x3FD0];
	(tm) =	ssettm $0x1  }
0x91: {  	s18 =	sld [smem:$0x3FFB];
	_ =	sdelay $0x3  }
0x92: {  	_ =	strace s18  }
0x93: {  	s3 =	sld [smem:$0x3FFC];
	_ =	sdelay $0x3  }
0x94: {  	_ =	strace s3  }
0x95: {  	s3 =	sld [smem:$0x3FFD];
	_ =	sdelay $0x3  }
0x96: {  	_ =	strace s3  }
0x97: {  	_ =	strace $0x8FFFFFFF  }
0x98: {  	s19 =	sld [smem:$0x3FDB];
	_ =	sdelay $0x1  }
0x99: {  	s4 =	simm.s32 $_scs_section_size  }
0x9a: {  	s5 =	simm.s32 $_size__tile_overlayer_lowered;
	s6 =	simm.s32 $_tile_overlayer_lowered  }
0x9b: {  	s22 =	simm.s32 $0x1BFF;
	s21 =	sshll.u32 s6, $0x1;
	s3 =	sadd.s32 s4, s19  }
0x9c: {  	s7 =	simm.s32 $0x0;
	s20 =	sshll.u32 s5, $0x1;
	s5 =	sadd.s32 s21, s3  }
0x9d: {  	[timem:s7], [sflag:s22] =	dma.local [hbm:s5], s20  }
0x9e: {  	_ =	swait.ge [sflag:s22], s20  }
0x9f: {  	s4 =	ssub.s32 $0x0, s20;
	[sflag:s22] =	ssyncset.done $0x0  }
0xa0: {  	[sflag:s22] =	ssyncadd.s32 s4;
	_ =	sdelay $0x1  }
0xa1: {  	s23 =	simm.s32 $0x1B8B  }
0xa2: {  	_ =	swait.ge [sflag:s23], $0x1  }
0xa3: {  	[sflag:s23] =	ssyncset.done $0x0  }
0xa4: {  	s25 =	simm.s32 $0x1B8E;
	s24 =	sld [smem:$0x3FFE];
	[sflag:s23] =	ssyncadd.s32 $0xFFFFFFFF  }
0xa5: {  	s26 =	simm.s32 $execute0_lowered;
	[smem:$0x3FD2] =	sst s25  }
0xa6: {  	s5 =	sshll.u32 s26, $0x1;
	_ =	strace $0x80000049;
	[dreg:$0x1] =	wrdreg $0xFFFFFFFF  }
0xa7: {  	s28 =	simm.s32 $_size_execute0_lowered;
	s3 =	sadd.s32 s3, s5;
	[dreg:$0x0] =	wrdreg $0x0  }
0xa8: {  	s5 =	sshll.u32 s28, $0x1;
	[dreg:$0x2] =	wrdreg s3  }
0xa9: {  	[dreg:$0x3] =	wrdreg s5  }
0xaa: {  	[dreg:$0x4] =	wrdreg $0xC0  }
0xab: {  	_ =	task [dreg:s7], $0x5FFFF  }
0xac: {  	[dreg:$0x1] =	wrdreg $0xFFFFFFFF  }
0xad: {  	[dreg:$0x0] =	wrdreg $0x60  }
0xae: {  	[dreg:$0x2] =	wrdreg s24  }
0xaf: {  	[dreg:$0x3] =	wrdreg s2  }
0xb0: {  	[dreg:$0x4] =	wrdreg $0xA8000  }
0xb1: {  	[dreg:$0x5] =	wrdreg $0x9  }
0xb2: {  	_ =	task.clear_ibuf [dreg:s7], $0x6FFFF;
	_ =	strace $0x90000049  }
0xb3: {  	s29 =	simm.s32 $0x9;
	_ =	strace $0x8000004B  }
0xb4: {  	_ =	swait.ge [sflag:s29], $0x1  }
0xb5: {  	[sflag:s29] =	ssyncadd.s32 $0xFFFFFFFF  }
0xb6: {  	_ =	strace $0x9000004B  }
0xb7: {  	_ =	sfence  }
0xb8: {  	s30 =	sld [smem:$0x0];
	_ =	sdelay $0x2  }
0xb9: {  	s31 =	sshll.u32 s1, $0xD;
	s1 =	sshrl.u32 s1, $0x2  }
0xba: {  	s3 =	sand.u32 $0x4000, s31;
	s1 =	sadd.s32 s1, s30  }
0xbb: {  	s0 =	sor.u32 s3, s0;
	s1 =	sshll.u32 s1, $0x11  }
0xbc: {  	s0 =	sor.u32 s1, s0  }
0xbd: {  	s0 =	sadd.s32 $0x8F2B, s0  }
0xbe: {  	[sflag:s0] =	ssyncadd.remote.s32 $0x1  }
0xbf: {  	_ =	sfence.sel $0xFFFF  }
0xc0: {  	[dreg:$0x0] =	wrdreg $0xFFFFFFFF;
	(pc) =	sbr.abs _section_cstart, $3  }
0xc1: {  	[dreg:$0x1] =	wrdreg $0xFFFFFFFF  }
0xc2: {  	_ =	task.clear_ibuf [dreg:s7], $0x2FFFF;
	_ =	strace $0x9FFFFFFF  }
0xc3: {  	(tm) =	ssettm $0x7FFFFFFF  }
tec
execute0_lowered:
.L_overlay_start_1:
0x0: {  	(tag) =	ssettag $0x1  }
0x1: {  	s7 =	rddreg [dreg:$0x0]  }
0x2: {  	s2 =	rddreg [dreg:$0x1]  }
0x3: {  	s3 =	rddreg [dreg:$0x2]  }
0x4: {  	s0 =	rddreg [dreg:$0x3];
	s5 =	srdreg.scid  }
0x5: {  	s1 =	stileid.u32;
	s4 =	simm.s32 $0x0;
	s16 =	simm.s32 $0x3  }
0x6: {  	s17 =	simm.s32 $0x1400;
	s18 =	simm.s32 $0x80;
	s19 =	simm.s32 $0x2800  }
0x7: {  	s20 =	simm.s32 $0x6800;
	s21 =	simm.s32 $0x1;
	s9 =	smul.u32 $0x4E000, s1  }
0x8: {  	s8 =	sand.u32 $0x1, s5;
	[smem:$0x7FF] =	sst s4;
	s11 =	smul.u32 $0x2700, s1  }
0x9: {  	s5 =	sadd.s32 $0x6A00, s7;
	s6 =	sadd.s32 $0x1A00, s7;
	s25 =	smul.u32 $0x270, s1  }
0xa: {  	s14 =	sadd.s32 $0x54C00, s7;
	p0 =	seq.s32 s1, $0xF;
	s10 =	smul.u32 $0x27100, s8  }
0xb: {  	_ =	strace $0x8000004A;
	s12 =	ssub.s32 $0x2, s8;
	s13 =	smul.u32 $0x138800, s8  }
0xc: {  	s22 =	smul.u32 $0x2710, s8;
	s23 =	sshrl.u32 s12, $0x1;
	s24 =	sshrl.u32 s9, $0x2  }
0xd: {  	s9 =	smul.u32 $0x50, s1;
	s12 =	ssub.s32 s12, s23;
	s15 =	sadd.s32 s24, s3  }
0xe: {  	s26 =	sadd.s32 s11, s10;
	s28 =	sshrl.u32 s13, $0x3;
	s30 =	sadd.s32 s25, s22  }
0xf: {  	s13 =	sadd.s32 $0x124800, s3;
	v0 =	vmov s22;
	s22 =	simm.s32 $0x2;
	s23 =	simm.s32 $0x2700  }
0x10: {  	s24 =	simm.s32 $0x2780;
	s7 =	sadd.s32 s5, s26;
	s29 =	sadd.s32 $0x24900, s28  }
0x11: {  	s31 =	sshll.u32 s30, $0x4;
	s12 =	smax.u32 s12, $0x1;
	s13 =	sshrl.u32 @p0 s13, $0x3  }
0x12: {  	s10 =	sadd.s32 s14, s31;
	s11 =	sadd.s32 s14, s29;
	s14 =	sshll.u32 @!p0 s1, $0x6  }
0x13: {  	s15 =	sshrl.u32 @!p0 s15, $0x3;
	s8 =	sadd.s32 s5, s29;
	s14 =	sor.u32 @!p0 $0x1C03, s14  }
.LBB2_1:
0x14: {  	s25 =	simm.s32 @p0 $0x1FC3  }
0x15: {  	[spmem:s13], [sflag:s25] =	dma.local @p0 [hbm:s8], $0x2800  }
0x16: {  	s25 =	simm.s32 @p0 $0x3  }
0x17: {  	_ =	swait.ge @p0 [sflag:s25], $0x2800  }
0x18: {  	[sflag:s25] =	ssyncset.done @p0 $0x0  }
0x19: {  	[sflag:s25] =	ssyncadd.s32 @p0 $0xFFFFD800;
	s25 =	simm.s32 @!p0 $0x3  }
0x1a: {  	[spmem:s15], [sflag:s14] =	dma.local @!p0 [hbm:s7], $0x2700  }
0x1b: {  	_ =	swait.ge @!p0 [sflag:s25], $0x2700  }
0x1c: {  	[sflag:s25] =	ssyncset.done @!p0 $0x0  }
0x1d: {  	[sflag:s25] =	ssyncadd.s32 @!p0 $0xFFFFD900  }
0x1e: {  	p2 =	por $0x1, $0x1;
	s25 =	simm.s32 $0x0;
	[bflag:$0x0] =	sbarrier.arrive $0xFFFF  }
.LBB2_2:
0x1f: {  	s25 =	sadd.s32 s9, s25  }
0x20: {  	s25 =	sshll.u32 s25, $0x4  }
0x21: {  	s28 =	simm.s32 $0x0;
	s26 =	sadd.s32 s6, s25  }
0x22: {  	[tilespmem:s28], [sflag:$0x3] =	stream.linear.gather [hbm4b:s26+s28], $0x1400, $0x38;
	[tilespmem:$0x1E100] =	vst v63  }
0x23: {  	_ =	swait.ge [sflag:s16], $0x1400  }
0x24: {  	[sflag:s16] =	ssyncset.done $0x0  }
0x25: {  	s25 =	sadd.s32 s2, s25;
	[sflag:s16] =	ssyncadd.s32 $0xFFFFEC00  }
0x26: {  	[tilespmem:s17], [sflag:$0x3] =	stream.linear.gather [hbm4b:s25+s28], $0x1400, $0x38;
	[tilespmem:$0x1E100] =	vst v63  }
0x27: {  	_ =	swait.ge [sflag:s16], $0x1400  }
0x28: {  	[sflag:s16] =	ssyncset.done $0x0  }
0x29: {  	s25 =	simm.s32 $0x0;
	[sflag:s16] =	ssyncadd.s32 $0xFFFFEC00  }
0x2a: {  	v3 =	vld [tilespmem:s25+$0x0]  }
0x2b: {  	v5 =	vld [tilespmem:s25+$0x10]  }
0x2c: {  	v4 =	vld [tilespmem:s25+$0x20]  }
0x2d: {  	v2 =	vld [tilespmem:s25+$0x30]  }
0x2e: {  	v1 =	vld [tilespmem:s25+$0x40]  }
0x2f: {  	v6 =	vadd.s32 v0, v3;
	v3 =	vld [tilespmem:s25+$0x50]  }
0x30: {  	p1 =	por p2, p2;
	s26 =	simm.s32 $0x200;
	[tilespmem:s25+$0x0] =	vst v6;
	v6 =	vadd.s32 v0, v5;
	v5 =	vld [tilespmem:s25+$0x60]  }
.LBB2_3:
0x31: {  	s28 =	sshra.s32 s26, $0x2;
	p2 =	sne.s32 s26, $0x4E00;
	[tilespmem:s25+$0x10] =	vst v6;
	v4 =	vadd.s32 v0, v4;
	v6 =	vld [tilespmem:s25+$0x70]  }
0x32: {  	v7 =	vld [tilespmem:s28+$0x0];
	[tilespmem:s25+$0x20] =	vst v4;
	v2 =	vadd.s32 v0, v2  }
0x33: {  	v8 =	vld [tilespmem:s28+$0x10];
	[tilespmem:s25+$0x30] =	vst v2;
	v1 =	vadd.s32 v0, v1  }
.Ltmp0:
0x34: {  	v4 =	vld [tilespmem:s28+$0x20];
	[tilespmem:s25+$0x40] =	vst v1;
	v1 =	vadd.s32 v0, v3;
	(pc) =	sbr.rel @p2 .LBB2_3-.Ltmp0, $4  }
0x35: {  	v2 =	vld [tilespmem:s28+$0x30];
	[tilespmem:s25+$0x50] =	vst v1;
	v3 =	vadd.s32 v0, v5  }
0x36: {  	v1 =	vld [tilespmem:s28+$0x40];
	[tilespmem:s25+$0x60] =	vst v3;
	v5 =	vadd.s32 v0, v6  }
0x37: {  	v6 =	vadd.s32 v0, v7;
	v3 =	vld [tilespmem:s28+$0x50];
	[tilespmem:s25+$0x70] =	vst v5;
	s25 =	smov.u32 s28  }
0x38: {  	s26 =	sadd.s32 $0x200, s26;
	[tilespmem:s25+$0x0] =	vst v6;
	v6 =	vadd.s32 v0, v8;
	v5 =	vld [tilespmem:s25+$0x60]  }
0x39: {  	[tilespmem:s25+$0x10] =	vst v6;
	v4 =	vadd.s32 v0, v4;
	v63 =	vld [tilespmem:s25+$0x70]  }
0x3a: {  	[tilespmem:s25+$0x20] =	vst v4;
	v2 =	vadd.s32 v0, v2  }
0x3b: {  	[tilespmem:s25+$0x30] =	vst v2;
	v1 =	vadd.s32 v0, v1  }
0x3c: {  	[tilespmem:s25+$0x40] =	vst v1;
	v1 =	vadd.s32 v0, v3  }
0x3d: {  	[tilespmem:s25+$0x50] =	vst v1;
	v1 =	vadd.s32 v0, v5  }
0x3e: {  	[tilespmem:s25+$0x60] =	vst v1;
	v1 =	vadd.s32 v0, v63  }
0x3f: {  	s28 =	simm.s32 $0x0;
	[tilespmem:s25+$0x70] =	vst v1  }
0x40: {  	[tilespmem:s19], [sflag:$0x1] =	stream.indirect.gather [hbm4b:s5+s18], $0x80, s28, s18, $0xb8;
	[tilespmem:$0x1E100] =	vst v63  }
0x41: {  	_ = 	snop  }
0x42: {  	[tilespmem:s20], [sflag:$0x2] =	stream.indirect.gather [hbm4b:s5+s18], $0x80, s18, s18, $0xb8;
	[tilespmem:$0x1E100] =	vst v63  }
0x43: {  	_ =	swait.ge [sflag:s21], $0x4000  }
0x44: {  	[sflag:s21] =	ssyncset.done $0x0  }
0x45: {  	s29 =	simm.s32 $0x1400;
	[sflag:s21] =	ssyncadd.s32 $0xFFFFC000  }
0x46: {  	[spmem:s3] =	stream.indirect.scatter.add.f32 [tilespmem:s19], [sflag:$0x3], $0x80, s29, s18, $0xb8;
	[tilespmem:$0x1E100] =	vst v63  }
0x47: {  	_ =	swait.ge [sflag:s16], $0x4000  }
0x48: {  	[sflag:s16] =	ssyncset.done $0x0  }
0x49: {  	s30 =	simm.s32 $0x100;
	[sflag:s16] =	ssyncadd.s32 $0xFFFFC000  }
0x4a: {  	[tilespmem:s19], [sflag:$0x1] =	stream.indirect.gather [hbm4b:s5+s18], $0x80, s30, s18, $0xb8;
	[tilespmem:$0x1E100] =	vst v63  }
0x4b: {  	_ =	swait.ge [sflag:s22], $0x4000  }
0x4c: {  	[sflag:s22] =	ssyncset.done $0x0  }
0x4d: {  	s31 =	simm.s32 $0x1480;
	[sflag:s22] =	ssyncadd.s32 $0xFFFFC000  }
0x4e: {  	[spmem:s3] =	stream.indirect.scatter.add.f32 [tilespmem:s20], [sflag:$0x3], $0x80, s31, s18, $0xb8;
	[tilespmem:$0x1E100] =	vst v63  }
0x4f: {  	_ =	swait.ge [sflag:s16], $0x4000  }
0x50: {  	[sflag:s16] =	ssyncset.done $0x0  }
0x51: {  	s26 =	simm.s32 $0x180;
	s25 =	simm.s32 $0x400;
	[sflag:s16] =	ssyncadd.s32 $0xFFFFC000  }
.LBB2_5:
0x52: {  	[tilespmem:s20], [sflag:$0x2] =	stream.indirect.gather [hbm4b:s5+s18], $0x80, s26, s18, $0xb8;
	[tilespmem:$0x1E100] =	vst v63  }
0x53: {  	s26 =	smov.u32 s25  }
0x54: {  	p2 =	sne.s32 s25, $0x4800;
	s25 =	sadd.s32 $0x400, s25;
	_ =	swait.ge [sflag:s21], $0x4000  }
0x55: {  	s26 =	sshra.s32 s26, $0x2;
	[sflag:s21] =	ssyncset.done $0x0  }
0x56: {  	s28 =	sadd.s32 $0x1400, s26;
	[sflag:s21] =	ssyncadd.s32 $0xFFFFC000  }
0x57: {  	[spmem:s3] =	stream.indirect.scatter.add.f32 [tilespmem:s19], [sflag:$0x3], $0x80, s28, s18, $0xb8;
	[tilespmem:$0x1E100] =	vst v63  }
0x58: {  	_ =	swait.ge [sflag:s16], $0x4000  }
0x59: {  	[sflag:s16] =	ssyncset.done $0x0  }
0x5a: {  	s28 =	sadd.s32 $0x100, s26;
	[sflag:s16] =	ssyncadd.s32 $0xFFFFC000  }
0x5b: {  	[tilespmem:s19], [sflag:$0x1] =	stream.indirect.gather [hbm4b:s5+s18], $0x80, s28, s18, $0xb8;
	[tilespmem:$0x1E100] =	vst v63  }
0x5c: {  	_ =	swait.ge [sflag:s22], $0x4000  }
0x5d: {  	[sflag:s22] =	ssyncset.done $0x0  }
.Ltmp1:
0x5e: {  	s28 =	sadd.s32 $0x1480, s26;
	[sflag:s22] =	ssyncadd.s32 $0xFFFFC000;
	(pc) =	sbr.rel @p2 .LBB2_5-.Ltmp1, $4  }
0x5f: {  	[spmem:s3] =	stream.indirect.scatter.add.f32 [tilespmem:s20], [sflag:$0x3], $0x80, s28, s18, $0xb8;
	[tilespmem:$0x1E100] =	vst v63  }
0x60: {  	_ =	swait.ge [sflag:s16], $0x4000  }
0x61: {  	[sflag:s16] =	ssyncset.done $0x0  }
0x62: {  	s26 =	sadd.s32 $0x180, s26;
	[sflag:s16] =	ssyncadd.s32 $0xFFFFC000  }
0x63: {  	[tilespmem:s20], [sflag:$0x2] =	stream.indirect.gather [hbm4b:s5+s18], $0x80, s26, s18, $0xb8;
	[tilespmem:$0x1E100] =	vst v63  }
0x64: {  	_ =	swait.ge [sflag:s21], $0x4000  }
0x65: {  	[sflag:s21] =	ssyncset.done $0x0  }
0x66: {  	[sflag:s21] =	ssyncadd.s32 $0xFFFFC000  }
0x67: {  	[spmem:s3] =	stream.indirect.scatter.add.f32 [tilespmem:s19], [sflag:$0x3], $0x80, s23, s18, $0xb8;
	[tilespmem:$0x1E100] =	vst v63  }
0x68: {  	_ =	swait.ge [sflag:s16], $0x4000  }
0x69: {  	[sflag:s16] =	ssyncset.done $0x0  }
0x6a: {  	[sflag:s16] =	ssyncadd.s32 $0xFFFFC000  }
0x6b: {  	_ =	swait.ge [sflag:s22], $0x4000  }
0x6c: {  	[sflag:s22] =	ssyncset.done $0x0  }
.Ltmp2:
0x6d: {  	[sflag:s22] =	ssyncadd.s32 $0xFFFFC000;
	(pc) =	sbr.rel @p1 .LBB2_2-.Ltmp2, $4  }
0x6e: {  	[spmem:s3] =	stream.indirect.scatter.add.f32 [tilespmem:s20], [sflag:$0x3], $0x80, s24, s18, $0xb8;
	[tilespmem:$0x1E100] =	vst v63  }
0x6f: {  	_ =	swait.ge [sflag:s16], $0x4000  }
0x70: {  	[sflag:s16] =	ssyncset.done $0x0  }
0x71: {  	s25 =	simm.s32 $0x28;
	p2 =	por $0x0, $0x0;
	[sflag:s16] =	ssyncadd.s32 $0xFFFFC000  }
0x72: {  	[bflag:$0x0] =	sbarrier.arrive $0xFFFF;
	s25 =	simm.s32 @p0 $0x1FC3  }
0x73: {  	[hbm:s11], [sflag:s25] =	dma.local @p0 [spmem:s13], $0x2800  }
0x74: {  	s25 =	simm.s32 @p0 $0x3  }
0x75: {  	s4 =	sadd.s32 $0x1, s4;
	_ =	swait.ge @p0 [sflag:s25], $0x2800  }
0x76: {  	p1 =	sne.s32 s4, s12;
	[sflag:s25] =	ssyncset.done @p0 $0x0  }
.Ltmp3:
0x77: {  	[sflag:s25] =	ssyncadd.s32 @p0 $0xFFFFD800;
	s25 =	simm.s32 @!p0 $0x3;
	(pc) =	sbr.rel @p1 .LBB2_1-.Ltmp3, $4  }
0x78: {  	[hbm:s10], [sflag:s14] =	dma.local @!p0 [spmem:s15], $0x2700  }
0x79: {  	_ =	swait.ge @!p0 [sflag:s25], $0x2700  }
0x7a: {  	[sflag:s25] =	ssyncset.done @!p0 $0x0  }
0x7b: {  	[sflag:s25] =	ssyncadd.s32 @!p0 $0xFFFFD900  }
0x7c: {  	_ =	sfence.sel $0x180000  }
0x7d: {  	[bflag:$0x0] =	sbarrier.arrive $0xFFFF  }
0x7e: {  	p0 =	sne.s32 s1, $0x0;
	_ =	strace $0x9000004A  }
0x7f: {  	s0 =	sadd.s32 @!p0 $0x100000, s0;
	[bflag:$0x2] =	sbarrier.arrive $0xFFFF  }
0x80: {  	[sflag:s0] =	ssyncadd.tile.s32 @!p0 $0x1;
	_ =	shalt  }
.Lfunc_end2:
_tile_overlayer_lowered:
.L_overlay_start_2:
0x81: {  	(tag) =	ssettag $0x2  }
0x82: {  	s0 =	rddreg [dreg:$0x0];
	s2 =	stileid.u32  }
0x83: {  	s1 =	rddreg [dreg:$0x1];
	p0 =	sne.s32 s2, $0x0  }
0x84: {  	s3 =	rddreg [dreg:$0x2];
	[bflag:$0x3] =	sbarrier.arrive $0xFFFF;
	s2 =	simm.s32 @!p0 $0x1C03  }
0x85: {  	[timem:s3], [sflag:s2] =	dma.local @!p0 [hbm:s0], s1  }
0x86: {  	s0 =	simm.s32 @!p0 $0x3  }
0x87: {  	_ =	swait.ge @!p0 [sflag:s0], s1  }
0x88: {  	s1 =	ssub.s32 @!p0 $0x0, s1;
	[sflag:s0] =	ssyncset.done @!p0 $0x0  }
0x89: {  	[sflag:s0] =	ssyncadd.s32 @!p0 s1  }
0x8a: {  	[bflag:$0x3] =	sbarrier.arrive $0xFFFF  }
0x8b: {  	_ =	shalt  }

// kernel: kernel.14.cloned.1.call-start
scs
__scs_entry_jumppad:
0x0: {  	(pc) =	sbr.rel $0x88, $3  }
0x1: {  	(tag) =	ssettag $0x0;
	lr =	simm.s32 $0x1  }
0x2: {  	[smem:$0x3F97] =	sst lr;
	_ =	strace $0xD0000000  }
0x3: {  	_ = 	snop  }
0x4: {  	_ = 	snop  }
0x5: {  	_ = 	snop  }
0x6: {  	_ = 	snop  }
0x7: {  	_ = 	snop  }
__scs_overlays_trampoline_lowered:
0x8: {  	[smem:$0x3FA6] =	sst s0  }
0x9: {  	[smem:$0x3FA7] =	sst s1  }
0xa: {  	[smem:$0x3FA8] =	sst s2  }
0xb: {  	[smem:$0x3FA9] =	sst s3  }
0xc: {  	[smem:$0x3FAA] =	sst s4  }
0xd: {  	[smem:$0x3FAB] =	sst s5  }
0xe: {  	[smem:$0x3FAC] =	sst s6  }
0xf: {  	[smem:$0x3FAD] =	sst s7  }
0x10: {  	[smem:$0x3FAE] =	sst s8  }
0x11: {  	[smem:$0x3FAF] =	sst s9;
	s0 =	simm.s32 @!p0 $0x0  }
0x12: {  	s1 =	sld [smem:$0x3F95];
	s0 =	simm.s32 @p0 $0x1  }
0x13: {  	[smem:$0x3FB0] =	sst s0;
	s0 =	simm.s32 @!p1 $0x0  }
0x14: {  	s2 =	sld [smem:$0x3F94];
	s0 =	simm.s32 @p1 $0x1  }
0x15: {  	[smem:$0x3FB1] =	sst s0;
	s0 =	simm.s32 @!p2 $0x0  }
0x16: {  	s3 =	sld [smem:$0x3FDB];
	s0 =	simm.s32 @p2 $0x1  }
0x17: {  	s4 =	simm.s32 $0x1BF5;
	[smem:$0x3FB3] =	sst s0  }
0x18: {  	s0 =	sld [smem:$0x3F96];
	_ =	swait.ge [sflag:s4], $0x0  }
0x19: {  	s7 =	sld [smem:$0x3F97]  }
0x1a: {  	s8 =	sadd.s32 $0xFFFFE003, lr  }
0x1b: {  	s9 =	sadd.s32 $0xFFFFFEF7, lr;
	s5 =	simm.s32 $0xFFFFFFFF;
	p2 =	slt.u32 s8, $0xFFFFF086  }
0x1c: {  	p1 =	slt.u32 s9, $0xF7A;
	s5 =	simm.s32 @!p2 $0x0  }
0x1d: {  	s5 =	simm.s32 @p1 $0x1;
	p0 =	seq.s32 s7, s2  }
0x1e: {  	s7 =	smul.u32 @!p0 $0xF7A, s2;
	p2 =	seq.s32 @!p0 s5, $0x0  }
0x1f: {  	s9 =	smul.u32 $0xF7A, s1;
	s8 =	simm.s32 @!p0 $0x1BF5;
	p2 =	por !p2, p0  }
0x20: {  	[sflag:s8] =	ssyncset.s32 @!p0 $0xFFFFF086;
	s6 =	sadd.s32 @!p0 s3, s7;
	s7 =	simm.s32 @!p0 $0x108  }
0x21: {  	s3 =	sadd.s32 s3, s9;
	s6 =	sadd.s32 @!p0 $0x88, s6;
	s7 =	simm.s32 @p2 $0x1082  }
0x22: {  	[simem:s7], [sflag:s8] =	dma.local @!p0 [hbm:s6], $0xF7A  }
0x23: {  	s9 =	sor.u32 $0xD0000000, s2;
	s6 =	simm.s32 $0x108;
	_ =	swait.ge @!p0 [sflag:s8], $0x0  }
0x24: {  	s3 =	sadd.s32 $0x88, s3;
	s6 =	simm.s32 @!p1 $0x1082;
	[sflag:s4] =	ssyncset.s32 $0xFFFFF086  }
0x25: {  	[simem:s6], [sflag:s4] =	dma.local [hbm:s3], $0xF7A  }
0x26: {  	[smem:$0x3F97] =	sst s1;
	(tag) =	ssettag s2;
	_ =	strace s9  }
0x27: {  	s1 =	sld [smem:$0x3FA7]  }
0x28: {  	s2 =	sld [smem:$0x3FA8]  }
0x29: {  	s4 =	sld [smem:$0x3FAA]  }
0x2a: {  	p0 =	seq.s32 s5, $0x0;
	s5 =	sld [smem:$0x3FAB]  }
0x2b: {  	s6 =	sld [smem:$0x3FAC]  }
0x2c: {  	s7 =	sld [smem:$0x3FAD]  }
0x2d: {  	s3 =	simm.s32 $0x108;
	s8 =	sld [smem:$0x3FAE]  }
0x2e: {  	s3 =	simm.s32 @!p0 $0x1082;
	s9 =	sld [smem:$0x3FAF]  }
0x2f: {  	lr =	sadd.s32 s0, s3;
	s0 =	sld [smem:$0x3FA6]  }
0x30: {  	s3 =	sld [smem:$0x3FA9]  }
0x31: {  	[smem:$0x3FB2] =	sst s10  }
0x32: {  	s10 =	sld [smem:$0x3FB0];
	_ =	sdelay $0x3  }
0x33: {  	p0 =	seq.s32 s10, $0x1;
	s10 =	sld [smem:$0x3FB2];
	_ =	sdelay $0x3  }
0x34: {  	[smem:$0x3FB2] =	sst s10  }
0x35: {  	s10 =	sld [smem:$0x3FB1];
	_ =	sdelay $0x3  }
0x36: {  	p1 =	seq.s32 s10, $0x1;
	s10 =	sld [smem:$0x3FB2];
	_ =	sdelay $0x3  }
0x37: {  	[smem:$0x3FB2] =	sst s10  }
0x38: {  	s10 =	sld [smem:$0x3FB3]  }
0x39: {  	_ = 	snop;
	(pc) =	sbr.ind lr, $3  }
0x3a: {  	_ = 	snop  }
0x3b: {  	_ = 	snop  }
0x3c: {  	p2 =	seq.s32 s10, $0x1;
	s10 =	sld [smem:$0x3FB2]  }
0x3d: {  	_ =	shalt  }
0x3e: {  	_ =	shalt  }
0x3f: {  	_ =	shalt  }
0x40: {  	_ =	shalt  }
0x41: {  	_ =	shalt  }
0x42: {  	_ =	shalt  }
0x43: {  	_ =	shalt  }
0x44: {  	_ =	shalt  }
0x45: {  	_ =	shalt  }
0x46: {  	_ =	shalt  }
0x47: {  	_ =	shalt  }
0x48: {  	_ =	shalt  }
0x49: {  	_ =	shalt  }
0x4a: {  	_ =	shalt  }
0x4b: {  	_ =	shalt  }
0x4c: {  	_ =	shalt  }
0x4d: {  	_ =	shalt  }
0x4e: {  	_ =	shalt  }
0x4f: {  	_ =	shalt  }
0x50: {  	_ =	shalt  }
0x51: {  	_ =	shalt  }
0x52: {  	_ =	shalt  }
0x53: {  	_ =	shalt  }
0x54: {  	_ =	shalt  }
0x55: {  	_ =	shalt  }
0x56: {  	_ =	shalt  }
0x57: {  	_ =	shalt  }
0x58: {  	_ =	shalt  }
0x59: {  	_ =	shalt  }
0x5a: {  	_ =	shalt  }
0x5b: {  	_ =	shalt  }
0x5c: {  	_ =	shalt  }
0x5d: {  	_ =	shalt  }
0x5e: {  	_ =	shalt  }
0x5f: {  	_ =	shalt  }
0x60: {  	_ =	shalt  }
0x61: {  	_ =	shalt  }
0x62: {  	_ =	shalt  }
0x63: {  	_ =	shalt  }
0x64: {  	_ =	shalt  }
0x65: {  	_ =	shalt  }
0x66: {  	_ =	shalt  }
0x67: {  	_ =	shalt  }
0x68: {  	_ =	shalt  }
0x69: {  	_ =	shalt  }
0x6a: {  	_ =	shalt  }
0x6b: {  	_ =	shalt  }
0x6c: {  	_ =	shalt  }
0x6d: {  	_ =	shalt  }
0x6e: {  	_ =	shalt  }
0x6f: {  	_ =	shalt  }
0x70: {  	_ =	shalt  }
0x71: {  	_ =	shalt  }
0x72: {  	_ =	shalt  }
0x73: {  	_ =	shalt  }
0x74: {  	_ =	shalt  }
0x75: {  	_ =	shalt  }
0x76: {  	_ =	shalt  }
0x77: {  	_ =	shalt  }
0x78: {  	_ =	shalt  }
0x79: {  	_ =	shalt  }
0x7a: {  	_ =	shalt  }
0x7b: {  	_ =	shalt  }
0x7c: {  	_ =	shalt  }
0x7d: {  	_ =	shalt  }
0x7e: {  	_ =	shalt  }
0x7f: {  	_ =	shalt  }
0x80: {  	_ =	shalt  }
0x81: {  	_ =	shalt  }
0x82: {  	_ =	shalt  }
0x83: {  	_ =	shalt  }
0x84: {  	_ =	shalt  }
0x85: {  	_ =	shalt  }
0x86: {  	_ =	shalt  }
0x87: {  	_ =	shalt  }
.Lfunc_end0:
.L_simem_size_0:
called_computation.2_lowered:
.L_overlay_start_0:
0x88: {  	s2 =	sld [smem:$0x3FD9]  }
0x89: {  	s3 =	sld [smem:$0x3FFE];
	_ =	sdelay $0x1  }
0x8a: {  	s1 =	srdreg.scid  }
0x8b: {  	s0 =	sand.u32 $0x1, s1  }
0x8c: {  	s17 =	sshll.u32 s0, $0xA;
	s2 =	sadd.s32 s3, s2  }
0x8d: {  	s2 =	sadd.s32 s2, s17  }
0x8e: {  	[smem:$0x3FBE] =	sst s2  }
0x8f: {  	_ = 	snop  }
0x90: {  	s2 =	sld [smem:$0x3FD0];
	(tm) =	ssettm $0x1  }
0x91: {  	s18 =	sld [smem:$0x3FFB];
	_ =	sdelay $0x3  }
0x92: {  	_ =	strace s18  }
0x93: {  	s3 =	sld [smem:$0x3FFC];
	_ =	sdelay $0x3  }
0x94: {  	_ =	strace s3  }
0x95: {  	s3 =	sld [smem:$0x3FFD];
	_ =	sdelay $0x3  }
0x96: {  	_ =	strace s3  }
0x97: {  	_ =	strace $0x8FFFFFFF  }
0x98: {  	s19 =	sld [smem:$0x3FDB];
	_ =	sdelay $0x1  }
0x99: {  	s4 =	simm.s32 $_scs_section_size  }
0x9a: {  	s5 =	simm.s32 $_size__tile_overlayer_lowered;
	s6 =	simm.s32 $_tile_overlayer_lowered  }
0x9b: {  	s22 =	simm.s32 $0x1BFF;
	s21 =	sshll.u32 s6, $0x1;
	s3 =	sadd.s32 s4, s19  }
0x9c: {  	s7 =	simm.s32 $0x0;
	s20 =	sshll.u32 s5, $0x1;
	s5 =	sadd.s32 s21, s3  }
0x9d: {  	[timem:s7], [sflag:s22] =	dma.local [hbm:s5], s20  }
0x9e: {  	_ =	swait.ge [sflag:s22], s20  }
0x9f: {  	s4 =	ssub.s32 $0x0, s20;
	[sflag:s22] =	ssyncset.done $0x0  }
0xa0: {  	[sflag:s22] =	ssyncadd.s32 s4;
	_ =	sdelay $0x1  }
0xa1: {  	s23 =	simm.s32 $0x1B8B  }
0xa2: {  	_ =	swait.ge [sflag:s23], $0x1  }
0xa3: {  	[sflag:s23] =	ssyncset.done $0x0  }
0xa4: {  	s25 =	simm.s32 $0x1B8E;
	s24 =	sld [smem:$0x3FFE];
	[sflag:s23] =	ssyncadd.s32 $0xFFFFFFFF  }
0xa5: {  	s26 =	simm.s32 $execute0_lowered;
	[smem:$0x3FD2] =	sst s25  }
0xa6: {  	s5 =	sshll.u32 s26, $0x1;
	_ =	strace $0x8000004C;
	[dreg:$0x1] =	wrdreg $0xFFFFFFFF  }
0xa7: {  	s28 =	simm.s32 $_size_execute0_lowered;
	s3 =	sadd.s32 s3, s5;
	[dreg:$0x0] =	wrdreg $0x0  }
0xa8: {  	s5 =	sshll.u32 s28, $0x1;
	[dreg:$0x2] =	wrdreg s3  }
0xa9: {  	[dreg:$0x3] =	wrdreg s5  }
0xaa: {  	[dreg:$0x4] =	wrdreg $0xC0  }
0xab: {  	_ =	task [dreg:s7], $0x5FFFF  }
0xac: {  	[dreg:$0x1] =	wrdreg $0xFFFFFFFF  }
0xad: {  	[dreg:$0x0] =	wrdreg $0x60  }
0xae: {  	[dreg:$0x2] =	wrdreg s24  }
0xaf: {  	[dreg:$0x3] =	wrdreg s2  }
0xb0: {  	[dreg:$0x4] =	wrdreg $0xA8000  }
0xb1: {  	[dreg:$0x5] =	wrdreg $0x9  }
0xb2: {  	_ =	task.clear_ibuf [dreg:s7], $0x6FFFF;
	_ =	strace $0x9000004C  }
0xb3: {  	s29 =	simm.s32 $0x9;
	_ =	strace $0x8000004E  }
0xb4: {  	_ =	swait.ge [sflag:s29], $0x1  }
0xb5: {  	[sflag:s29] =	ssyncadd.s32 $0xFFFFFFFF  }
0xb6: {  	_ =	strace $0x9000004E  }
0xb7: {  	_ =	sfence  }
0xb8: {  	s30 =	sld [smem:$0x0];
	_ =	sdelay $0x2  }
0xb9: {  	s31 =	sshll.u32 s1, $0xD;
	s1 =	sshrl.u32 s1, $0x2  }
0xba: {  	s3 =	sand.u32 $0x4000, s31;
	s1 =	sadd.s32 s1, s30  }
0xbb: {  	s0 =	sor.u32 s3, s0;
	s1 =	sshll.u32 s1, $0x11  }
0xbc: {  	s0 =	sor.u32 s1, s0  }
0xbd: {  	s0 =	sadd.s32 $0x8F2B, s0  }
0xbe: {  	[sflag:s0] =	ssyncadd.remote.s32 $0x1  }
0xbf: {  	_ =	sfence.sel $0xFFFF  }
0xc0: {  	[dreg:$0x0] =	wrdreg $0xFFFFFFFF;
	(pc) =	sbr.abs _section_cstart, $3  }
0xc1: {  	[dreg:$0x1] =	wrdreg $0xFFFFFFFF  }
0xc2: {  	_ =	task.clear_ibuf [dreg:s7], $0x2FFFF;
	_ =	strace $0x9FFFFFFF  }
0xc3: {  	(tm) =	ssettm $0x7FFFFFFF  }
tec
execute0_lowered:
.L_overlay_start_1:
0x0: {  	(tag) =	ssettag $0x1  }
0x1: {  	s0 =	rddreg [dreg:$0x0]  }
0x2: {  	s1 =	rddreg [dreg:$0x1]  }
0x3: {  	s2 =	rddreg [dreg:$0x2]  }
0x4: {  	s4 =	simm.s32 $0x0;
	s3 =	srdreg.scid;
	s19 =	stileid.u32  }
0x5: {  	s20 =	simm.s32 $0x1400;
	s21 =	simm.s32 $0x80;
	s22 =	simm.s32 $0x2800  }
0x6: {  	s23 =	simm.s32 $0x6800;
	s24 =	simm.s32 $0x1;
	s7 =	smul.u32 $0x4E000, s19  }
0x7: {  	s26 =	simm.s32 $0x2700;
	s28 =	simm.s32 $0x2780;
	s11 =	smul.u32 $0x2700, s19  }
0x8: {  	s5 =	sadd.s32 $0x6A00, s0;
	s3 =	sand.u32 $0x1, s3;
	s16 =	smul.u32 $0x270, s19  }
0x9: {  	s6 =	sadd.s32 $0x1A00, s0;
	s0 =	sadd.s32 $0x13F400, s0;
	s9 =	smul.u32 $0x4E200, s3  }
0xa: {  	[smem:$0x7FF] =	sst s4;
	s18 =	sadd.s32 $0x124800, s2;
	s29 =	smul.u32 $0x271000, s3  }
0xb: {  	s8 =	ssub.s32 $0x2, s3;
	s25 =	smul.u32 $0x4E20, s3;
	s3 =	sshllo.u32 s3, $0x1  }
0xc: {  	p0 =	seq.s32 s19, $0xF;
	_ =	strace $0x8000004D;
	s12 =	smul.u32 $0x27100, s3  }
0xd: {  	s18 =	sshrl.u32 @p0 s18, $0x3;
	s10 =	sshrl.u32 s8, $0x1;
	s17 =	smul.u32 $0x138800, s3  }
0xe: {  	s7 =	sshrl.u32 s7, $0x2;
	s3 =	smul.u32 $0x2710, s3;
	s15 =	ssub.s32 s8, s10  }
0xf: {  	s7 =	sadd.s32 s7, s2;
	s30 =	sadd.s32 s11, s9;
	s31 =	sshrl.u32 s29, $0x3  }
0x10: {  	s14 =	sadd.s32 s16, s25;
	s10 =	smul.u32 $0x50, s19;
	s19 =	simm.s32 $0x3  }
0x11: {  	v0 =	vmov s25;
	s25 =	simm.s32 $0x2;
	[dreg:$0x4] =	wrdreg s7;
	s8 =	sadd.s32 s5, s30  }
0x12: {  	s13 =	sadd.s32 $0x24900, s31;
	s14 =	sshll.u32 s14, $0x4;
	s12 =	sadd.s32 s11, s12  }
0x13: {  	s17 =	sshrl.u32 s17, $0x3;
	s16 =	sadd.s32 s16, s3;
	s15 =	smax.u32 s15, $0x1  }
0x14: {  	s9 =	sadd.s32 s5, s13;
	s11 =	sadd.s32 s0, s14;
	s12 =	sadd.s32 s5, s12  }
0x15: {  	s17 =	sadd.s32 $0x24900, s17;
	s13 =	sadd.s32 s0, s13;
	s16 =	sshll.u32 s16, $0x4  }
0x16: {  	v1 =	vmov s3;
	s14 =	sadd.s32 s5, s17;
	s16 =	sadd.s32 s0, s16;
	s17 =	sadd.s32 s0, s17  }
.LBB2_1:
0x17: {  	s0 =	simm.s32 @p0 $0x1FC3  }
0x18: {  	[spmem:s18], [sflag:s0] =	dma.local @p0 [hbm:s9], $0x2800  }
0x19: {  	s0 =	simm.s32 @p0 $0x3  }
0x1a: {  	_ =	swait.ge @p0 [sflag:s0], $0x2800  }
0x1b: {  	s3 =	stileid.u32;
	[sflag:s0] =	ssyncset.done @p0 $0x0  }
0x1c: {  	s3 =	sshll.u32 @!p0 s3, $0x6;
	[sflag:s0] =	ssyncadd.s32 @p0 $0xFFFFD800;
	s0 =	rddreg [dreg:$0x4]  }
0x1d: {  	s29 =	sor.u32 @!p0 $0x1C03, s3;
	s30 =	sshrl.u32 @!p0 s0, $0x3;
	s0 =	simm.s32 @!p0 $0x3  }
0x1e: {  	[spmem:s30], [sflag:s29] =	dma.local @!p0 [hbm:s8], $0x2700  }
0x1f: {  	_ =	swait.ge @!p0 [sflag:s0], $0x2700  }
0x20: {  	[sflag:s0] =	ssyncset.done @!p0 $0x0  }
0x21: {  	[sflag:s0] =	ssyncadd.s32 @!p0 $0xFFFFD900  }
0x22: {  	p2 =	por $0x1, $0x1;
	s0 =	simm.s32 $0x0;
	[bflag:$0x0] =	sbarrier.arrive $0xFFFF  }
.LBB2_2:
0x23: {  	s0 =	sadd.s32 s10, s0  }
0x24: {  	s0 =	sshll.u32 s0, $0x4  }
0x25: {  	s31 =	simm.s32 $0x0;
	s3 =	sadd.s32 s6, s0  }
0x26: {  	[tilespmem:s31], [sflag:$0x3] =	stream.linear.gather [hbm4b:s3+s31], $0x1400, $0x38;
	[tilespmem:$0x1E100] =	vst v63  }
0x27: {  	_ =	swait.ge [sflag:s19], $0x1400  }
0x28: {  	[sflag:s19] =	ssyncset.done $0x0  }
0x29: {  	s0 =	sadd.s32 s1, s0;
	[sflag:s19] =	ssyncadd.s32 $0xFFFFEC00  }
0x2a: {  	[tilespmem:s20], [sflag:$0x3] =	stream.linear.gather [hbm4b:s0+s31], $0x1400, $0x38;
	[tilespmem:$0x1E100] =	vst v63  }
0x2b: {  	_ =	swait.ge [sflag:s19], $0x1400  }
0x2c: {  	[sflag:s19] =	ssyncset.done $0x0  }
0x2d: {  	s31 =	simm.s32 $0x0;
	[sflag:s19] =	ssyncadd.s32 $0xFFFFEC00  }
0x2e: {  	v4 =	vld [tilespmem:s31+$0x0]  }
0x2f: {  	v6 =	vld [tilespmem:s31+$0x10]  }
0x30: {  	v5 =	vld [tilespmem:s31+$0x20]  }
0x31: {  	v3 =	vld [tilespmem:s31+$0x30]  }
0x32: {  	v2 =	vld [tilespmem:s31+$0x40]  }
0x33: {  	v7 =	vadd.s32 v0, v4;
	v4 =	vld [tilespmem:s31+$0x50]  }
0x34: {  	p1 =	por p2, p2;
	s0 =	simm.s32 $0x200;
	[tilespmem:s31+$0x0] =	vst v7;
	v7 =	vadd.s32 v0, v6;
	v6 =	vld [tilespmem:s31+$0x60]  }
.LBB2_3:
0x35: {  	s3 =	sshra.s32 s0, $0x2;
	p2 =	sne.s32 s0, $0x4E00;
	[tilespmem:s31+$0x10] =	vst v7;
	v5 =	vadd.s32 v0, v5;
	v7 =	vld [tilespmem:s31+$0x70]  }
0x36: {  	v8 =	vld [tilespmem:s3+$0x0];
	[tilespmem:s31+$0x20] =	vst v5;
	v3 =	vadd.s32 v0, v3  }
0x37: {  	v9 =	vld [tilespmem:s3+$0x10];
	[tilespmem:s31+$0x30] =	vst v3;
	v2 =	vadd.s32 v0, v2  }
.Ltmp0:
0x38: {  	v5 =	vld [tilespmem:s3+$0x20];
	[tilespmem:s31+$0x40] =	vst v2;
	v2 =	vadd.s32 v0, v4;
	(pc) =	sbr.rel @p2 .LBB2_3-.Ltmp0, $4  }
0x39: {  	v3 =	vld [tilespmem:s3+$0x30];
	[tilespmem:s31+$0x50] =	vst v2;
	v4 =	vadd.s32 v0, v6  }
0x3a: {  	v2 =	vld [tilespmem:s3+$0x40];
	[tilespmem:s31+$0x60] =	vst v4;
	v6 =	vadd.s32 v0, v7  }
0x3b: {  	v7 =	vadd.s32 v0, v8;
	v4 =	vld [tilespmem:s3+$0x50];
	[tilespmem:s31+$0x70] =	vst v6;
	s31 =	smov.u32 s3  }
0x3c: {  	s0 =	sadd.s32 $0x200, s0;
	[tilespmem:s31+$0x0] =	vst v7;
	v7 =	vadd.s32 v0, v9;
	v6 =	vld [tilespmem:s31+$0x60]  }
0x3d: {  	[tilespmem:s31+$0x10] =	vst v7;
	v5 =	vadd.s32 v0, v5;
	v63 =	vld [tilespmem:s31+$0x70]  }
0x3e: {  	[tilespmem:s31+$0x20] =	vst v5;
	v3 =	vadd.s32 v0, v3  }
0x3f: {  	[tilespmem:s31+$0x30] =	vst v3;
	v2 =	vadd.s32 v0, v2  }
0x40: {  	[tilespmem:s31+$0x40] =	vst v2;
	v2 =	vadd.s32 v0, v4  }
0x41: {  	[tilespmem:s31+$0x50] =	vst v2;
	v2 =	vadd.s32 v0, v6  }
0x42: {  	[tilespmem:s31+$0x60] =	vst v2;
	v2 =	vadd.s32 v0, v63  }
0x43: {  	s0 =	simm.s32 $0x0;
	[tilespmem:s31+$0x70] =	vst v2  }
0x44: {  	[tilespmem:s22], [sflag:$0x1] =	stream.indirect.gather [hbm4b:s5+s21], $0x80, s0, s21, $0xb8;
	[tilespmem:$0x1E100] =	vst v63  }
0x45: {  	_ = 	snop  }
0x46: {  	[tilespmem:s23], [sflag:$0x2] =	stream.indirect.gather [hbm4b:s5+s21], $0x80, s21, s21, $0xb8;
	[tilespmem:$0x1E100] =	vst v63  }
0x47: {  	_ =	swait.ge [sflag:s24], $0x4000  }
0x48: {  	[sflag:s24] =	ssyncset.done $0x0  }
0x49: {  	s3 =	simm.s32 $0x1400;
	[sflag:s24] =	ssyncadd.s32 $0xFFFFC000  }
0x4a: {  	[spmem:s2] =	stream.indirect.scatter.add.f32 [tilespmem:s22], [sflag:$0x3], $0x80, s3, s21, $0xb8;
	[tilespmem:$0x1E100] =	vst v63  }
0x4b: {  	_ =	swait.ge [sflag:s19], $0x4000  }
0x4c: {  	[sflag:s19] =	ssyncset.done $0x0  }
0x4d: {  	s7 =	simm.s32 $0x100;
	[sflag:s19] =	ssyncadd.s32 $0xFFFFC000  }
0x4e: {  	[tilespmem:s22], [sflag:$0x1] =	stream.indirect.gather [hbm4b:s5+s21], $0x80, s7, s21, $0xb8;
	[tilespmem:$0x1E100] =	vst v63  }
0x4f: {  	_ =	swait.ge [sflag:s25], $0x4000  }
0x50: {  	[sflag:s25] =	ssyncset.done $0x0  }
0x51: {  	s31 =	simm.s32 $0x1480;
	[sflag:s25] =	ssyncadd.s32 $0xFFFFC000  }
0x52: {  	[spmem:s2] =	stream.indirect.scatter.add.f32 [tilespmem:s23], [sflag:$0x3], $0x80, s31, s21, $0xb8;
	[tilespmem:$0x1E100] =	vst v63  }
0x53: {  	_ =	swait.ge [sflag:s19], $0x4000  }
0x54: {  	[sflag:s19] =	ssyncset.done $0x0  }
0x55: {  	s0 =	simm.s32 $0x400;
	s3 =	simm.s32 $0x180;
	[sflag:s19] =	ssyncadd.s32 $0xFFFFC000  }
.LBB2_5:
0x56: {  	[tilespmem:s23], [sflag:$0x2] =	stream.indirect.gather [hbm4b:s5+s21], $0x80, s3, s21, $0xb8;
	[tilespmem:$0x1E100] =	vst v63  }
0x57: {  	s3 =	smov.u32 s0  }
0x58: {  	p2 =	sne.s32 s0, $0x4800;
	s0 =	sadd.s32 $0x400, s0;
	_ =	swait.ge [sflag:s24], $0x4000  }
0x59: {  	s3 =	sshra.s32 s3, $0x2;
	[sflag:s24] =	ssyncset.done $0x0  }
0x5a: {  	s31 =	sadd.s32 $0x1400, s3;
	[sflag:s24] =	ssyncadd.s32 $0xFFFFC000  }
0x5b: {  	[spmem:s2] =	stream.indirect.scatter.add.f32 [tilespmem:s22], [sflag:$0x3], $0x80, s31, s21, $0xb8;
	[tilespmem:$0x1E100] =	vst v63  }
0x5c: {  	_ =	swait.ge [sflag:s19], $0x4000  }
0x5d: {  	[sflag:s19] =	ssyncset.done $0x0  }
0x5e: {  	s31 =	sadd.s32 $0x100, s3;
	[sflag:s19] =	ssyncadd.s32 $0xFFFFC000  }
0x5f: {  	[tilespmem:s22], [sflag:$0x1] =	stream.indirect.gather [hbm4b:s5+s21], $0x80, s31, s21, $0xb8;
	[tilespmem:$0x1E100] =	vst v63  }
0x60: {  	_ =	swait.ge [sflag:s25], $0x4000  }
0x61: {  	[sflag:s25] =	ssyncset.done $0x0  }
.Ltmp1:
0x62: {  	s31 =	sadd.s32 $0x1480, s3;
	[sflag:s25] =	ssyncadd.s32 $0xFFFFC000;
	(pc) =	sbr.rel @p2 .LBB2_5-.Ltmp1, $4  }
0x63: {  	[spmem:s2] =	stream.indirect.scatter.add.f32 [tilespmem:s23], [sflag:$0x3], $0x80, s31, s21, $0xb8;
	[tilespmem:$0x1E100] =	vst v63  }
0x64: {  	_ =	swait.ge [sflag:s19], $0x4000  }
0x65: {  	[sflag:s19] =	ssyncset.done $0x0  }
0x66: {  	s3 =	sadd.s32 $0x180, s3;
	[sflag:s19] =	ssyncadd.s32 $0xFFFFC000  }
0x67: {  	[tilespmem:s23], [sflag:$0x2] =	stream.indirect.gather [hbm4b:s5+s21], $0x80, s3, s21, $0xb8;
	[tilespmem:$0x1E100] =	vst v63  }
0x68: {  	_ =	swait.ge [sflag:s24], $0x4000  }
0x69: {  	[sflag:s24] =	ssyncset.done $0x0  }
0x6a: {  	[sflag:s24] =	ssyncadd.s32 $0xFFFFC000  }
0x6b: {  	[spmem:s2] =	stream.indirect.scatter.add.f32 [tilespmem:s22], [sflag:$0x3], $0x80, s26, s21, $0xb8;
	[tilespmem:$0x1E100] =	vst v63  }
0x6c: {  	_ =	swait.ge [sflag:s19], $0x4000  }
0x6d: {  	[sflag:s19] =	ssyncset.done $0x0  }
0x6e: {  	[sflag:s19] =	ssyncadd.s32 $0xFFFFC000  }
0x6f: {  	_ =	swait.ge [sflag:s25], $0x4000  }
0x70: {  	[sflag:s25] =	ssyncset.done $0x0  }
.Ltmp2:
0x71: {  	[sflag:s25] =	ssyncadd.s32 $0xFFFFC000;
	(pc) =	sbr.rel @p1 .LBB2_2-.Ltmp2, $4  }
0x72: {  	[spmem:s2] =	stream.indirect.scatter.add.f32 [tilespmem:s23], [sflag:$0x3], $0x80, s28, s21, $0xb8;
	[tilespmem:$0x1E100] =	vst v63  }
0x73: {  	_ =	swait.ge [sflag:s19], $0x4000  }
0x74: {  	[sflag:s19] =	ssyncset.done $0x0  }
0x75: {  	s0 =	simm.s32 $0x28;
	p2 =	por $0x0, $0x0;
	[sflag:s19] =	ssyncadd.s32 $0xFFFFC000  }
0x76: {  	[bflag:$0x0] =	sbarrier.arrive $0xFFFF;
	s0 =	simm.s32 @p0 $0x1FC3;
	s3 =	simm.s32 @p0 $0x3  }
0x77: {  	[hbm:s13], [sflag:s0] =	dma.local @p0 [spmem:s18], $0x2800  }
0x78: {  	_ =	swait.ge @p0 [sflag:s3], $0x2800  }
0x79: {  	[sflag:s3] =	ssyncset.done @p0 $0x0  }
0x7a: {  	[sflag:s3] =	ssyncadd.s32 @p0 $0xFFFFD800  }
0x7b: {  	[spmem:s18], [sflag:s0] =	dma.local @p0 [hbm:s14], $0x2800  }
0x7c: {  	_ =	swait.ge @p0 [sflag:s3], $0x2800  }
0x7d: {  	[sflag:s3] =	ssyncset.done @p0 $0x0  }
0x7e: {  	s0 =	simm.s32 @!p0 $0x3;
	[sflag:s3] =	ssyncadd.s32 @p0 $0xFFFFD800  }
0x7f: {  	[hbm:s11], [sflag:s29] =	dma.local @!p0 [spmem:s30], $0x2700  }
0x80: {  	_ =	swait.ge @!p0 [sflag:s0], $0x2700  }
0x81: {  	[sflag:s0] =	ssyncset.done @!p0 $0x0  }
0x82: {  	[sflag:s0] =	ssyncadd.s32 @!p0 $0xFFFFD900  }
0x83: {  	[spmem:s30], [sflag:s29] =	dma.local @!p0 [hbm:s12], $0x2700  }
0x84: {  	_ =	swait.ge @!p0 [sflag:s0], $0x2700  }
0x85: {  	[sflag:s0] =	ssyncset.done @!p0 $0x0  }
0x86: {  	s31 =	simm.s32 $0x0;
	[sflag:s0] =	ssyncadd.s32 @!p0 $0xFFFFD900  }
0x87: {  	p2 =	por $0x1, $0x1;
	s0 =	simm.s32 $0x0;
	[bflag:$0x0] =	sbarrier.arrive $0xFFFF  }
.LBB2_8:
0x88: {  	s0 =	sadd.s32 s10, s0  }
0x89: {  	s0 =	sshll.u32 s0, $0x4  }
0x8a: {  	s3 =	sadd.s32 s6, s0  }
0x8b: {  	[tilespmem:s31], [sflag:$0x3] =	stream.linear.gather [hbm4b:s3+s31], $0x1400, $0x38;
	[tilespmem:$0x1E100] =	vst v63  }
0x8c: {  	_ =	swait.ge [sflag:s19], $0x1400  }
0x8d: {  	[sflag:s19] =	ssyncset.done $0x0  }
0x8e: {  	s0 =	sadd.s32 s1, s0;
	[sflag:s19] =	ssyncadd.s32 $0xFFFFEC00  }
0x8f: {  	[tilespmem:s20], [sflag:$0x3] =	stream.linear.gather [hbm4b:s0+s31], $0x1400, $0x38;
	[tilespmem:$0x1E100] =	vst v63  }
0x90: {  	_ =	swait.ge [sflag:s19], $0x1400  }
0x91: {  	[sflag:s19] =	ssyncset.done $0x0  }
0x92: {  	s0 =	simm.s32 $0x0;
	[sflag:s19] =	ssyncadd.s32 $0xFFFFEC00  }
0x93: {  	v4 =	vld [tilespmem:s0+$0x0]  }
0x94: {  	v6 =	vld [tilespmem:s0+$0x10]  }
0x95: {  	v5 =	vld [tilespmem:s0+$0x20]  }
0x96: {  	v3 =	vld [tilespmem:s0+$0x30]  }
0x97: {  	v2 =	vld [tilespmem:s0+$0x40]  }
0x98: {  	v7 =	vadd.s32 v1, v4;
	v4 =	vld [tilespmem:s0+$0x50]  }
0x99: {  	p1 =	por p2, p2;
	s3 =	simm.s32 $0x200;
	[tilespmem:s0+$0x0] =	vst v7;
	v7 =	vadd.s32 v1, v6;
	v6 =	vld [tilespmem:s0+$0x60]  }
.LBB2_9:
0x9a: {  	s7 =	sshra.s32 s3, $0x2;
	p2 =	sne.s32 s3, $0x4E00;
	[tilespmem:s0+$0x10] =	vst v7;
	v5 =	vadd.s32 v1, v5;
	v7 =	vld [tilespmem:s0+$0x70]  }
0x9b: {  	v8 =	vld [tilespmem:s7+$0x0];
	[tilespmem:s0+$0x20] =	vst v5;
	v3 =	vadd.s32 v1, v3  }
0x9c: {  	v9 =	vld [tilespmem:s7+$0x10];
	[tilespmem:s0+$0x30] =	vst v3;
	v2 =	vadd.s32 v1, v2  }
.Ltmp3:
0x9d: {  	v5 =	vld [tilespmem:s7+$0x20];
	[tilespmem:s0+$0x40] =	vst v2;
	v2 =	vadd.s32 v1, v4;
	(pc) =	sbr.rel @p2 .LBB2_9-.Ltmp3, $4  }
0x9e: {  	v3 =	vld [tilespmem:s7+$0x30];
	[tilespmem:s0+$0x50] =	vst v2;
	v4 =	vadd.s32 v1, v6  }
0x9f: {  	v2 =	vld [tilespmem:s7+$0x40];
	[tilespmem:s0+$0x60] =	vst v4;
	v6 =	vadd.s32 v1, v7  }
0xa0: {  	v7 =	vadd.s32 v1, v8;
	v4 =	vld [tilespmem:s7+$0x50];
	[tilespmem:s0+$0x70] =	vst v6;
	s0 =	smov.u32 s7  }
0xa1: {  	s3 =	sadd.s32 $0x200, s3;
	[tilespmem:s0+$0x0] =	vst v7;
	v7 =	vadd.s32 v1, v9;
	v6 =	vld [tilespmem:s0+$0x60]  }
0xa2: {  	[tilespmem:s0+$0x10] =	vst v7;
	v5 =	vadd.s32 v1, v5;
	v63 =	vld [tilespmem:s0+$0x70]  }
0xa3: {  	[tilespmem:s0+$0x20] =	vst v5;
	v3 =	vadd.s32 v1, v3  }
0xa4: {  	[tilespmem:s0+$0x30] =	vst v3;
	v2 =	vadd.s32 v1, v2  }
0xa5: {  	[tilespmem:s0+$0x40] =	vst v2;
	v2 =	vadd.s32 v1, v4  }
0xa6: {  	[tilespmem:s0+$0x50] =	vst v2;
	v2 =	vadd.s32 v1, v6  }
0xa7: {  	[tilespmem:s0+$0x60] =	vst v2;
	v2 =	vadd.s32 v1, v63  }
0xa8: {  	s3 =	simm.s32 $0x0;
	[tilespmem:s0+$0x70] =	vst v2  }
0xa9: {  	[tilespmem:s22], [sflag:$0x1] =	stream.indirect.gather [hbm4b:s5+s21], $0x80, s3, s21, $0xb8;
	[tilespmem:$0x1E100] =	vst v63  }
0xaa: {  	_ = 	snop  }
0xab: {  	[tilespmem:s23], [sflag:$0x2] =	stream.indirect.gather [hbm4b:s5+s21], $0x80, s21, s21, $0xb8;
	[tilespmem:$0x1E100] =	vst v63  }
0xac: {  	_ =	swait.ge [sflag:s24], $0x4000  }
0xad: {  	[sflag:s24] =	ssyncset.done $0x0  }
0xae: {  	s7 =	simm.s32 $0x1400;
	[sflag:s24] =	ssyncadd.s32 $0xFFFFC000  }
0xaf: {  	[spmem:s2] =	stream.indirect.scatter.add.f32 [tilespmem:s22], [sflag:$0x3], $0x80, s7, s21, $0xb8;
	[tilespmem:$0x1E100] =	vst v63  }
0xb0: {  	_ =	swait.ge [sflag:s19], $0x4000  }
0xb1: {  	[sflag:s19] =	ssyncset.done $0x0  }
0xb2: {  	s3 =	simm.s32 $0x100;
	[sflag:s19] =	ssyncadd.s32 $0xFFFFC000  }
0xb3: {  	[tilespmem:s22], [sflag:$0x1] =	stream.indirect.gather [hbm4b:s5+s21], $0x80, s3, s21, $0xb8;
	[tilespmem:$0x1E100] =	vst v63  }
0xb4: {  	_ =	swait.ge [sflag:s25], $0x4000  }
0xb5: {  	[sflag:s25] =	ssyncset.done $0x0  }
0xb6: {  	s7 =	simm.s32 $0x1480;
	[sflag:s25] =	ssyncadd.s32 $0xFFFFC000  }
0xb7: {  	[spmem:s2] =	stream.indirect.scatter.add.f32 [tilespmem:s23], [sflag:$0x3], $0x80, s7, s21, $0xb8;
	[tilespmem:$0x1E100] =	vst v63  }
0xb8: {  	_ =	swait.ge [sflag:s19], $0x4000  }
0xb9: {  	[sflag:s19] =	ssyncset.done $0x0  }
0xba: {  	s0 =	simm.s32 $0x400;
	s3 =	simm.s32 $0x180;
	[sflag:s19] =	ssyncadd.s32 $0xFFFFC000  }
.LBB2_11:
0xbb: {  	[tilespmem:s23], [sflag:$0x2] =	stream.indirect.gather [hbm4b:s5+s21], $0x80, s3, s21, $0xb8;
	[tilespmem:$0x1E100] =	vst v63  }
0xbc: {  	s3 =	smov.u32 s0  }
0xbd: {  	p2 =	sne.s32 s0, $0x4800;
	s0 =	sadd.s32 $0x400, s0;
	_ =	swait.ge [sflag:s24], $0x4000  }
0xbe: {  	s3 =	sshra.s32 s3, $0x2;
	[sflag:s24] =	ssyncset.done $0x0  }
0xbf: {  	s7 =	sadd.s32 $0x1400, s3;
	[sflag:s24] =	ssyncadd.s32 $0xFFFFC000  }
0xc0: {  	[spmem:s2] =	stream.indirect.scatter.add.f32 [tilespmem:s22], [sflag:$0x3], $0x80, s7, s21, $0xb8;
	[tilespmem:$0x1E100] =	vst v63  }
0xc1: {  	_ =	swait.ge [sflag:s19], $0x4000  }
0xc2: {  	[sflag:s19] =	ssyncset.done $0x0  }
0xc3: {  	s7 =	sadd.s32 $0x100, s3;
	[sflag:s19] =	ssyncadd.s32 $0xFFFFC000  }
0xc4: {  	[tilespmem:s22], [sflag:$0x1] =	stream.indirect.gather [hbm4b:s5+s21], $0x80, s7, s21, $0xb8;
	[tilespmem:$0x1E100] =	vst v63  }
0xc5: {  	_ =	swait.ge [sflag:s25], $0x4000  }
0xc6: {  	[sflag:s25] =	ssyncset.done $0x0  }
.Ltmp4:
0xc7: {  	s7 =	sadd.s32 $0x1480, s3;
	[sflag:s25] =	ssyncadd.s32 $0xFFFFC000;
	(pc) =	sbr.rel @p2 .LBB2_11-.Ltmp4, $4  }
0xc8: {  	[spmem:s2] =	stream.indirect.scatter.add.f32 [tilespmem:s23], [sflag:$0x3], $0x80, s7, s21, $0xb8;
	[tilespmem:$0x1E100] =	vst v63  }
0xc9: {  	_ =	swait.ge [sflag:s19], $0x4000  }
0xca: {  	[sflag:s19] =	ssyncset.done $0x0  }
0xcb: {  	s3 =	sadd.s32 $0x180, s3;
	[sflag:s19] =	ssyncadd.s32 $0xFFFFC000  }
0xcc: {  	[tilespmem:s23], [sflag:$0x2] =	stream.indirect.gather [hbm4b:s5+s21], $0x80, s3, s21, $0xb8;
	[tilespmem:$0x1E100] =	vst v63  }
0xcd: {  	_ =	swait.ge [sflag:s24], $0x4000  }
0xce: {  	[sflag:s24] =	ssyncset.done $0x0  }
0xcf: {  	[sflag:s24] =	ssyncadd.s32 $0xFFFFC000  }
0xd0: {  	[spmem:s2] =	stream.indirect.scatter.add.f32 [tilespmem:s22], [sflag:$0x3], $0x80, s26, s21, $0xb8;
	[tilespmem:$0x1E100] =	vst v63  }
0xd1: {  	_ =	swait.ge [sflag:s19], $0x4000  }
0xd2: {  	[sflag:s19] =	ssyncset.done $0x0  }
0xd3: {  	[sflag:s19] =	ssyncadd.s32 $0xFFFFC000  }
0xd4: {  	_ =	swait.ge [sflag:s25], $0x4000  }
0xd5: {  	[sflag:s25] =	ssyncset.done $0x0  }
.Ltmp5:
0xd6: {  	[sflag:s25] =	ssyncadd.s32 $0xFFFFC000;
	(pc) =	sbr.rel @p1 .LBB2_8-.Ltmp5, $4  }
0xd7: {  	[spmem:s2] =	stream.indirect.scatter.add.f32 [tilespmem:s23], [sflag:$0x3], $0x80, s28, s21, $0xb8;
	[tilespmem:$0x1E100] =	vst v63  }
0xd8: {  	_ =	swait.ge [sflag:s19], $0x4000  }
0xd9: {  	[sflag:s19] =	ssyncset.done $0x0  }
0xda: {  	s0 =	simm.s32 $0x28;
	p2 =	por $0x0, $0x0;
	[sflag:s19] =	ssyncadd.s32 $0xFFFFC000  }
0xdb: {  	[bflag:$0x0] =	sbarrier.arrive $0xFFFF;
	s0 =	simm.s32 @p0 $0x1FC3  }
0xdc: {  	[hbm:s17], [sflag:s0] =	dma.local @p0 [spmem:s18], $0x2800  }
0xdd: {  	s0 =	simm.s32 @p0 $0x3  }
0xde: {  	s4 =	sadd.s32 $0x1, s4;
	_ =	swait.ge @p0 [sflag:s0], $0x2800  }
0xdf: {  	p1 =	sne.s32 s4, s15;
	[sflag:s0] =	ssyncset.done @p0 $0x0  }
.Ltmp6:
0xe0: {  	[sflag:s0] =	ssyncadd.s32 @p0 $0xFFFFD800;
	s0 =	simm.s32 @!p0 $0x3;
	(pc) =	sbr.rel @p1 .LBB2_1-.Ltmp6, $4  }
0xe1: {  	[hbm:s16], [sflag:s29] =	dma.local @!p0 [spmem:s30], $0x2700  }
0xe2: {  	_ =	swait.ge @!p0 [sflag:s0], $0x2700  }
0xe3: {  	[sflag:s0] =	ssyncset.done @!p0 $0x0  }
0xe4: {  	[sflag:s0] =	ssyncadd.s32 @!p0 $0xFFFFD900  }
0xe5: {  	_ =	sfence.sel $0x180000  }
0xe6: {  	[bflag:$0x0] =	sbarrier.arrive $0xFFFF  }
0xe7: {  	_ =	strace $0x9000004D  }
0xe8: {  	s0 =	stileid.u32;
	[bflag:$0x2] =	sbarrier.arrive $0xFFFF  }
0xe9: {  	p0 =	sne.s32 s0, $0x0;
	s0 =	rddreg [dreg:$0x3]  }
0xea: {  	s0 =	sadd.s32 @!p0 $0x100000, s0  }
0xeb: {  	[sflag:s0] =	ssyncadd.tile.s32 @!p0 $0x1;
	_ =	shalt  }
.Lfunc_end2:
_tile_overlayer_lowered:
.L_overlay_start_2:
0xec: {  	(tag) =	ssettag $0x2  }
0xed: {  	s0 =	rddreg [dreg:$0x0];
	s2 =	stileid.u32  }
0xee: {  	s1 =	rddreg [dreg:$0x1];
	p0 =	sne.s32 s2, $0x0  }
0xef: {  	s3 =	rddreg [dreg:$0x2];
	[bflag:$0x3] =	sbarrier.arrive $0xFFFF;
	s2 =	simm.s32 @!p0 $0x1C03  }
0xf0: {  	[timem:s3], [sflag:s2] =	dma.local @!p0 [hbm:s0], s1  }
0xf1: {  	s0 =	simm.s32 @!p0 $0x3  }
0xf2: {  	_ =	swait.ge @!p0 [sflag:s0], s1  }
0xf3: {  	s1 =	ssub.s32 @!p0 $0x0, s1;
	[sflag:s0] =	ssyncset.done @!p0 $0x0  }
0xf4: {  	[sflag:s0] =	ssyncadd.s32 @!p0 s1  }
0xf5: {  	[bflag:$0x3] =	sbarrier.arrive $0xFFFF  }
0xf6: {  	_ =	shalt  }

// kernel: kernel.8.cloned.1.call-start
scs
__scs_entry_jumppad:
0x0: {  	(pc) =	sbr.rel $0x88, $3  }
0x1: {  	(tag) =	ssettag $0x0;
	lr =	simm.s32 $0x1  }
0x2: {  	[smem:$0x3F97] =	sst lr;
	_ =	strace $0xD0000000  }
0x3: {  	_ = 	snop  }
0x4: {  	_ = 	snop  }
0x5: {  	_ = 	snop  }
0x6: {  	_ = 	snop  }
0x7: {  	_ = 	snop  }
__scs_overlays_trampoline_lowered:
0x8: {  	[smem:$0x3FA6] =	sst s0  }
0x9: {  	[smem:$0x3FA7] =	sst s1  }
0xa: {  	[smem:$0x3FA8] =	sst s2  }
0xb: {  	[smem:$0x3FA9] =	sst s3  }
0xc: {  	[smem:$0x3FAA] =	sst s4  }
0xd: {  	[smem:$0x3FAB] =	sst s5  }
0xe: {  	[smem:$0x3FAC] =	sst s6  }
0xf: {  	[smem:$0x3FAD] =	sst s7  }
0x10: {  	[smem:$0x3FAE] =	sst s8  }
0x11: {  	[smem:$0x3FAF] =	sst s9;
	s0 =	simm.s32 @!p0 $0x0  }
0x12: {  	s1 =	sld [smem:$0x3F95];
	s0 =	simm.s32 @p0 $0x1  }
0x13: {  	[smem:$0x3FB0] =	sst s0;
	s0 =	simm.s32 @!p1 $0x0  }
0x14: {  	s2 =	sld [smem:$0x3F94];
	s0 =	simm.s32 @p1 $0x1  }
0x15: {  	[smem:$0x3FB1] =	sst s0;
	s0 =	simm.s32 @!p2 $0x0  }
0x16: {  	s3 =	sld [smem:$0x3FDB];
	s0 =	simm.s32 @p2 $0x1  }
0x17: {  	s4 =	simm.s32 $0x1BF5;
	[smem:$0x3FB3] =	sst s0  }
0x18: {  	s0 =	sld [smem:$0x3F96];
	_ =	swait.ge [sflag:s4], $0x0  }
0x19: {  	s7 =	sld [smem:$0x3F97]  }
0x1a: {  	s8 =	sadd.s32 $0xFFFFE003, lr  }
0x1b: {  	s9 =	sadd.s32 $0xFFFFFEF7, lr;
	s5 =	simm.s32 $0xFFFFFFFF;
	p2 =	slt.u32 s8, $0xFFFFF086  }
0x1c: {  	p1 =	slt.u32 s9, $0xF7A;
	s5 =	simm.s32 @!p2 $0x0  }
0x1d: {  	s5 =	simm.s32 @p1 $0x1;
	p0 =	seq.s32 s7, s2  }
0x1e: {  	s7 =	smul.u32 @!p0 $0xF7A, s2;
	p2 =	seq.s32 @!p0 s5, $0x0  }
0x1f: {  	s9 =	smul.u32 $0xF7A, s1;
	s8 =	simm.s32 @!p0 $0x1BF5;
	p2 =	por !p2, p0  }
0x20: {  	[sflag:s8] =	ssyncset.s32 @!p0 $0xFFFFF086;
	s6 =	sadd.s32 @!p0 s3, s7;
	s7 =	simm.s32 @!p0 $0x108  }
0x21: {  	s3 =	sadd.s32 s3, s9;
	s6 =	sadd.s32 @!p0 $0x88, s6;
	s7 =	simm.s32 @p2 $0x1082  }
0x22: {  	[simem:s7], [sflag:s8] =	dma.local @!p0 [hbm:s6], $0xF7A  }
0x23: {  	s9 =	sor.u32 $0xD0000000, s2;
	s6 =	simm.s32 $0x108;
	_ =	swait.ge @!p0 [sflag:s8], $0x0  }
0x24: {  	s3 =	sadd.s32 $0x88, s3;
	s6 =	simm.s32 @!p1 $0x1082;
	[sflag:s4] =	ssyncset.s32 $0xFFFFF086  }
0x25: {  	[simem:s6], [sflag:s4] =	dma.local [hbm:s3], $0xF7A  }
0x26: {  	[smem:$0x3F97] =	sst s1;
	(tag) =	ssettag s2;
	_ =	strace s9  }
0x27: {  	s1 =	sld [smem:$0x3FA7]  }
0x28: {  	s2 =	sld [smem:$0x3FA8]  }
0x29: {  	s4 =	sld [smem:$0x3FAA]  }
0x2a: {  	p0 =	seq.s32 s5, $0x0;
	s5 =	sld [smem:$0x3FAB]  }
0x2b: {  	s6 =	sld [smem:$0x3FAC]  }
0x2c: {  	s7 =	sld [smem:$0x3FAD]  }
0x2d: {  	s3 =	simm.s32 $0x108;
	s8 =	sld [smem:$0x3FAE]  }
0x2e: {  	s3 =	simm.s32 @!p0 $0x1082;
	s9 =	sld [smem:$0x3FAF]  }
0x2f: {  	lr =	sadd.s32 s0, s3;
	s0 =	sld [smem:$0x3FA6]  }
0x30: {  	s3 =	sld [smem:$0x3FA9]  }
0x31: {  	[smem:$0x3FB2] =	sst s10  }
0x32: {  	s10 =	sld [smem:$0x3FB0];
	_ =	sdelay $0x3  }
0x33: {  	p0 =	seq.s32 s10, $0x1;
	s10 =	sld [smem:$0x3FB2];
	_ =	sdelay $0x3  }
0x34: {  	[smem:$0x3FB2] =	sst s10  }
0x35: {  	s10 =	sld [smem:$0x3FB1];
	_ =	sdelay $0x3  }
0x36: {  	p1 =	seq.s32 s10, $0x1;
	s10 =	sld [smem:$0x3FB2];
	_ =	sdelay $0x3  }
0x37: {  	[smem:$0x3FB2] =	sst s10  }
0x38: {  	s10 =	sld [smem:$0x3FB3]  }
0x39: {  	_ = 	snop;
	(pc) =	sbr.ind lr, $3  }
0x3a: {  	_ = 	snop  }
0x3b: {  	_ = 	snop  }
0x3c: {  	p2 =	seq.s32 s10, $0x1;
	s10 =	sld [smem:$0x3FB2]  }
0x3d: {  	_ =	shalt  }
0x3e: {  	_ =	shalt  }
0x3f: {  	_ =	shalt  }
0x40: {  	_ =	shalt  }
0x41: {  	_ =	shalt  }
0x42: {  	_ =	shalt  }
0x43: {  	_ =	shalt  }
0x44: {  	_ =	shalt  }
0x45: {  	_ =	shalt  }
0x46: {  	_ =	shalt  }
0x47: {  	_ =	shalt  }
0x48: {  	_ =	shalt  }
0x49: {  	_ =	shalt  }
0x4a: {  	_ =	shalt  }
0x4b: {  	_ =	shalt  }
0x4c: {  	_ =	shalt  }
0x4d: {  	_ =	shalt  }
0x4e: {  	_ =	shalt  }
0x4f: {  	_ =	shalt  }
0x50: {  	_ =	shalt  }
0x51: {  	_ =	shalt  }
0x52: {  	_ =	shalt  }
0x53: {  	_ =	shalt  }
0x54: {  	_ =	shalt  }
0x55: {  	_ =	shalt  }
0x56: {  	_ =	shalt  }
0x57: {  	_ =	shalt  }
0x58: {  	_ =	shalt  }
0x59: {  	_ =	shalt  }
0x5a: {  	_ =	shalt  }
0x5b: {  	_ =	shalt  }
0x5c: {  	_ =	shalt  }
0x5d: {  	_ =	shalt  }
0x5e: {  	_ =	shalt  }
0x5f: {  	_ =	shalt  }
0x60: {  	_ =	shalt  }
0x61: {  	_ =	shalt  }
0x62: {  	_ =	shalt  }
0x63: {  	_ =	shalt  }
0x64: {  	_ =	shalt  }
0x65: {  	_ =	shalt  }
0x66: {  	_ =	shalt  }
0x67: {  	_ =	shalt  }
0x68: {  	_ =	shalt  }
0x69: {  	_ =	shalt  }
0x6a: {  	_ =	shalt  }
0x6b: {  	_ =	shalt  }
0x6c: {  	_ =	shalt  }
0x6d: {  	_ =	shalt  }
0x6e: {  	_ =	shalt  }
0x6f: {  	_ =	shalt  }
0x70: {  	_ =	shalt  }
0x71: {  	_ =	shalt  }
0x72: {  	_ =	shalt  }
0x73: {  	_ =	shalt  }
0x74: {  	_ =	shalt  }
0x75: {  	_ =	shalt  }
0x76: {  	_ =	shalt  }
0x77: {  	_ =	shalt  }
0x78: {  	_ =	shalt  }
0x79: {  	_ =	shalt  }
0x7a: {  	_ =	shalt  }
0x7b: {  	_ =	shalt  }
0x7c: {  	_ =	shalt  }
0x7d: {  	_ =	shalt  }
0x7e: {  	_ =	shalt  }
0x7f: {  	_ =	shalt  }
0x80: {  	_ =	shalt  }
0x81: {  	_ =	shalt  }
0x82: {  	_ =	shalt  }
0x83: {  	_ =	shalt  }
0x84: {  	_ =	shalt  }
0x85: {  	_ =	shalt  }
0x86: {  	_ =	shalt  }
0x87: {  	_ =	shalt  }
.Lfunc_end0:
.L_simem_size_0:
called_computation_lowered:
.L_overlay_start_0:
0x88: {  	s2 =	sld [smem:$0x3FD9]  }
0x89: {  	s3 =	sld [smem:$0x3FFE];
	_ =	sdelay $0x1  }
0x8a: {  	s1 =	srdreg.scid  }
0x8b: {  	s0 =	sand.u32 $0x1, s1  }
0x8c: {  	s17 =	sshll.u32 s0, $0xA;
	s2 =	sadd.s32 s3, s2  }
0x8d: {  	s2 =	sadd.s32 s2, s17  }
0x8e: {  	[smem:$0x3FBE] =	sst s2  }
0x8f: {  	_ = 	snop  }
0x90: {  	s2 =	sld [smem:$0x3FD0];
	(tm) =	ssettm $0x1  }
0x91: {  	s18 =	sld [smem:$0x3FFB];
	_ =	sdelay $0x3  }
0x92: {  	_ =	strace s18  }
0x93: {  	s3 =	sld [smem:$0x3FFC];
	_ =	sdelay $0x3  }
0x94: {  	_ =	strace s3  }
0x95: {  	s3 =	sld [smem:$0x3FFD];
	_ =	sdelay $0x3  }
0x96: {  	_ =	strace s3  }
0x97: {  	_ =	strace $0x8FFFFFFF  }
0x98: {  	s19 =	sld [smem:$0x3FDB];
	_ =	sdelay $0x1  }
0x99: {  	s4 =	simm.s32 $_scs_section_size  }
0x9a: {  	s5 =	simm.s32 $_size__tile_overlayer_lowered;
	s6 =	simm.s32 $_tile_overlayer_lowered  }
0x9b: {  	s22 =	simm.s32 $0x1BFF;
	s21 =	sshll.u32 s6, $0x1;
	s3 =	sadd.s32 s4, s19  }
0x9c: {  	s7 =	simm.s32 $0x0;
	s20 =	sshll.u32 s5, $0x1;
	s5 =	sadd.s32 s21, s3  }
0x9d: {  	[timem:s7], [sflag:s22] =	dma.local [hbm:s5], s20  }
0x9e: {  	_ =	swait.ge [sflag:s22], s20  }
0x9f: {  	s4 =	ssub.s32 $0x0, s20;
	[sflag:s22] =	ssyncset.done $0x0  }
0xa0: {  	[sflag:s22] =	ssyncadd.s32 s4;
	_ =	sdelay $0x1  }
0xa1: {  	s23 =	simm.s32 $0x1B8B  }
0xa2: {  	_ =	swait.ge [sflag:s23], $0x1  }
0xa3: {  	[sflag:s23] =	ssyncset.done $0x0  }
0xa4: {  	s25 =	simm.s32 $0x1B8E;
	s24 =	sld [smem:$0x3FFE];
	[sflag:s23] =	ssyncadd.s32 $0xFFFFFFFF  }
0xa5: {  	s26 =	simm.s32 $execute0_lowered;
	[smem:$0x3FD2] =	sst s25  }
0xa6: {  	s5 =	sshll.u32 s26, $0x1;
	_ =	strace $0x80000046;
	[dreg:$0x1] =	wrdreg $0xFFFFFFFF  }
0xa7: {  	s28 =	simm.s32 $_size_execute0_lowered;
	s3 =	sadd.s32 s3, s5;
	[dreg:$0x0] =	wrdreg $0x0  }
0xa8: {  	s5 =	sshll.u32 s28, $0x1;
	[dreg:$0x2] =	wrdreg s3  }
0xa9: {  	[dreg:$0x3] =	wrdreg s5  }
0xaa: {  	[dreg:$0x4] =	wrdreg $0xC0  }
0xab: {  	_ =	task [dreg:s7], $0x5FFFF  }
0xac: {  	[dreg:$0x1] =	wrdreg $0xFFFFFFFF  }
0xad: {  	[dreg:$0x0] =	wrdreg $0x60  }
0xae: {  	[dreg:$0x2] =	wrdreg s2  }
0xaf: {  	[dreg:$0x3] =	wrdreg s24  }
0xb0: {  	[dreg:$0x4] =	wrdreg $0x54000  }
0xb1: {  	[dreg:$0x5] =	wrdreg $0x9  }
0xb2: {  	_ =	task.clear_ibuf [dreg:s7], $0x6FFFF;
	_ =	strace $0x90000046  }
0xb3: {  	s29 =	simm.s32 $0x9;
	_ =	strace $0x80000048  }
0xb4: {  	_ =	swait.ge [sflag:s29], $0x1  }
0xb5: {  	[sflag:s29] =	ssyncadd.s32 $0xFFFFFFFF  }
0xb6: {  	_ =	strace $0x90000048  }
0xb7: {  	_ =	sfence  }
0xb8: {  	s30 =	sld [smem:$0x0];
	_ =	sdelay $0x2  }
0xb9: {  	s31 =	sshll.u32 s1, $0xD;
	s1 =	sshrl.u32 s1, $0x2  }
0xba: {  	s3 =	sand.u32 $0x4000, s31;
	s1 =	sadd.s32 s1, s30  }
0xbb: {  	s0 =	sor.u32 s3, s0;
	s1 =	sshll.u32 s1, $0x11  }
0xbc: {  	s0 =	sor.u32 s1, s0  }
0xbd: {  	s0 =	sadd.s32 $0x8F2B, s0  }
0xbe: {  	[sflag:s0] =	ssyncadd.remote.s32 $0x1  }
0xbf: {  	_ =	sfence.sel $0xFFFF  }
0xc0: {  	[dreg:$0x0] =	wrdreg $0xFFFFFFFF;
	(pc) =	sbr.abs _section_cstart, $3  }
0xc1: {  	[dreg:$0x1] =	wrdreg $0xFFFFFFFF  }
0xc2: {  	_ =	task.clear_ibuf [dreg:s7], $0x2FFFF;
	_ =	strace $0x9FFFFFFF  }
0xc3: {  	(tm) =	ssettm $0x7FFFFFFF  }
tec
execute0_lowered:
.L_overlay_start_1:
0x0: {  	(tag) =	ssettag $0x1  }
0x1: {  	s6 =	rddreg [dreg:$0x0]  }
0x2: {  	s5 =	rddreg [dreg:$0x1]  }
0x3: {  	s2 =	rddreg [dreg:$0x2]  }
0x4: {  	s0 =	rddreg [dreg:$0x3];
	s3 =	simm.s32 $0x0;
	s1 =	stileid.u32  }
0x5: {  	s4 =	srdreg.scid;
	s13 =	simm.s32 $0x1400;
	s15 =	smul.u32 $0x2700, s1  }
0x6: {  	[smem:$0x7FF] =	sst s3;
	s4 =	sand.u32 $0x1, s4;
	s10 =	smul.u32 $0x4E000, s1  }
0x7: {  	p0 =	seq.s32 s1, $0xF;
	_ =	strace $0x80000047;
	s7 =	smul.u32 $0x27100, s4  }
0x8: {  	s9 =	ssub.s32 $0x2, s4;
	s4 =	sshll.u32 s4, $0x4;
	s12 =	sshll.u32 @!p0 s1, $0x6  }
0x9: {  	s8 =	sadd.s32 s15, s5;
	s11 =	sshrl.u32 s9, $0x1;
	s10 =	sshrl.u32 s10, $0x2  }
0xa: {  	s30 =	sor.u32 s1, s4;
	s7 =	sadd.s32 s7, s5;
	s9 =	ssub.s32 s9, s11  }
0xb: {  	s10 =	sadd.s32 s10, s2;
	s4 =	sadd.s32 $0x6A00, s8;
	s31 =	smul.u32 $0x280, s30  }
0xc: {  	s11 =	sadd.s32 $0x124800, s2;
	s5 =	sadd.s32 $0x2B300, s5;
	s16 =	sadd.s32 $0x2DC00, s7  }
0xd: {  	s7 =	smax.u32 s9, $0x1;
	s8 =	sshrl.u32 @p0 s11, $0x3;
	s9 =	sor.u32 @!p0 $0x1C01, s12  }
0xe: {  	s10 =	sshrl.u32 @!p0 s10, $0x3;
	s11 =	simm.s32 $0x1;
	s12 =	simm.s32 $0x80  }
0xf: {  	v0 =	vimm.f32 $1.000000000e+00;
	s6 =	sadd.s32 s6, s31;
	s14 =	sadd.s32 @p0 $0x24900, s16;
	s15 =	sadd.s32 @!p0 s15, s16  }
.LBB2_1:
0x10: {  	s16 =	simm.s32 $0x0;
	s17 =	simm.s32 $0x200  }
.LBB2_2:
0x11: {  	p1 =	sne.s32 s17, $0xFE00;
	[tilespmem:s16+$0x1470] =	vst v0  }
0x12: {  	[tilespmem:s16+$0x1400] =	vst v0  }
0x13: {  	[tilespmem:s16+$0x1410] =	vst v0  }
.Ltmp0:
0x14: {  	[tilespmem:s16+$0x1420] =	vst v0;
	(pc) =	sbr.rel @p1 .LBB2_2-.Ltmp0, $4  }
0x15: {  	[tilespmem:s16+$0x1430] =	vst v0  }
0x16: {  	[tilespmem:s16+$0x1440] =	vst v0  }
0x17: {  	[tilespmem:s16+$0x1450] =	vst v0  }
0x18: {  	[tilespmem:s16+$0x1460] =	vst v0;
	s16 =	sshra.s32 s17, $0x2;
	s17 =	sadd.s32 $0x200, s17  }
0x19: {  	[tilespmem:s16+$0x1470] =	vst v0  }
0x1a: {  	[tilespmem:s16+$0x1400] =	vst v0  }
0x1b: {  	[tilespmem:s16+$0x1410] =	vst v0  }
0x1c: {  	[tilespmem:s16+$0x1420] =	vst v0  }
0x1d: {  	[tilespmem:s16+$0x1430] =	vst v0  }
0x1e: {  	[tilespmem:s16+$0x1440] =	vst v0  }
0x1f: {  	[tilespmem:s16+$0x1450] =	vst v0  }
0x20: {  	[tilespmem:s16+$0x1460] =	vst v0;
	s16 =	simm.s32 @p0 $0x1FC1  }
0x21: {  	[spmem:s8], [sflag:s16] =	dma.local @p0 [hbm:s5], $0x2900  }
0x22: {  	s16 =	simm.s32 @p0 $0x1  }
0x23: {  	_ =	swait.ge @p0 [sflag:s16], $0x2900  }
0x24: {  	[sflag:s16] =	ssyncset.done @p0 $0x0  }
0x25: {  	[sflag:s16] =	ssyncadd.s32 @p0 $0xFFFFD700;
	s16 =	simm.s32 @!p0 $0x1  }
0x26: {  	[spmem:s10], [sflag:s9] =	dma.local @!p0 [hbm:s4], $0x2700  }
0x27: {  	_ =	swait.ge @!p0 [sflag:s16], $0x2700  }
0x28: {  	[sflag:s16] =	ssyncset.done @!p0 $0x0  }
0x29: {  	s30 =	simm.s32 $0x0;
	[sflag:s16] =	ssyncadd.s32 @!p0 $0xFFFFD900  }
0x2a: {  	[tilespmem:s30], [sflag:$0x1] =	stream.linear.gather [hbm4b:s6+s30], $0x1400, $0x38;
	[tilespmem:$0x18D00] =	vst v63  }
0x2b: {  	_ =	swait.ge [sflag:s11], $0x1400  }
0x2c: {  	[sflag:s11] =	ssyncset.done $0x0  }
0x2d: {  	[sflag:s11] =	ssyncadd.s32 $0xFFFFEC00  }
0x2e: {  	s31 =	simm.s32 $0x0;
	[bflag:$0x0] =	sbarrier.arrive $0xFFFF  }
0x2f: {  	[spmem:s2] =	stream.indirect.scatter.add.f32 [tilespmem:s13], [sflag:$0x1], $0x80, s31, s12, $0xb8;
	[tilespmem:$0x18D00] =	vst v63  }
0x30: {  	_ =	swait.ge [sflag:s11], $0x4000  }
0x31: {  	s16 =	simm.s32 $0x200;
	[sflag:s11] =	ssyncset.done $0x0  }
.LBB2_4:
0x32: {  	s17 =	sshra.s32 s16, $0x2;
	[sflag:s11] =	ssyncadd.s32 $0xFFFFC000;
	p1 =	sne.s32 s16, $0x4E00  }
0x33: {  	[spmem:s2] =	stream.indirect.scatter.add.f32 [tilespmem:s13], [sflag:$0x1], $0x80, s17, s12, $0xb8;
	[tilespmem:$0x18D00] =	vst v63  }
.Ltmp1:
0x34: {  	_ = 	snop;
	(pc) =	sbr.rel @p1 .LBB2_4-.Ltmp1, $4  }
0x35: {  	_ = 	snop  }
0x36: {  	s16 =	sadd.s32 $0x200, s16  }
0x37: {  	_ =	swait.ge [sflag:s11], $0x4000  }
0x38: {  	[sflag:s11] =	ssyncset.done $0x0  }
0x39: {  	[sflag:s11] =	ssyncadd.s32 $0xFFFFC000  }
0x3a: {  	s16 =	simm.s32 @p0 $0x1FC1;
	[bflag:$0x0] =	sbarrier.arrive $0xFFFF  }
0x3b: {  	[hbm:s14], [sflag:s16] =	dma.local @p0 [spmem:s8], $0x2800  }
0x3c: {  	s16 =	simm.s32 @p0 $0x1  }
0x3d: {  	s3 =	sadd.s32 $0x1, s3;
	_ =	swait.ge @p0 [sflag:s16], $0x2800  }
0x3e: {  	p1 =	sne.s32 s3, s7;
	[sflag:s16] =	ssyncset.done @p0 $0x0  }
.Ltmp2:
0x3f: {  	[sflag:s16] =	ssyncadd.s32 @p0 $0xFFFFD800;
	s16 =	simm.s32 @!p0 $0x1;
	(pc) =	sbr.rel @p1 .LBB2_1-.Ltmp2, $4  }
0x40: {  	[hbm:s15], [sflag:s9] =	dma.local @!p0 [spmem:s10], $0x2700  }
0x41: {  	_ =	swait.ge @!p0 [sflag:s16], $0x2700  }
0x42: {  	[sflag:s16] =	ssyncset.done @!p0 $0x0  }
0x43: {  	[sflag:s16] =	ssyncadd.s32 @!p0 $0xFFFFD900  }
0x44: {  	_ =	sfence.sel $0x180000  }
0x45: {  	[bflag:$0x0] =	sbarrier.arrive $0xFFFF  }
0x46: {  	p0 =	sne.s32 s1, $0x0;
	_ =	strace $0x90000047  }
0x47: {  	s0 =	sadd.s32 @!p0 $0x100000, s0;
	[bflag:$0x2] =	sbarrier.arrive $0xFFFF  }
0x48: {  	[sflag:s0] =	ssyncadd.tile.s32 @!p0 $0x1;
	_ =	shalt  }
.Lfunc_end2:
_tile_overlayer_lowered:
.L_overlay_start_2:
0x49: {  	(tag) =	ssettag $0x2  }
0x4a: {  	s0 =	rddreg [dreg:$0x0];
	s2 =	stileid.u32  }
0x4b: {  	s1 =	rddreg [dreg:$0x1];
	p0 =	sne.s32 s2, $0x0  }
0x4c: {  	s3 =	rddreg [dreg:$0x2];
	[bflag:$0x3] =	sbarrier.arrive $0xFFFF;
	s2 =	simm.s32 @!p0 $0x1C01  }
0x4d: {  	[timem:s3], [sflag:s2] =	dma.local @!p0 [hbm:s0], s1  }
0x4e: {  	s0 =	simm.s32 @!p0 $0x1  }
0x4f: {  	_ =	swait.ge @!p0 [sflag:s0], s1  }
0x50: {  	s1 =	ssub.s32 @!p0 $0x0, s1;
	[sflag:s0] =	ssyncset.done @!p0 $0x0  }
0x51: {  	[sflag:s0] =	ssyncadd.s32 @!p0 s1  }
0x52: {  	[bflag:$0x3] =	sbarrier.arrive $0xFFFF  }
0x53: {  	_ =	shalt  }

</sc_bundles>
